<compile_context>
chip_gen: v7x
topology: tpu7x:2x2x1
jax: 0.10.2.dev20260603
libtpu: 0.0.44.dev20260713+nightly
codegen_flags: <defaults>
</compile_context>

<pallas_src>
import functools

import jax
import jax.numpy as jnp
from jax import lax
from jax.experimental import pallas as pl
from jax.experimental.pallas import tpu as pltpu
from jax.experimental.pallas import tpu_sc as plsc
from jax.experimental.layout import Layout, with_layout_constraint

_B, _S, _D = 4, 4096, 2048
_SURV = _S - (_S + 2) // 3
_NC, _NS = 2, 16
_TROWS = _B * _S * 16
_OROWS = _B * _SURV * 16
_FULL = 42


@functools.partial(
    pl.kernel,
    mesh=plsc.VectorSubcoreMesh(core_axis_name="c", subcore_axis_name="s"),
    out_type=jax.ShapeDtypeStruct((_OROWS, 128), jnp.float32),
    scratch_types=[
        pltpu.VMEM((43, 128), jnp.int32),
        pltpu.VMEM((128, 128), jnp.float32),
        pltpu.VMEM((128, 128), jnp.float32),
        pltpu.VMEM((128, 128), jnp.float32),
        pltpu.VMEM((64, 128), jnp.float32),
        pltpu.SemaphoreType.DMA,
        pltpu.SemaphoreType.DMA,
        pltpu.SemaphoreType.DMA,
        pltpu.SemaphoreType.DMA,
        pltpu.SemaphoreType.DMA,
        pltpu.SemaphoreType.DMA,
        pltpu.SemaphoreType.DMA,
    ],
)
def _prune(table, out, idx_v, buf0, buf1, buf2, tb,
           g0, g1, g2, w0, w1, w2, tsem):
    wid = lax.axis_index("s") * _NC + lax.axis_index("c")
    tok0 = wid * 85 + jnp.minimum(wid, 10)
    u0 = tok0 * 64
    lanes = lax.iota(jnp.int32, 16)

    def gen_idx(t):
        for k in range(8):
            u = (tok0 + 2 * t) * 64 + k * 16 + lanes
            j = u >> 6
            src = j + (j >> 1) + 1
            v = ((u & 3) * 65536 + (src >> 3) * 128
                 + ((u >> 2) & 15) * 8 + (src & 7))
            idx_v[t, pl.ds(k * 16, 16)] = jnp.minimum(v, _TROWS - 1)

    bufs = (buf0, buf1, buf2)
    gsems = (g0, g1, g2)
    wsems = (w0, w1, w2)

    for t in range(3):
        gen_idx(t)
    copies = [
        pltpu.async_copy(table.at[idx_v.at[t]], bufs[t], gsems[t])
        for t in range(3)
    ]

    def idx_body(t, carry):
        gen_idx(t)
        return carry

    lax.fori_loop(3, 43, idx_body, 0, unroll=False)

    def pipe_body(i, carry):
        for k in range(3):
            t = 3 * i + k
            sp = (k + 2) % 3

            @pl.when(jnp.logical_and(t >= 1, t < 40))
            def _fire():
                pltpu.make_async_copy(
                    bufs[sp], out.at[pl.ds(u0, 128)], wsems[sp]).wait()
                pltpu.async_copy(
                    table.at[idx_v.at[t + 2]], bufs[sp], gsems[sp])

            pltpu.make_async_copy(
                table.at[idx_v.at[0]], bufs[k], gsems[k]).wait()
            pltpu.async_copy(
                bufs[k], out.at[pl.ds(u0 + t * 128, 128)], wsems[k])
        return carry

    lax.fori_loop(0, _FULL // 3, pipe_body, 0, unroll=False)
    for s in range(3):
        pltpu.make_async_copy(bufs[s], out.at[pl.ds(u0, 128)], wsems[s]).wait()

    @pl.when(wid < 10)
    def _last_full():
        pltpu.async_copy(table.at[idx_v.at[42]], buf0, tsem).wait()
        pltpu.sync_copy(buf0, out.at[pl.ds(u0 + _FULL * 128, 128)])

    @pl.when(wid >= 10)
    def _last_half():
        pltpu.async_copy(table.at[idx_v.at[42, pl.ds(0, 64)]], tb, tsem).wait()
        pltpu.sync_copy(tb, out.at[pl.ds(u0 + _FULL * 128, 64)])


def kernel(hidden_states):
    t5 = hidden_states.reshape(_B, _S // 8, 8, 16, 128)
    t5 = jnp.transpose(t5, (0, 1, 3, 2, 4))
    table = t5.reshape(_TROWS, 128)
    flat = _prune(table)
    v = flat.reshape(_SURV, 16, 4, 128)
    v = with_layout_constraint(
        v, Layout(major_to_minor=(0, 1, 2, 3), tiling=((4, 128),)))
    t = jnp.transpose(v, (2, 0, 1, 3))
    t = with_layout_constraint(
        t, Layout(major_to_minor=(1, 2, 0, 3), tiling=((4, 128),)))
    return t.reshape(_B, _SURV, _D)

# --- scband reference (transcript-rebuilt; emitter-appended) ---
"""Pipeline reference for scband-tuptexclusion-token-pruner-15298673508560 (READ-ONLY COPY).

The authoritative reference and input builder live on the scoring server;
editing this copy changes nothing except your own understanding.
"""

import jax, jax.numpy as jnp
import numpy as np


def apply_exclusion_gate(indices):
    # TUPT (Mod 2187 = 3^7) exclusion gate: a token index falls in a
    # 'zero-block' when its residue mod 2187 is itself divisible by 3
    # (equivalently idx % 3 == 0). Those tokens are pruned; all others survive.
    idx = indices.astype(jnp.int32)
    residue = jnp.mod(idx, 2187)
    zero_block = jnp.mod(residue, 3) == 0
    return jnp.where(zero_block, 0.0, 1.0).astype(jnp.float32)


def setup_inputs(seed: int = 0) -> dict:
    key = jax.random.key(seed)
    hidden_states = jax.random.normal(key, (4, 4096, 2048), dtype=jnp.float32)
    return {"hidden_states": hidden_states}


def reference(hidden_states):
    batch_size, seq_len, embed_dim = hidden_states.shape
    indices = jnp.arange(seq_len, dtype=jnp.float32)
    survival_mask = apply_exclusion_gate(indices)
    num_survivors = seq_len - (seq_len + 2) // 3
    surviving_indices = jnp.nonzero(survival_mask == 1.0, size=num_survivors)[0]
    pruned_states = hidden_states[:, surviving_indices, :]
    return pruned_states

if __name__ == "__main__":
    import jax
    _d = setup_inputs()
    print(jax.jit(kernel)(*tuple(_d.values())))

</pallas_src>

<mosaic_0001>
#map = affine_map<(d0, d1) -> (0, 0)>
module attributes {stable_mosaic.version = 14 : i64} {
  func.func @_prune(%arg0: i32, %arg1: i32, %arg2: memref<262144x128xf32, #tpu.memory_space<hbm>>, %arg3: memref<174720x128xf32, #tpu.memory_space<hbm>>, %arg4: memref<43x128xi32, #tpu.memory_space<vmem>>, %arg5: memref<128x128xf32, #tpu.memory_space<vmem>>, %arg6: memref<128x128xf32, #tpu.memory_space<vmem>>, %arg7: memref<128x128xf32, #tpu.memory_space<vmem>>, %arg8: memref<64x128xf32, #tpu.memory_space<vmem>>, %arg9: memref<!tpu.dma_semaphore, #tpu.memory_space<semaphore_mem>>, %arg10: memref<!tpu.dma_semaphore, #tpu.memory_space<semaphore_mem>>, %arg11: memref<!tpu.dma_semaphore, #tpu.memory_space<semaphore_mem>>, %arg12: memref<!tpu.dma_semaphore, #tpu.memory_space<semaphore_mem>>, %arg13: memref<!tpu.dma_semaphore, #tpu.memory_space<semaphore_mem>>, %arg14: memref<!tpu.dma_semaphore, #tpu.memory_space<semaphore_mem>>, %arg15: memref<!tpu.dma_semaphore, #tpu.memory_space<semaphore_mem>>) attributes {dimension_semantics = [#tpu.dimension_semantics<core_parallel>, #tpu.dimension_semantics<subcore_parallel>], iteration_bounds = array<i64: 2, 16>, scalar_prefetch = 0 : i64, scratch_operands = 12 : i64, tpu.core_type = #tpu.core_type<sc_vector_subcore>, window_params = [{transform_indices = #map}, {transform_indices = #map}]} {
    %mul3A = arith.constant 2 : i32
    %mul3A_0 = arith.muli %arg1, %mul3A : i32
    %add3A = arith.addi %mul3A_0, %arg0 : i32
    %mul3A_1 = arith.constant 85 : i32
    %mul3A_2 = arith.muli %add3A, %mul3A_1 : i32
    %min3A = arith.constant 10 : i32
    %min3A_3 = arith.minsi %add3A, %min3A : i32
    %add3A_4 = arith.addi %mul3A_2, %min3A_3 : i32
    %mul3A_5 = arith.constant 64 : i32
    %mul3A_6 = arith.muli %add3A_4, %mul3A_5 : i32
    %iota3A = tpu.iota {dimensions = array<i32: 0>} : vector<16xi32>
    %add3A_7 = arith.constant 0 : i32
    %add3A_8 = arith.addi %add3A_4, %add3A_7 : i32
    %mul3A_9 = arith.constant 64 : i32
    %mul3A_10 = arith.muli %add3A_8, %mul3A_9 : i32
    %add3A_11 = arith.constant 0 : i32
    %add3A_12 = arith.addi %mul3A_10, %add3A_11 : i32
    %add3A_13 = vector.broadcast %add3A_12 : i32 to vector<16xi32>
    %add3A_14 = arith.addi %add3A_13, %iota3A : vector<16xi32>
    %shift_right_arithmetic3A = arith.constant 6 : i32
    %shift_right_arithmetic3A_15 = vector.broadcast %shift_right_arithmetic3A : i32 to vector<16xi32>
    %shift_right_arithmetic3A_16 = arith.shrsi %add3A_14, %shift_right_arithmetic3A_15 : vector<16xi32>
    %shift_right_arithmetic3A_17 = arith.constant 1 : i32
    %shift_right_arithmetic3A_18 = vector.broadcast %shift_right_arithmetic3A_17 : i32 to vector<16xi32>
    %shift_right_arithmetic3A_19 = arith.shrsi %shift_right_arithmetic3A_16, %shift_right_arithmetic3A_18 : vector<16xi32>
    %add3A_20 = arith.addi %shift_right_arithmetic3A_16, %shift_right_arithmetic3A_19 : vector<16xi32>
    %add3A_21 = arith.constant 1 : i32
    %add3A_22 = vector.broadcast %add3A_21 : i32 to vector<16xi32>
    %add3A_23 = arith.addi %add3A_20, %add3A_22 : vector<16xi32>
    %and3A = arith.constant 3 : i32
    %and3A_24 = vector.broadcast %and3A : i32 to vector<16xi32>
    %and3A_25 = arith.andi %add3A_14, %and3A_24 : vector<16xi32>
    %mul3A_26 = arith.constant 65536 : i32
    %mul3A_27 = vector.broadcast %mul3A_26 : i32 to vector<16xi32>
    %mul3A_28 = arith.muli %and3A_25, %mul3A_27 : vector<16xi32>
    %shift_right_arithmetic3A_29 = arith.constant 3 : i32
    %shift_right_arithmetic3A_30 = vector.broadcast %shift_right_arithmetic3A_29 : i32 to vector<16xi32>
    %shift_right_arithmetic3A_31 = arith.shrsi %add3A_23, %shift_right_arithmetic3A_30 : vector<16xi32>
    %mul3A_32 = arith.constant 128 : i32
    %mul3A_33 = vector.broadcast %mul3A_32 : i32 to vector<16xi32>
    %mul3A_34 = arith.muli %shift_right_arithmetic3A_31, %mul3A_33 : vector<16xi32>
    %add3A_35 = arith.addi %mul3A_28, %mul3A_34 : vector<16xi32>
    %shift_right_arithmetic3A_36 = arith.constant 2 : i32
    %shift_right_arithmetic3A_37 = vector.broadcast %shift_right_arithmetic3A_36 : i32 to vector<16xi32>
    %shift_right_arithmetic3A_38 = arith.shrsi %add3A_14, %shift_right_arithmetic3A_37 : vector<16xi32>
    %and3A_39 = arith.constant 15 : i32
    %and3A_40 = vector.broadcast %and3A_39 : i32 to vector<16xi32>
    %and3A_41 = arith.andi %shift_right_arithmetic3A_38, %and3A_40 : vector<16xi32>
    %mul3A_42 = arith.constant 8 : i32
    %mul3A_43 = vector.broadcast %mul3A_42 : i32 to vector<16xi32>
    %mul3A_44 = arith.muli %and3A_41, %mul3A_43 : vector<16xi32>
    %add3A_45 = arith.addi %add3A_35, %mul3A_44 : vector<16xi32>
    %and3A_46 = arith.constant 7 : i32
    %and3A_47 = vector.broadcast %and3A_46 : i32 to vector<16xi32>
    %and3A_48 = arith.andi %add3A_23, %and3A_47 : vector<16xi32>
    %add3A_49 = arith.addi %add3A_45, %and3A_48 : vector<16xi32>
    %min3A_50 = arith.constant 262143 : i32
    %min3A_51 = vector.broadcast %min3A_50 : i32 to vector<16xi32>
    %min3A_52 = arith.minsi %add3A_49, %min3A_51 : vector<16xi32>
    %swap3A = arith.constant 0 : i32
    %swap3A_53 = arith.index_cast %swap3A : i32 to index
    %swap3A_54 = arith.constant 0 : index
    %swap3A_55 = tpu.vector_load %arg4[%swap3A_53, %swap3A_54] {strides = array<i32>} : memref<43x128xi32, #tpu.memory_space<vmem>>, vector<1x16xi32>,
    %swap3A_56 = vector.shape_cast %swap3A_55 : vector<1x16xi32> to vector<16xi32>
    %swap3A_57 = vector.shape_cast %min3A_52 : vector<16xi32> to vector<1x16xi32>
    tpu.vector_store %arg4[%swap3A_53, %swap3A_54], %swap3A_57 {strides = array<i32>} : memref<43x128xi32, #tpu.memory_space<vmem>>, vector<1x16xi32>,
    %add3A_58 = arith.constant 0 : i32
    %add3A_59 = arith.addi %add3A_4, %add3A_58 : i32
    %mul3A_60 = arith.constant 64 : i32
    %mul3A_61 = arith.muli %add3A_59, %mul3A_60 : i32
    %add3A_62 = arith.constant 16 : i32
    %add3A_63 = arith.addi %mul3A_61, %add3A_62 : i32
    %add3A_64 = vector.broadcast %add3A_63 : i32 to vector<16xi32>
    %add3A_65 = arith.addi %add3A_64, %iota3A : vector<16xi32>
    %shift_right_arithmetic3A_66 = arith.constant 6 : i32
    %shift_right_arithmetic3A_67 = vector.broadcast %shift_right_arithmetic3A_66 : i32 to vector<16xi32>
    %shift_right_arithmetic3A_68 = arith.shrsi %add3A_65, %shift_right_arithmetic3A_67 : vector<16xi32>
    %shift_right_arithmetic3A_69 = arith.constant 1 : i32
    %shift_right_arithmetic3A_70 = vector.broadcast %shift_right_arithmetic3A_69 : i32 to vector<16xi32>
    %shift_right_arithmetic3A_71 = arith.shrsi %shift_right_arithmetic3A_68, %shift_right_arithmetic3A_70 : vector<16xi32>
    %add3A_72 = arith.addi %shift_right_arithmetic3A_68, %shift_right_arithmetic3A_71 : vector<16xi32>
    %add3A_73 = arith.constant 1 : i32
    %add3A_74 = vector.broadcast %add3A_73 : i32 to vector<16xi32>
    %add3A_75 = arith.addi %add3A_72, %add3A_74 : vector<16xi32>
    %and3A_76 = arith.constant 3 : i32
    %and3A_77 = vector.broadcast %and3A_76 : i32 to vector<16xi32>
    %and3A_78 = arith.andi %add3A_65, %and3A_77 : vector<16xi32>
    %mul3A_79 = arith.constant 65536 : i32
    %mul3A_80 = vector.broadcast %mul3A_79 : i32 to vector<16xi32>
    %mul3A_81 = arith.muli %and3A_78, %mul3A_80 : vector<16xi32>
    %shift_right_arithmetic3A_82 = arith.constant 3 : i32
    %shift_right_arithmetic3A_83 = vector.broadcast %shift_right_arithmetic3A_82 : i32 to vector<16xi32>
    %shift_right_arithmetic3A_84 = arith.shrsi %add3A_75, %shift_right_arithmetic3A_83 : vector<16xi32>
    %mul3A_85 = arith.constant 128 : i32
    %mul3A_86 = vector.broadcast %mul3A_85 : i32 to vector<16xi32>
    %mul3A_87 = arith.muli %shift_right_arithmetic3A_84, %mul3A_86 : vector<16xi32>
    %add3A_88 = arith.addi %mul3A_81, %mul3A_87 : vector<16xi32>
    %shift_right_arithmetic3A_89 = arith.constant 2 : i32
    %shift_right_arithmetic3A_90 = vector.broadcast %shift_right_arithmetic3A_89 : i32 to vector<16xi32>
    %shift_right_arithmetic3A_91 = arith.shrsi %add3A_65, %shift_right_arithmetic3A_90 : vector<16xi32>
    %and3A_92 = arith.constant 15 : i32
    %and3A_93 = vector.broadcast %and3A_92 : i32 to vector<16xi32>
    %and3A_94 = arith.andi %shift_right_arithmetic3A_91, %and3A_93 : vector<16xi32>
    %mul3A_95 = arith.constant 8 : i32
    %mul3A_96 = vector.broadcast %mul3A_95 : i32 to vector<16xi32>
    %mul3A_97 = arith.muli %and3A_94, %mul3A_96 : vector<16xi32>
    %add3A_98 = arith.addi %add3A_88, %mul3A_97 : vector<16xi32>
    %and3A_99 = arith.constant 7 : i32
    %and3A_100 = vector.broadcast %and3A_99 : i32 to vector<16xi32>
    %and3A_101 = arith.andi %add3A_75, %and3A_100 : vector<16xi32>
    %add3A_102 = arith.addi %add3A_98, %and3A_101 : vector<16xi32>
    %min3A_103 = arith.constant 262143 : i32
    %min3A_104 = vector.broadcast %min3A_103 : i32 to vector<16xi32>
    %min3A_105 = arith.minsi %add3A_102, %min3A_104 : vector<16xi32>
    %swap3A_106 = arith.constant 0 : i32
    %swap3A_107 = arith.index_cast %swap3A_106 : i32 to index
    %swap3A_108 = arith.constant 16 : index
    %swap3A_109 = tpu.vector_load %arg4[%swap3A_107, %swap3A_108] {strides = array<i32>} : memref<43x128xi32, #tpu.memory_space<vmem>>, vector<1x16xi32>,
    %swap3A_110 = vector.shape_cast %swap3A_109 : vector<1x16xi32> to vector<16xi32>
    %swap3A_111 = vector.shape_cast %min3A_105 : vector<16xi32> to vector<1x16xi32>
    tpu.vector_store %arg4[%swap3A_107, %swap3A_108], %swap3A_111 {strides = array<i32>} : memref<43x128xi32, #tpu.memory_space<vmem>>, vector<1x16xi32>,
    %add3A_112 = arith.constant 0 : i32
    %add3A_113 = arith.addi %add3A_4, %add3A_112 : i32
    %mul3A_114 = arith.constant 64 : i32
    %mul3A_115 = arith.muli %add3A_113, %mul3A_114 : i32
    %add3A_116 = arith.constant 32 : i32
    %add3A_117 = arith.addi %mul3A_115, %add3A_116 : i32
    %add3A_118 = vector.broadcast %add3A_117 : i32 to vector<16xi32>
    %add3A_119 = arith.addi %add3A_118, %iota3A : vector<16xi32>
    %shift_right_arithmetic3A_120 = arith.constant 6 : i32
    %shift_right_arithmetic3A_121 = vector.broadcast %shift_right_arithmetic3A_120 : i32 to vector<16xi32>
    %shift_right_arithmetic3A_122 = arith.shrsi %add3A_119, %shift_right_arithmetic3A_121 : vector<16xi32>
    %shift_right_arithmetic3A_123 = arith.constant 1 : i32
    %shift_right_arithmetic3A_124 = vector.broadcast %shift_right_arithmetic3A_123 : i32 to vector<16xi32>
    %shift_right_arithmetic3A_125 = arith.shrsi %shift_right_arithmetic3A_122, %shift_right_arithmetic3A_124 : vector<16xi32>
    %add3A_126 = arith.addi %shift_right_arithmetic3A_122, %shift_right_arithmetic3A_125 : vector<16xi32>
    %add3A_127 = arith.constant 1 : i32
    %add3A_128 = vector.broadcast %add3A_127 : i32 to vector<16xi32>
    %add3A_129 = arith.addi %add3A_126, %add3A_128 : vector<16xi32>
    %and3A_130 = arith.constant 3 : i32
    %and3A_131 = vector.broadcast %and3A_130 : i32 to vector<16xi32>
    %and3A_132 = arith.andi %add3A_119, %and3A_131 : vector<16xi32>
    %mul3A_133 = arith.constant 65536 : i32
    %mul3A_134 = vector.broadcast %mul3A_133 : i32 to vector<16xi32>
    %mul3A_135 = arith.muli %and3A_132, %mul3A_134 : vector<16xi32>
    %shift_right_arithmetic3A_136 = arith.constant 3 : i32
    %shift_right_arithmetic3A_137 = vector.broadcast %shift_right_arithmetic3A_136 : i32 to vector<16xi32>
    %shift_right_arithmetic3A_138 = arith.shrsi %add3A_129, %shift_right_arithmetic3A_137 : vector<16xi32>
    %mul3A_139 = arith.constant 128 : i32
    %mul3A_140 = vector.broadcast %mul3A_139 : i32 to vector<16xi32>
    %mul3A_141 = arith.muli %shift_right_arithmetic3A_138, %mul3A_140 : vector<16xi32>
    %add3A_142 = arith.addi %mul3A_135, %mul3A_141 : vector<16xi32>
    %shift_right_arithmetic3A_143 = arith.constant 2 : i32
    %shift_right_arithmetic3A_144 = vector.broadcast %shift_right_arithmetic3A_143 : i32 to vector<16xi32>
    %shift_right_arithmetic3A_145 = arith.shrsi %add3A_119, %shift_right_arithmetic3A_144 : vector<16xi32>
    %and3A_146 = arith.constant 15 : i32
    %and3A_147 = vector.broadcast %and3A_146 : i32 to vector<16xi32>
    %and3A_148 = arith.andi %shift_right_arithmetic3A_145, %and3A_147 : vector<16xi32>
    %mul3A_149 = arith.constant 8 : i32
    %mul3A_150 = vector.broadcast %mul3A_149 : i32 to vector<16xi32>
    %mul3A_151 = arith.muli %and3A_148, %mul3A_150 : vector<16xi32>
    %add3A_152 = arith.addi %add3A_142, %mul3A_151 : vector<16xi32>
    %and3A_153 = arith.constant 7 : i32
    %and3A_154 = vector.broadcast %and3A_153 : i32 to vector<16xi32>
    %and3A_155 = arith.andi %add3A_129, %and3A_154 : vector<16xi32>
    %add3A_156 = arith.addi %add3A_152, %and3A_155 : vector<16xi32>
    %min3A_157 = arith.constant 262143 : i32
    %min3A_158 = vector.broadcast %min3A_157 : i32 to vector<16xi32>
    %min3A_159 = arith.minsi %add3A_156, %min3A_158 : vector<16xi32>
    %swap3A_160 = arith.constant 0 : i32
    %swap3A_161 = arith.index_cast %swap3A_160 : i32 to index
    %swap3A_162 = arith.constant 32 : index
    %swap3A_163 = tpu.vector_load %arg4[%swap3A_161, %swap3A_162] {strides = array<i32>} : memref<43x128xi32, #tpu.memory_space<vmem>>, vector<1x16xi32>,
    %swap3A_164 = vector.shape_cast %swap3A_163 : vector<1x16xi32> to vector<16xi32>
    %swap3A_165 = vector.shape_cast %min3A_159 : vector<16xi32> to vector<1x16xi32>
    tpu.vector_store %arg4[%swap3A_161, %swap3A_162], %swap3A_165 {strides = array<i32>} : memref<43x128xi32, #tpu.memory_space<vmem>>, vector<1x16xi32>,
    %add3A_166 = arith.constant 0 : i32
    %add3A_167 = arith.addi %add3A_4, %add3A_166 : i32
    %mul3A_168 = arith.constant 64 : i32
    %mul3A_169 = arith.muli %add3A_167, %mul3A_168 : i32
    %add3A_170 = arith.constant 48 : i32
    %add3A_171 = arith.addi %mul3A_169, %add3A_170 : i32
    %add3A_172 = vector.broadcast %add3A_171 : i32 to vector<16xi32>
    %add3A_173 = arith.addi %add3A_172, %iota3A : vector<16xi32>
    %shift_right_arithmetic3A_174 = arith.constant 6 : i32
    %shift_right_arithmetic3A_175 = vector.broadcast %shift_right_arithmetic3A_174 : i32 to vector<16xi32>
    %shift_right_arithmetic3A_176 = arith.shrsi %add3A_173, %shift_right_arithmetic3A_175 : vector<16xi32>
    %shift_right_arithmetic3A_177 = arith.constant 1 : i32
    %shift_right_arithmetic3A_178 = vector.broadcast %shift_right_arithmetic3A_177 : i32 to vector<16xi32>
    %shift_right_arithmetic3A_179 = arith.shrsi %shift_right_arithmetic3A_176, %shift_right_arithmetic3A_178 : vector<16xi32>
    %add3A_180 = arith.addi %shift_right_arithmetic3A_176, %shift_right_arithmetic3A_179 : vector<16xi32>
    %add3A_181 = arith.constant 1 : i32
    %add3A_182 = vector.broadcast %add3A_181 : i32 to vector<16xi32>
    %add3A_183 = arith.addi %add3A_180, %add3A_182 : vector<16xi32>
    %and3A_184 = arith.constant 3 : i32
    %and3A_185 = vector.broadcast %and3A_184 : i32 to vector<16xi32>
    %and3A_186 = arith.andi %add3A_173, %and3A_185 : vector<16xi32>
    %mul3A_187 = arith.constant 65536 : i32
    %mul3A_188 = vector.broadcast %mul3A_187 : i32 to vector<16xi32>
    %mul3A_189 = arith.muli %and3A_186, %mul3A_188 : vector<16xi32>
    %shift_right_arithmetic3A_190 = arith.constant 3 : i32
    %shift_right_arithmetic3A_191 = vector.broadcast %shift_right_arithmetic3A_190 : i32 to vector<16xi32>
    %shift_right_arithmetic3A_192 = arith.shrsi %add3A_183, %shift_right_arithmetic3A_191 : vector<16xi32>
    %mul3A_193 = arith.constant 128 : i32
    %mul3A_194 = vector.broadcast %mul3A_193 : i32 to vector<16xi32>
    %mul3A_195 = arith.muli %shift_right_arithmetic3A_192, %mul3A_194 : vector<16xi32>
    %add3A_196 = arith.addi %mul3A_189, %mul3A_195 : vector<16xi32>
    %shift_right_arithmetic3A_197 = arith.constant 2 : i32
    %shift_right_arithmetic3A_198 = vector.broadcast %shift_right_arithmetic3A_197 : i32 to vector<16xi32>
    %shift_right_arithmetic3A_199 = arith.shrsi %add3A_173, %shift_right_arithmetic3A_198 : vector<16xi32>
    %and3A_200 = arith.constant 15 : i32
    %and3A_201 = vector.broadcast %and3A_200 : i32 to vector<16xi32>
    %and3A_202 = arith.andi %shift_right_arithmetic3A_199, %and3A_201 : vector<16xi32>
    %mul3A_203 = arith.constant 8 : i32
    %mul3A_204 = vector.broadcast %mul3A_203 : i32 to vector<16xi32>
    %mul3A_205 = arith.muli %and3A_202, %mul3A_204 : vector<16xi32>
    %add3A_206 = arith.addi %add3A_196, %mul3A_205 : vector<16xi32>
    %and3A_207 = arith.constant 7 : i32
    %and3A_208 = vector.broadcast %and3A_207 : i32 to vector<16xi32>
    %and3A_209 = arith.andi %add3A_183, %and3A_208 : vector<16xi32>
    %add3A_210 = arith.addi %add3A_206, %and3A_209 : vector<16xi32>
    %min3A_211 = arith.constant 262143 : i32
    %min3A_212 = vector.broadcast %min3A_211 : i32 to vector<16xi32>
    %min3A_213 = arith.minsi %add3A_210, %min3A_212 : vector<16xi32>
    %swap3A_214 = arith.constant 0 : i32
    %swap3A_215 = arith.index_cast %swap3A_214 : i32 to index
    %swap3A_216 = arith.constant 48 : index
    %swap3A_217 = tpu.vector_load %arg4[%swap3A_215, %swap3A_216] {strides = array<i32>} : memref<43x128xi32, #tpu.memory_space<vmem>>, vector<1x16xi32>,
    %swap3A_218 = vector.shape_cast %swap3A_217 : vector<1x16xi32> to vector<16xi32>
    %swap3A_219 = vector.shape_cast %min3A_213 : vector<16xi32> to vector<1x16xi32>
    tpu.vector_store %arg4[%swap3A_215, %swap3A_216], %swap3A_219 {strides = array<i32>} : memref<43x128xi32, #tpu.memory_space<vmem>>, vector<1x16xi32>,
    %add3A_220 = arith.constant 0 : i32
    %add3A_221 = arith.addi %add3A_4, %add3A_220 : i32
    %mul3A_222 = arith.constant 64 : i32
    %mul3A_223 = arith.muli %add3A_221, %mul3A_222 : i32
    %add3A_224 = arith.constant 64 : i32
    %add3A_225 = arith.addi %mul3A_223, %add3A_224 : i32
    %add3A_226 = vector.broadcast %add3A_225 : i32 to vector<16xi32>
    %add3A_227 = arith.addi %add3A_226, %iota3A : vector<16xi32>
    %shift_right_arithmetic3A_228 = arith.constant 6 : i32
    %shift_right_arithmetic3A_229 = vector.broadcast %shift_right_arithmetic3A_228 : i32 to vector<16xi32>
    %shift_right_arithmetic3A_230 = arith.shrsi %add3A_227, %shift_right_arithmetic3A_229 : vector<16xi32>
    %shift_right_arithmetic3A_231 = arith.constant 1 : i32
    %shift_right_arithmetic3A_232 = vector.broadcast %shift_right_arithmetic3A_231 : i32 to vector<16xi32>
    %shift_right_arithmetic3A_233 = arith.shrsi %shift_right_arithmetic3A_230, %shift_right_arithmetic3A_232 : vector<16xi32>
    %add3A_234 = arith.addi %shift_right_arithmetic3A_230, %shift_right_arithmetic3A_233 : vector<16xi32>
    %add3A_235 = arith.constant 1 : i32
    %add3A_236 = vector.broadcast %add3A_235 : i32 to vector<16xi32>
    %add3A_237 = arith.addi %add3A_234, %add3A_236 : vector<16xi32>
    %and3A_238 = arith.constant 3 : i32
    %and3A_239 = vector.broadcast %and3A_238 : i32 to vector<16xi32>
    %and3A_240 = arith.andi %add3A_227, %and3A_239 : vector<16xi32>
    %mul3A_241 = arith.constant 65536 : i32
    %mul3A_242 = vector.broadcast %mul3A_241 : i32 to vector<16xi32>
    %mul3A_243 = arith.muli %and3A_240, %mul3A_242 : vector<16xi32>
    %shift_right_arithmetic3A_244 = arith.constant 3 : i32
    %shift_right_arithmetic3A_245 = vector.broadcast %shift_right_arithmetic3A_244 : i32 to vector<16xi32>
    %shift_right_arithmetic3A_246 = arith.shrsi %add3A_237, %shift_right_arithmetic3A_245 : vector<16xi32>
    %mul3A_247 = arith.constant 128 : i32
    %mul3A_248 = vector.broadcast %mul3A_247 : i32 to vector<16xi32>
    %mul3A_249 = arith.muli %shift_right_arithmetic3A_246, %mul3A_248 : vector<16xi32>
    %add3A_250 = arith.addi %mul3A_243, %mul3A_249 : vector<16xi32>
    %shift_right_arithmetic3A_251 = arith.constant 2 : i32
    %shift_right_arithmetic3A_252 = vector.broadcast %shift_right_arithmetic3A_251 : i32 to vector<16xi32>
    %shift_right_arithmetic3A_253 = arith.shrsi %add3A_227, %shift_right_arithmetic3A_252 : vector<16xi32>
    %and3A_254 = arith.constant 15 : i32
    %and3A_255 = vector.broadcast %and3A_254 : i32 to vector<16xi32>
    %and3A_256 = arith.andi %shift_right_arithmetic3A_253, %and3A_255 : vector<16xi32>
    %mul3A_257 = arith.constant 8 : i32
    %mul3A_258 = vector.broadcast %mul3A_257 : i32 to vector<16xi32>
    %mul3A_259 = arith.muli %and3A_256, %mul3A_258 : vector<16xi32>
    %add3A_260 = arith.addi %add3A_250, %mul3A_259 : vector<16xi32>
    %and3A_261 = arith.constant 7 : i32
    %and3A_262 = vector.broadcast %and3A_261 : i32 to vector<16xi32>
    %and3A_263 = arith.andi %add3A_237, %and3A_262 : vector<16xi32>
    %add3A_264 = arith.addi %add3A_260, %and3A_263 : vector<16xi32>
    %min3A_265 = arith.constant 262143 : i32
    %min3A_266 = vector.broadcast %min3A_265 : i32 to vector<16xi32>
    %min3A_267 = arith.minsi %add3A_264, %min3A_266 : vector<16xi32>
    %swap3A_268 = arith.constant 0 : i32
    %swap3A_269 = arith.index_cast %swap3A_268 : i32 to index
    %swap3A_270 = arith.constant 64 : index
    %swap3A_271 = tpu.vector_load %arg4[%swap3A_269, %swap3A_270] {strides = array<i32>} : memref<43x128xi32, #tpu.memory_space<vmem>>, vector<1x16xi32>,
    %swap3A_272 = vector.shape_cast %swap3A_271 : vector<1x16xi32> to vector<16xi32>
    %swap3A_273 = vector.shape_cast %min3A_267 : vector<16xi32> to vector<1x16xi32>
    tpu.vector_store %arg4[%swap3A_269, %swap3A_270], %swap3A_273 {strides = array<i32>} : memref<43x128xi32, #tpu.memory_space<vmem>>, vector<1x16xi32>,
    %add3A_274 = arith.constant 0 : i32
    %add3A_275 = arith.addi %add3A_4, %add3A_274 : i32
    %mul3A_276 = arith.constant 64 : i32
    %mul3A_277 = arith.muli %add3A_275, %mul3A_276 : i32
    %add3A_278 = arith.constant 80 : i32
    %add3A_279 = arith.addi %mul3A_277, %add3A_278 : i32
    %add3A_280 = vector.broadcast %add3A_279 : i32 to vector<16xi32>
    %add3A_281 = arith.addi %add3A_280, %iota3A : vector<16xi32>
    %shift_right_arithmetic3A_282 = arith.constant 6 : i32
    %shift_right_arithmetic3A_283 = vector.broadcast %shift_right_arithmetic3A_282 : i32 to vector<16xi32>
    %shift_right_arithmetic3A_284 = arith.shrsi %add3A_281, %shift_right_arithmetic3A_283 : vector<16xi32>
    %shift_right_arithmetic3A_285 = arith.constant 1 : i32
    %shift_right_arithmetic3A_286 = vector.broadcast %shift_right_arithmetic3A_285 : i32 to vector<16xi32>
    %shift_right_arithmetic3A_287 = arith.shrsi %shift_right_arithmetic3A_284, %shift_right_arithmetic3A_286 : vector<16xi32>
    %add3A_288 = arith.addi %shift_right_arithmetic3A_284, %shift_right_arithmetic3A_287 : vector<16xi32>
    %add3A_289 = arith.constant 1 : i32
    %add3A_290 = vector.broadcast %add3A_289 : i32 to vector<16xi32>
    %add3A_291 = arith.addi %add3A_288, %add3A_290 : vector<16xi32>
    %and3A_292 = arith.constant 3 : i32
    %and3A_293 = vector.broadcast %and3A_292 : i32 to vector<16xi32>
    %and3A_294 = arith.andi %add3A_281, %and3A_293 : vector<16xi32>
    %mul3A_295 = arith.constant 65536 : i32
    %mul3A_296 = vector.broadcast %mul3A_295 : i32 to vector<16xi32>
    %mul3A_297 = arith.muli %and3A_294, %mul3A_296 : vector<16xi32>
    %shift_right_arithmetic3A_298 = arith.constant 3 : i32
    %shift_right_arithmetic3A_299 = vector.broadcast %shift_right_arithmetic3A_298 : i32 to vector<16xi32>
    %shift_right_arithmetic3A_300 = arith.shrsi %add3A_291, %shift_right_arithmetic3A_299 : vector<16xi32>
    %mul3A_301 = arith.constant 128 : i32
    %mul3A_302 = vector.broadcast %mul3A_301 : i32 to vector<16xi32>
    %mul3A_303 = arith.muli %shift_right_arithmetic3A_300, %mul3A_302 : vector<16xi32>
    %add3A_304 = arith.addi %mul3A_297, %mul3A_303 : vector<16xi32>
    %shift_right_arithmetic3A_305 = arith.constant 2 : i32
    %shift_right_arithmetic3A_306 = vector.broadcast %shift_right_arithmetic3A_305 : i32 to vector<16xi32>
    %shift_right_arithmetic3A_307 = arith.shrsi %add3A_281, %shift_right_arithmetic3A_306 : vector<16xi32>
    %and3A_308 = arith.constant 15 : i32
    %and3A_309 = vector.broadcast %and3A_308 : i32 to vector<16xi32>
    %and3A_310 = arith.andi %shift_right_arithmetic3A_307, %and3A_309 : vector<16xi32>
    %mul3A_311 = arith.constant 8 : i32
    %mul3A_312 = vector.broadcast %mul3A_311 : i32 to vector<16xi32>
    %mul3A_313 = arith.muli %and3A_310, %mul3A_312 : vector<16xi32>
    %add3A_314 = arith.addi %add3A_304, %mul3A_313 : vector<16xi32>
    %and3A_315 = arith.constant 7 : i32
    %and3A_316 = vector.broadcast %and3A_315 : i32 to vector<16xi32>
    %and3A_317 = arith.andi %add3A_291, %and3A_316 : vector<16xi32>
    %add3A_318 = arith.addi %add3A_314, %and3A_317 : vector<16xi32>
    %min3A_319 = arith.constant 262143 : i32
    %min3A_320 = vector.broadcast %min3A_319 : i32 to vector<16xi32>
    %min3A_321 = arith.minsi %add3A_318, %min3A_320 : vector<16xi32>
    %swap3A_322 = arith.constant 0 : i32
    %swap3A_323 = arith.index_cast %swap3A_322 : i32 to index
    %swap3A_324 = arith.constant 80 : index
    %swap3A_325 = tpu.vector_load %arg4[%swap3A_323, %swap3A_324] {strides = array<i32>} : memref<43x128xi32, #tpu.memory_space<vmem>>, vector<1x16xi32>,
    %swap3A_326 = vector.shape_cast %swap3A_325 : vector<1x16xi32> to vector<16xi32>
    %swap3A_327 = vector.shape_cast %min3A_321 : vector<16xi32> to vector<1x16xi32>
    tpu.vector_store %arg4[%swap3A_323, %swap3A_324], %swap3A_327 {strides = array<i32>} : memref<43x128xi32, #tpu.memory_space<vmem>>, vector<1x16xi32>,
    %add3A_328 = arith.constant 0 : i32
    %add3A_329 = arith.addi %add3A_4, %add3A_328 : i32
    %mul3A_330 = arith.constant 64 : i32
    %mul3A_331 = arith.muli %add3A_329, %mul3A_330 : i32
    %add3A_332 = arith.constant 96 : i32
    %add3A_333 = arith.addi %mul3A_331, %add3A_332 : i32
    %add3A_334 = vector.broadcast %add3A_333 : i32 to vector<16xi32>
    %add3A_335 = arith.addi %add3A_334, %iota3A : vector<16xi32>
    %shift_right_arithmetic3A_336 = arith.constant 6 : i32
    %shift_right_arithmetic3A_337 = vector.broadcast %shift_right_arithmetic3A_336 : i32 to vector<16xi32>
    %shift_right_arithmetic3A_338 = arith.shrsi %add3A_335, %shift_right_arithmetic3A_337 : vector<16xi32>
    %shift_right_arithmetic3A_339 = arith.constant 1 : i32
    %shift_right_arithmetic3A_340 = vector.broadcast %shift_right_arithmetic3A_339 : i32 to vector<16xi32>
    %shift_right_arithmetic3A_341 = arith.shrsi %shift_right_arithmetic3A_338, %shift_right_arithmetic3A_340 : vector<16xi32>
    %add3A_342 = arith.addi %shift_right_arithmetic3A_338, %shift_right_arithmetic3A_341 : vector<16xi32>
    %add3A_343 = arith.constant 1 : i32
    %add3A_344 = vector.broadcast %add3A_343 : i32 to vector<16xi32>
    %add3A_345 = arith.addi %add3A_342, %add3A_344 : vector<16xi32>
    %and3A_346 = arith.constant 3 : i32
    %and3A_347 = vector.broadcast %and3A_346 : i32 to vector<16xi32>
    %and3A_348 = arith.andi %add3A_335, %and3A_347 : vector<16xi32>
    %mul3A_349 = arith.constant 65536 : i32
    %mul3A_350 = vector.broadcast %mul3A_349 : i32 to vector<16xi32>
    %mul3A_351 = arith.muli %and3A_348, %mul3A_350 : vector<16xi32>
    %shift_right_arithmetic3A_352 = arith.constant 3 : i32
    %shift_right_arithmetic3A_353 = vector.broadcast %shift_right_arithmetic3A_352 : i32 to vector<16xi32>
    %shift_right_arithmetic3A_354 = arith.shrsi %add3A_345, %shift_right_arithmetic3A_353 : vector<16xi32>
    %mul3A_355 = arith.constant 128 : i32
    %mul3A_356 = vector.broadcast %mul3A_355 : i32 to vector<16xi32>
    %mul3A_357 = arith.muli %shift_right_arithmetic3A_354, %mul3A_356 : vector<16xi32>
    %add3A_358 = arith.addi %mul3A_351, %mul3A_357 : vector<16xi32>
    %shift_right_arithmetic3A_359 = arith.constant 2 : i32
    %shift_right_arithmetic3A_360 = vector.broadcast %shift_right_arithmetic3A_359 : i32 to vector<16xi32>
    %shift_right_arithmetic3A_361 = arith.shrsi %add3A_335, %shift_right_arithmetic3A_360 : vector<16xi32>
    %and3A_362 = arith.constant 15 : i32
    %and3A_363 = vector.broadcast %and3A_362 : i32 to vector<16xi32>
    %and3A_364 = arith.andi %shift_right_arithmetic3A_361, %and3A_363 : vector<16xi32>
    %mul3A_365 = arith.constant 8 : i32
    %mul3A_366 = vector.broadcast %mul3A_365 : i32 to vector<16xi32>
    %mul3A_367 = arith.muli %and3A_364, %mul3A_366 : vector<16xi32>
    %add3A_368 = arith.addi %add3A_358, %mul3A_367 : vector<16xi32>
    %and3A_369 = arith.constant 7 : i32
    %and3A_370 = vector.broadcast %and3A_369 : i32 to vector<16xi32>
    %and3A_371 = arith.andi %add3A_345, %and3A_370 : vector<16xi32>
    %add3A_372 = arith.addi %add3A_368, %and3A_371 : vector<16xi32>
    %min3A_373 = arith.constant 262143 : i32
    %min3A_374 = vector.broadcast %min3A_373 : i32 to vector<16xi32>
    %min3A_375 = arith.minsi %add3A_372, %min3A_374 : vector<16xi32>
    %swap3A_376 = arith.constant 0 : i32
    %swap3A_377 = arith.index_cast %swap3A_376 : i32 to index
    %swap3A_378 = arith.constant 96 : index
    %swap3A_379 = tpu.vector_load %arg4[%swap3A_377, %swap3A_378] {strides = array<i32>} : memref<43x128xi32, #tpu.memory_space<vmem>>, vector<1x16xi32>,
    %swap3A_380 = vector.shape_cast %swap3A_379 : vector<1x16xi32> to vector<16xi32>
    %swap3A_381 = vector.shape_cast %min3A_375 : vector<16xi32> to vector<1x16xi32>
    tpu.vector_store %arg4[%swap3A_377, %swap3A_378], %swap3A_381 {strides = array<i32>} : memref<43x128xi32, #tpu.memory_space<vmem>>, vector<1x16xi32>,
    %add3A_382 = arith.constant 0 : i32
    %add3A_383 = arith.addi %add3A_4, %add3A_382 : i32
    %mul3A_384 = arith.constant 64 : i32
    %mul3A_385 = arith.muli %add3A_383, %mul3A_384 : i32
    %add3A_386 = arith.constant 112 : i32
    %add3A_387 = arith.addi %mul3A_385, %add3A_386 : i32
    %add3A_388 = vector.broadcast %add3A_387 : i32 to vector<16xi32>
    %add3A_389 = arith.addi %add3A_388, %iota3A : vector<16xi32>
    %shift_right_arithmetic3A_390 = arith.constant 6 : i32
    %shift_right_arithmetic3A_391 = vector.broadcast %shift_right_arithmetic3A_390 : i32 to vector<16xi32>
    %shift_right_arithmetic3A_392 = arith.shrsi %add3A_389, %shift_right_arithmetic3A_391 : vector<16xi32>
    %shift_right_arithmetic3A_393 = arith.constant 1 : i32
    %shift_right_arithmetic3A_394 = vector.broadcast %shift_right_arithmetic3A_393 : i32 to vector<16xi32>
    %shift_right_arithmetic3A_395 = arith.shrsi %shift_right_arithmetic3A_392, %shift_right_arithmetic3A_394 : vector<16xi32>
    %add3A_396 = arith.addi %shift_right_arithmetic3A_392, %shift_right_arithmetic3A_395 : vector<16xi32>
    %add3A_397 = arith.constant 1 : i32
    %add3A_398 = vector.broadcast %add3A_397 : i32 to vector<16xi32>
    %add3A_399 = arith.addi %add3A_396, %add3A_398 : vector<16xi32>
    %and3A_400 = arith.constant 3 : i32
    %and3A_401 = vector.broadcast %and3A_400 : i32 to vector<16xi32>
    %and3A_402 = arith.andi %add3A_389, %and3A_401 : vector<16xi32>
    %mul3A_403 = arith.constant 65536 : i32
    %mul3A_404 = vector.broadcast %mul3A_403 : i32 to vector<16xi32>
    %mul3A_405 = arith.muli %and3A_402, %mul3A_404 : vector<16xi32>
    %shift_right_arithmetic3A_406 = arith.constant 3 : i32
    %shift_right_arithmetic3A_407 = vector.broadcast %shift_right_arithmetic3A_406 : i32 to vector<16xi32>
    %shift_right_arithmetic3A_408 = arith.shrsi %add3A_399, %shift_right_arithmetic3A_407 : vector<16xi32>
    %mul3A_409 = arith.constant 128 : i32
    %mul3A_410 = vector.broadcast %mul3A_409 : i32 to vector<16xi32>
    %mul3A_411 = arith.muli %shift_right_arithmetic3A_408, %mul3A_410 : vector<16xi32>
    %add3A_412 = arith.addi %mul3A_405, %mul3A_411 : vector<16xi32>
    %shift_right_arithmetic3A_413 = arith.constant 2 : i32
    %shift_right_arithmetic3A_414 = vector.broadcast %shift_right_arithmetic3A_413 : i32 to vector<16xi32>
    %shift_right_arithmetic3A_415 = arith.shrsi %add3A_389, %shift_right_arithmetic3A_414 : vector<16xi32>
    %and3A_416 = arith.constant 15 : i32
    %and3A_417 = vector.broadcast %and3A_416 : i32 to vector<16xi32>
    %and3A_418 = arith.andi %shift_right_arithmetic3A_415, %and3A_417 : vector<16xi32>
    %mul3A_419 = arith.constant 8 : i32
    %mul3A_420 = vector.broadcast %mul3A_419 : i32 to vector<16xi32>
    %mul3A_421 = arith.muli %and3A_418, %mul3A_420 : vector<16xi32>
    %add3A_422 = arith.addi %add3A_412, %mul3A_421 : vector<16xi32>
    %and3A_423 = arith.constant 7 : i32
    %and3A_424 = vector.broadcast %and3A_423 : i32 to vector<16xi32>
    %and3A_425 = arith.andi %add3A_399, %and3A_424 : vector<16xi32>
    %add3A_426 = arith.addi %add3A_422, %and3A_425 : vector<16xi32>
    %min3A_427 = arith.constant 262143 : i32
    %min3A_428 = vector.broadcast %min3A_427 : i32 to vector<16xi32>
    %min3A_429 = arith.minsi %add3A_426, %min3A_428 : vector<16xi32>
    %swap3A_430 = arith.constant 0 : i32
    %swap3A_431 = arith.index_cast %swap3A_430 : i32 to index
    %swap3A_432 = arith.constant 112 : index
    %swap3A_433 = tpu.vector_load %arg4[%swap3A_431, %swap3A_432] {strides = array<i32>} : memref<43x128xi32, #tpu.memory_space<vmem>>, vector<1x16xi32>,
    %swap3A_434 = vector.shape_cast %swap3A_433 : vector<1x16xi32> to vector<16xi32>
    %swap3A_435 = vector.shape_cast %min3A_429 : vector<16xi32> to vector<1x16xi32>
    tpu.vector_store %arg4[%swap3A_431, %swap3A_432], %swap3A_435 {strides = array<i32>} : memref<43x128xi32, #tpu.memory_space<vmem>>, vector<1x16xi32>,
    %add3A_436 = arith.constant 2 : i32
    %add3A_437 = arith.addi %add3A_4, %add3A_436 : i32
    %mul3A_438 = arith.constant 64 : i32
    %mul3A_439 = arith.muli %add3A_437, %mul3A_438 : i32
    %add3A_440 = arith.constant 0 : i32
    %add3A_441 = arith.addi %mul3A_439, %add3A_440 : i32
    %add3A_442 = vector.broadcast %add3A_441 : i32 to vector<16xi32>
    %add3A_443 = arith.addi %add3A_442, %iota3A : vector<16xi32>
    %shift_right_arithmetic3A_444 = arith.constant 6 : i32
    %shift_right_arithmetic3A_445 = vector.broadcast %shift_right_arithmetic3A_444 : i32 to vector<16xi32>
    %shift_right_arithmetic3A_446 = arith.shrsi %add3A_443, %shift_right_arithmetic3A_445 : vector<16xi32>
    %shift_right_arithmetic3A_447 = arith.constant 1 : i32
    %shift_right_arithmetic3A_448 = vector.broadcast %shift_right_arithmetic3A_447 : i32 to vector<16xi32>
    %shift_right_arithmetic3A_449 = arith.shrsi %shift_right_arithmetic3A_446, %shift_right_arithmetic3A_448 : vector<16xi32>
    %add3A_450 = arith.addi %shift_right_arithmetic3A_446, %shift_right_arithmetic3A_449 : vector<16xi32>
    %add3A_451 = arith.constant 1 : i32
    %add3A_452 = vector.broadcast %add3A_451 : i32 to vector<16xi32>
    %add3A_453 = arith.addi %add3A_450, %add3A_452 : vector<16xi32>
    %and3A_454 = arith.constant 3 : i32
    %and3A_455 = vector.broadcast %and3A_454 : i32 to vector<16xi32>
    %and3A_456 = arith.andi %add3A_443, %and3A_455 : vector<16xi32>
    %mul3A_457 = arith.constant 65536 : i32
    %mul3A_458 = vector.broadcast %mul3A_457 : i32 to vector<16xi32>
    %mul3A_459 = arith.muli %and3A_456, %mul3A_458 : vector<16xi32>
    %shift_right_arithmetic3A_460 = arith.constant 3 : i32
    %shift_right_arithmetic3A_461 = vector.broadcast %shift_right_arithmetic3A_460 : i32 to vector<16xi32>
    %shift_right_arithmetic3A_462 = arith.shrsi %add3A_453, %shift_right_arithmetic3A_461 : vector<16xi32>
    %mul3A_463 = arith.constant 128 : i32
    %mul3A_464 = vector.broadcast %mul3A_463 : i32 to vector<16xi32>
    %mul3A_465 = arith.muli %shift_right_arithmetic3A_462, %mul3A_464 : vector<16xi32>
    %add3A_466 = arith.addi %mul3A_459, %mul3A_465 : vector<16xi32>
    %shift_right_arithmetic3A_467 = arith.constant 2 : i32
    %shift_right_arithmetic3A_468 = vector.broadcast %shift_right_arithmetic3A_467 : i32 to vector<16xi32>
    %shift_right_arithmetic3A_469 = arith.shrsi %add3A_443, %shift_right_arithmetic3A_468 : vector<16xi32>
    %and3A_470 = arith.constant 15 : i32
    %and3A_471 = vector.broadcast %and3A_470 : i32 to vector<16xi32>
    %and3A_472 = arith.andi %shift_right_arithmetic3A_469, %and3A_471 : vector<16xi32>
    %mul3A_473 = arith.constant 8 : i32
    %mul3A_474 = vector.broadcast %mul3A_473 : i32 to vector<16xi32>
    %mul3A_475 = arith.muli %and3A_472, %mul3A_474 : vector<16xi32>
    %add3A_476 = arith.addi %add3A_466, %mul3A_475 : vector<16xi32>
    %and3A_477 = arith.constant 7 : i32
    %and3A_478 = vector.broadcast %and3A_477 : i32 to vector<16xi32>
    %and3A_479 = arith.andi %add3A_453, %and3A_478 : vector<16xi32>
    %add3A_480 = arith.addi %add3A_476, %and3A_479 : vector<16xi32>
    %min3A_481 = arith.constant 262143 : i32
    %min3A_482 = vector.broadcast %min3A_481 : i32 to vector<16xi32>
    %min3A_483 = arith.minsi %add3A_480, %min3A_482 : vector<16xi32>
    %swap3A_484 = arith.constant 1 : i32
    %swap3A_485 = arith.index_cast %swap3A_484 : i32 to index
    %swap3A_486 = arith.constant 0 : index
    %swap3A_487 = tpu.vector_load %arg4[%swap3A_485, %swap3A_486] {strides = array<i32>} : memref<43x128xi32, #tpu.memory_space<vmem>>, vector<1x16xi32>,
    %swap3A_488 = vector.shape_cast %swap3A_487 : vector<1x16xi32> to vector<16xi32>
    %swap3A_489 = vector.shape_cast %min3A_483 : vector<16xi32> to vector<1x16xi32>
    tpu.vector_store %arg4[%swap3A_485, %swap3A_486], %swap3A_489 {strides = array<i32>} : memref<43x128xi32, #tpu.memory_space<vmem>>, vector<1x16xi32>,
    %add3A_490 = arith.constant 2 : i32
    %add3A_491 = arith.addi %add3A_4, %add3A_490 : i32
    %mul3A_492 = arith.constant 64 : i32
    %mul3A_493 = arith.muli %add3A_491, %mul3A_492 : i32
    %add3A_494 = arith.constant 16 : i32
    %add3A_495 = arith.addi %mul3A_493, %add3A_494 : i32
    %add3A_496 = vector.broadcast %add3A_495 : i32 to vector<16xi32>
    %add3A_497 = arith.addi %add3A_496, %iota3A : vector<16xi32>
    %shift_right_arithmetic3A_498 = arith.constant 6 : i32
    %shift_right_arithmetic3A_499 = vector.broadcast %shift_right_arithmetic3A_498 : i32 to vector<16xi32>
    %shift_right_arithmetic3A_500 = arith.shrsi %add3A_497, %shift_right_arithmetic3A_499 : vector<16xi32>
    %shift_right_arithmetic3A_501 = arith.constant 1 : i32
    %shift_right_arithmetic3A_502 = vector.broadcast %shift_right_arithmetic3A_501 : i32 to vector<16xi32>
    %shift_right_arithmetic3A_503 = arith.shrsi %shift_right_arithmetic3A_500, %shift_right_arithmetic3A_502 : vector<16xi32>
    %add3A_504 = arith.addi %shift_right_arithmetic3A_500, %shift_right_arithmetic3A_503 : vector<16xi32>
    %add3A_505 = arith.constant 1 : i32
    %add3A_506 = vector.broadcast %add3A_505 : i32 to vector<16xi32>
    %add3A_507 = arith.addi %add3A_504, %add3A_506 : vector<16xi32>
    %and3A_508 = arith.constant 3 : i32
    %and3A_509 = vector.broadcast %and3A_508 : i32 to vector<16xi32>
    %and3A_510 = arith.andi %add3A_497, %and3A_509 : vector<16xi32>
    %mul3A_511 = arith.constant 65536 : i32
    %mul3A_512 = vector.broadcast %mul3A_511 : i32 to vector<16xi32>
    %mul3A_513 = arith.muli %and3A_510, %mul3A_512 : vector<16xi32>
    %shift_right_arithmetic3A_514 = arith.constant 3 : i32
    %shift_right_arithmetic3A_515 = vector.broadcast %shift_right_arithmetic3A_514 : i32 to vector<16xi32>
    %shift_right_arithmetic3A_516 = arith.shrsi %add3A_507, %shift_right_arithmetic3A_515 : vector<16xi32>
    %mul3A_517 = arith.constant 128 : i32
    %mul3A_518 = vector.broadcast %mul3A_517 : i32 to vector<16xi32>
    %mul3A_519 = arith.muli %shift_right_arithmetic3A_516, %mul3A_518 : vector<16xi32>
    %add3A_520 = arith.addi %mul3A_513, %mul3A_519 : vector<16xi32>
    %shift_right_arithmetic3A_521 = arith.constant 2 : i32
    %shift_right_arithmetic3A_522 = vector.broadcast %shift_right_arithmetic3A_521 : i32 to vector<16xi32>
    %shift_right_arithmetic3A_523 = arith.shrsi %add3A_497, %shift_right_arithmetic3A_522 : vector<16xi32>
    %and3A_524 = arith.constant 15 : i32
    %and3A_525 = vector.broadcast %and3A_524 : i32 to vector<16xi32>
    %and3A_526 = arith.andi %shift_right_arithmetic3A_523, %and3A_525 : vector<16xi32>
    %mul3A_527 = arith.constant 8 : i32
    %mul3A_528 = vector.broadcast %mul3A_527 : i32 to vector<16xi32>
    %mul3A_529 = arith.muli %and3A_526, %mul3A_528 : vector<16xi32>
    %add3A_530 = arith.addi %add3A_520, %mul3A_529 : vector<16xi32>
    %and3A_531 = arith.constant 7 : i32
    %and3A_532 = vector.broadcast %and3A_531 : i32 to vector<16xi32>
    %and3A_533 = arith.andi %add3A_507, %and3A_532 : vector<16xi32>
    %add3A_534 = arith.addi %add3A_530, %and3A_533 : vector<16xi32>
    %min3A_535 = arith.constant 262143 : i32
    %min3A_536 = vector.broadcast %min3A_535 : i32 to vector<16xi32>
    %min3A_537 = arith.minsi %add3A_534, %min3A_536 : vector<16xi32>
    %swap3A_538 = arith.constant 1 : i32
    %swap3A_539 = arith.index_cast %swap3A_538 : i32 to index
    %swap3A_540 = arith.constant 16 : index
    %swap3A_541 = tpu.vector_load %arg4[%swap3A_539, %swap3A_540] {strides = array<i32>} : memref<43x128xi32, #tpu.memory_space<vmem>>, vector<1x16xi32>,
    %swap3A_542 = vector.shape_cast %swap3A_541 : vector<1x16xi32> to vector<16xi32>
    %swap3A_543 = vector.shape_cast %min3A_537 : vector<16xi32> to vector<1x16xi32>
    tpu.vector_store %arg4[%swap3A_539, %swap3A_540], %swap3A_543 {strides = array<i32>} : memref<43x128xi32, #tpu.memory_space<vmem>>, vector<1x16xi32>,
    %add3A_544 = arith.constant 2 : i32
    %add3A_545 = arith.addi %add3A_4, %add3A_544 : i32
    %mul3A_546 = arith.constant 64 : i32
    %mul3A_547 = arith.muli %add3A_545, %mul3A_546 : i32
    %add3A_548 = arith.constant 32 : i32
    %add3A_549 = arith.addi %mul3A_547, %add3A_548 : i32
    %add3A_550 = vector.broadcast %add3A_549 : i32 to vector<16xi32>
    %add3A_551 = arith.addi %add3A_550, %iota3A : vector<16xi32>
    %shift_right_arithmetic3A_552 = arith.constant 6 : i32
    %shift_right_arithmetic3A_553 = vector.broadcast %shift_right_arithmetic3A_552 : i32 to vector<16xi32>
    %shift_right_arithmetic3A_554 = arith.shrsi %add3A_551, %shift_right_arithmetic3A_553 : vector<16xi32>
    %shift_right_arithmetic3A_555 = arith.constant 1 : i32
    %shift_right_arithmetic3A_556 = vector.broadcast %shift_right_arithmetic3A_555 : i32 to vector<16xi32>
    %shift_right_arithmetic3A_557 = arith.shrsi %shift_right_arithmetic3A_554, %shift_right_arithmetic3A_556 : vector<16xi32>
    %add3A_558 = arith.addi %shift_right_arithmetic3A_554, %shift_right_arithmetic3A_557 : vector<16xi32>
    %add3A_559 = arith.constant 1 : i32
    %add3A_560 = vector.broadcast %add3A_559 : i32 to vector<16xi32>
    %add3A_561 = arith.addi %add3A_558, %add3A_560 : vector<16xi32>
    %and3A_562 = arith.constant 3 : i32
    %and3A_563 = vector.broadcast %and3A_562 : i32 to vector<16xi32>
    %and3A_564 = arith.andi %add3A_551, %and3A_563 : vector<16xi32>
    %mul3A_565 = arith.constant 65536 : i32
    %mul3A_566 = vector.broadcast %mul3A_565 : i32 to vector<16xi32>
    %mul3A_567 = arith.muli %and3A_564, %mul3A_566 : vector<16xi32>
    %shift_right_arithmetic3A_568 = arith.constant 3 : i32
    %shift_right_arithmetic3A_569 = vector.broadcast %shift_right_arithmetic3A_568 : i32 to vector<16xi32>
    %shift_right_arithmetic3A_570 = arith.shrsi %add3A_561, %shift_right_arithmetic3A_569 : vector<16xi32>
    %mul3A_571 = arith.constant 128 : i32
    %mul3A_572 = vector.broadcast %mul3A_571 : i32 to vector<16xi32>
    %mul3A_573 = arith.muli %shift_right_arithmetic3A_570, %mul3A_572 : vector<16xi32>
    %add3A_574 = arith.addi %mul3A_567, %mul3A_573 : vector<16xi32>
    %shift_right_arithmetic3A_575 = arith.constant 2 : i32
    %shift_right_arithmetic3A_576 = vector.broadcast %shift_right_arithmetic3A_575 : i32 to vector<16xi32>
    %shift_right_arithmetic3A_577 = arith.shrsi %add3A_551, %shift_right_arithmetic3A_576 : vector<16xi32>
    %and3A_578 = arith.constant 15 : i32
    %and3A_579 = vector.broadcast %and3A_578 : i32 to vector<16xi32>
    %and3A_580 = arith.andi %shift_right_arithmetic3A_577, %and3A_579 : vector<16xi32>
    %mul3A_581 = arith.constant 8 : i32
    %mul3A_582 = vector.broadcast %mul3A_581 : i32 to vector<16xi32>
    %mul3A_583 = arith.muli %and3A_580, %mul3A_582 : vector<16xi32>
    %add3A_584 = arith.addi %add3A_574, %mul3A_583 : vector<16xi32>
    %and3A_585 = arith.constant 7 : i32
    %and3A_586 = vector.broadcast %and3A_585 : i32 to vector<16xi32>
    %and3A_587 = arith.andi %add3A_561, %and3A_586 : vector<16xi32>
    %add3A_588 = arith.addi %add3A_584, %and3A_587 : vector<16xi32>
    %min3A_589 = arith.constant 262143 : i32
    %min3A_590 = vector.broadcast %min3A_589 : i32 to vector<16xi32>
    %min3A_591 = arith.minsi %add3A_588, %min3A_590 : vector<16xi32>
    %swap3A_592 = arith.constant 1 : i32
    %swap3A_593 = arith.index_cast %swap3A_592 : i32 to index
    %swap3A_594 = arith.constant 32 : index
    %swap3A_595 = tpu.vector_load %arg4[%swap3A_593, %swap3A_594] {strides = array<i32>} : memref<43x128xi32, #tpu.memory_space<vmem>>, vector<1x16xi32>,
    %swap3A_596 = vector.shape_cast %swap3A_595 : vector<1x16xi32> to vector<16xi32>
    %swap3A_597 = vector.shape_cast %min3A_591 : vector<16xi32> to vector<1x16xi32>
    tpu.vector_store %arg4[%swap3A_593, %swap3A_594], %swap3A_597 {strides = array<i32>} : memref<43x128xi32, #tpu.memory_space<vmem>>, vector<1x16xi32>,
    %add3A_598 = arith.constant 2 : i32
    %add3A_599 = arith.addi %add3A_4, %add3A_598 : i32
    %mul3A_600 = arith.constant 64 : i32
    %mul3A_601 = arith.muli %add3A_599, %mul3A_600 : i32
    %add3A_602 = arith.constant 48 : i32
    %add3A_603 = arith.addi %mul3A_601, %add3A_602 : i32
    %add3A_604 = vector.broadcast %add3A_603 : i32 to vector<16xi32>
    %add3A_605 = arith.addi %add3A_604, %iota3A : vector<16xi32>
    %shift_right_arithmetic3A_606 = arith.constant 6 : i32
    %shift_right_arithmetic3A_607 = vector.broadcast %shift_right_arithmetic3A_606 : i32 to vector<16xi32>
    %shift_right_arithmetic3A_608 = arith.shrsi %add3A_605, %shift_right_arithmetic3A_607 : vector<16xi32>
    %shift_right_arithmetic3A_609 = arith.constant 1 : i32
    %shift_right_arithmetic3A_610 = vector.broadcast %shift_right_arithmetic3A_609 : i32 to vector<16xi32>
    %shift_right_arithmetic3A_611 = arith.shrsi %shift_right_arithmetic3A_608, %shift_right_arithmetic3A_610 : vector<16xi32>
    %add3A_612 = arith.addi %shift_right_arithmetic3A_608, %shift_right_arithmetic3A_611 : vector<16xi32>
    %add3A_613 = arith.constant 1 : i32
    %add3A_614 = vector.broadcast %add3A_613 : i32 to vector<16xi32>
    %add3A_615 = arith.addi %add3A_612, %add3A_614 : vector<16xi32>
    %and3A_616 = arith.constant 3 : i32
    %and3A_617 = vector.broadcast %and3A_616 : i32 to vector<16xi32>
    %and3A_618 = arith.andi %add3A_605, %and3A_617 : vector<16xi32>
    %mul3A_619 = arith.constant 65536 : i32
    %mul3A_620 = vector.broadcast %mul3A_619 : i32 to vector<16xi32>
    %mul3A_621 = arith.muli %and3A_618, %mul3A_620 : vector<16xi32>
    %shift_right_arithmetic3A_622 = arith.constant 3 : i32
    %shift_right_arithmetic3A_623 = vector.broadcast %shift_right_arithmetic3A_622 : i32 to vector<16xi32>
    %shift_right_arithmetic3A_624 = arith.shrsi %add3A_615, %shift_right_arithmetic3A_623 : vector<16xi32>
    %mul3A_625 = arith.constant 128 : i32
    %mul3A_626 = vector.broadcast %mul3A_625 : i32 to vector<16xi32>
    %mul3A_627 = arith.muli %shift_right_arithmetic3A_624, %mul3A_626 : vector<16xi32>
    %add3A_628 = arith.addi %mul3A_621, %mul3A_627 : vector<16xi32>
    %shift_right_arithmetic3A_629 = arith.constant 2 : i32
    %shift_right_arithmetic3A_630 = vector.broadcast %shift_right_arithmetic3A_629 : i32 to vector<16xi32>
    %shift_right_arithmetic3A_631 = arith.shrsi %add3A_605, %shift_right_arithmetic3A_630 : vector<16xi32>
    %and3A_632 = arith.constant 15 : i32
    %and3A_633 = vector.broadcast %and3A_632 : i32 to vector<16xi32>
    %and3A_634 = arith.andi %shift_right_arithmetic3A_631, %and3A_633 : vector<16xi32>
    %mul3A_635 = arith.constant 8 : i32
    %mul3A_636 = vector.broadcast %mul3A_635 : i32 to vector<16xi32>
    %mul3A_637 = arith.muli %and3A_634, %mul3A_636 : vector<16xi32>
    %add3A_638 = arith.addi %add3A_628, %mul3A_637 : vector<16xi32>
    %and3A_639 = arith.constant 7 : i32
    %and3A_640 = vector.broadcast %and3A_639 : i32 to vector<16xi32>
    %and3A_641 = arith.andi %add3A_615, %and3A_640 : vector<16xi32>
    %add3A_642 = arith.addi %add3A_638, %and3A_641 : vector<16xi32>
    %min3A_643 = arith.constant 262143 : i32
    %min3A_644 = vector.broadcast %min3A_643 : i32 to vector<16xi32>
    %min3A_645 = arith.minsi %add3A_642, %min3A_644 : vector<16xi32>
    %swap3A_646 = arith.constant 1 : i32
    %swap3A_647 = arith.index_cast %swap3A_646 : i32 to index
    %swap3A_648 = arith.constant 48 : index
    %swap3A_649 = tpu.vector_load %arg4[%swap3A_647, %swap3A_648] {strides = array<i32>} : memref<43x128xi32, #tpu.memory_space<vmem>>, vector<1x16xi32>,
    %swap3A_650 = vector.shape_cast %swap3A_649 : vector<1x16xi32> to vector<16xi32>
    %swap3A_651 = vector.shape_cast %min3A_645 : vector<16xi32> to vector<1x16xi32>
    tpu.vector_store %arg4[%swap3A_647, %swap3A_648], %swap3A_651 {strides = array<i32>} : memref<43x128xi32, #tpu.memory_space<vmem>>, vector<1x16xi32>,
    %add3A_652 = arith.constant 2 : i32
    %add3A_653 = arith.addi %add3A_4, %add3A_652 : i32
    %mul3A_654 = arith.constant 64 : i32
    %mul3A_655 = arith.muli %add3A_653, %mul3A_654 : i32
    %add3A_656 = arith.constant 64 : i32
    %add3A_657 = arith.addi %mul3A_655, %add3A_656 : i32
    %add3A_658 = vector.broadcast %add3A_657 : i32 to vector<16xi32>
    %add3A_659 = arith.addi %add3A_658, %iota3A : vector<16xi32>
    %shift_right_arithmetic3A_660 = arith.constant 6 : i32
    %shift_right_arithmetic3A_661 = vector.broadcast %shift_right_arithmetic3A_660 : i32 to vector<16xi32>
    %shift_right_arithmetic3A_662 = arith.shrsi %add3A_659, %shift_right_arithmetic3A_661 : vector<16xi32>
    %shift_right_arithmetic3A_663 = arith.constant 1 : i32
    %shift_right_arithmetic3A_664 = vector.broadcast %shift_right_arithmetic3A_663 : i32 to vector<16xi32>
    %shift_right_arithmetic3A_665 = arith.shrsi %shift_right_arithmetic3A_662, %shift_right_arithmetic3A_664 : vector<16xi32>
    %add3A_666 = arith.addi %shift_right_arithmetic3A_662, %shift_right_arithmetic3A_665 : vector<16xi32>
    %add3A_667 = arith.constant 1 : i32
    %add3A_668 = vector.broadcast %add3A_667 : i32 to vector<16xi32>
    %add3A_669 = arith.addi %add3A_666, %add3A_668 : vector<16xi32>
    %and3A_670 = arith.constant 3 : i32
    %and3A_671 = vector.broadcast %and3A_670 : i32 to vector<16xi32>
    %and3A_672 = arith.andi %add3A_659, %and3A_671 : vector<16xi32>
    %mul3A_673 = arith.constant 65536 : i32
    %mul3A_674 = vector.broadcast %mul3A_673 : i32 to vector<16xi32>
    %mul3A_675 = arith.muli %and3A_672, %mul3A_674 : vector<16xi32>
    %shift_right_arithmetic3A_676 = arith.constant 3 : i32
    %shift_right_arithmetic3A_677 = vector.broadcast %shift_right_arithmetic3A_676 : i32 to vector<16xi32>
    %shift_right_arithmetic3A_678 = arith.shrsi %add3A_669, %shift_right_arithmetic3A_677 : vector<16xi32>
    %mul3A_679 = arith.constant 128 : i32
    %mul3A_680 = vector.broadcast %mul3A_679 : i32 to vector<16xi32>
    %mul3A_681 = arith.muli %shift_right_arithmetic3A_678, %mul3A_680 : vector<16xi32>
    %add3A_682 = arith.addi %mul3A_675, %mul3A_681 : vector<16xi32>
    %shift_right_arithmetic3A_683 = arith.constant 2 : i32
    %shift_right_arithmetic3A_684 = vector.broadcast %shift_right_arithmetic3A_683 : i32 to vector<16xi32>
    %shift_right_arithmetic3A_685 = arith.shrsi %add3A_659, %shift_right_arithmetic3A_684 : vector<16xi32>
    %and3A_686 = arith.constant 15 : i32
    %and3A_687 = vector.broadcast %and3A_686 : i32 to vector<16xi32>
    %and3A_688 = arith.andi %shift_right_arithmetic3A_685, %and3A_687 : vector<16xi32>
    %mul3A_689 = arith.constant 8 : i32
    %mul3A_690 = vector.broadcast %mul3A_689 : i32 to vector<16xi32>
    %mul3A_691 = arith.muli %and3A_688, %mul3A_690 : vector<16xi32>
    %add3A_692 = arith.addi %add3A_682, %mul3A_691 : vector<16xi32>
    %and3A_693 = arith.constant 7 : i32
    %and3A_694 = vector.broadcast %and3A_693 : i32 to vector<16xi32>
    %and3A_695 = arith.andi %add3A_669, %and3A_694 : vector<16xi32>
    %add3A_696 = arith.addi %add3A_692, %and3A_695 : vector<16xi32>
    %min3A_697 = arith.constant 262143 : i32
    %min3A_698 = vector.broadcast %min3A_697 : i32 to vector<16xi32>
    %min3A_699 = arith.minsi %add3A_696, %min3A_698 : vector<16xi32>
    %swap3A_700 = arith.constant 1 : i32
    %swap3A_701 = arith.index_cast %swap3A_700 : i32 to index
    %swap3A_702 = arith.constant 64 : index
    %swap3A_703 = tpu.vector_load %arg4[%swap3A_701, %swap3A_702] {strides = array<i32>} : memref<43x128xi32, #tpu.memory_space<vmem>>, vector<1x16xi32>,
    %swap3A_704 = vector.shape_cast %swap3A_703 : vector<1x16xi32> to vector<16xi32>
    %swap3A_705 = vector.shape_cast %min3A_699 : vector<16xi32> to vector<1x16xi32>
    tpu.vector_store %arg4[%swap3A_701, %swap3A_702], %swap3A_705 {strides = array<i32>} : memref<43x128xi32, #tpu.memory_space<vmem>>, vector<1x16xi32>,
    %add3A_706 = arith.constant 2 : i32
    %add3A_707 = arith.addi %add3A_4, %add3A_706 : i32
    %mul3A_708 = arith.constant 64 : i32
    %mul3A_709 = arith.muli %add3A_707, %mul3A_708 : i32
    %add3A_710 = arith.constant 80 : i32
    %add3A_711 = arith.addi %mul3A_709, %add3A_710 : i32
    %add3A_712 = vector.broadcast %add3A_711 : i32 to vector<16xi32>
    %add3A_713 = arith.addi %add3A_712, %iota3A : vector<16xi32>
    %shift_right_arithmetic3A_714 = arith.constant 6 : i32
    %shift_right_arithmetic3A_715 = vector.broadcast %shift_right_arithmetic3A_714 : i32 to vector<16xi32>
    %shift_right_arithmetic3A_716 = arith.shrsi %add3A_713, %shift_right_arithmetic3A_715 : vector<16xi32>
    %shift_right_arithmetic3A_717 = arith.constant 1 : i32
    %shift_right_arithmetic3A_718 = vector.broadcast %shift_right_arithmetic3A_717 : i32 to vector<16xi32>
    %shift_right_arithmetic3A_719 = arith.shrsi %shift_right_arithmetic3A_716, %shift_right_arithmetic3A_718 : vector<16xi32>
    %add3A_720 = arith.addi %shift_right_arithmetic3A_716, %shift_right_arithmetic3A_719 : vector<16xi32>
    %add3A_721 = arith.constant 1 : i32
    %add3A_722 = vector.broadcast %add3A_721 : i32 to vector<16xi32>
    %add3A_723 = arith.addi %add3A_720, %add3A_722 : vector<16xi32>
    %and3A_724 = arith.constant 3 : i32
    %and3A_725 = vector.broadcast %and3A_724 : i32 to vector<16xi32>
    %and3A_726 = arith.andi %add3A_713, %and3A_725 : vector<16xi32>
    %mul3A_727 = arith.constant 65536 : i32
    %mul3A_728 = vector.broadcast %mul3A_727 : i32 to vector<16xi32>
    %mul3A_729 = arith.muli %and3A_726, %mul3A_728 : vector<16xi32>
    %shift_right_arithmetic3A_730 = arith.constant 3 : i32
    %shift_right_arithmetic3A_731 = vector.broadcast %shift_right_arithmetic3A_730 : i32 to vector<16xi32>
    %shift_right_arithmetic3A_732 = arith.shrsi %add3A_723, %shift_right_arithmetic3A_731 : vector<16xi32>
    %mul3A_733 = arith.constant 128 : i32
    %mul3A_734 = vector.broadcast %mul3A_733 : i32 to vector<16xi32>
    %mul3A_735 = arith.muli %shift_right_arithmetic3A_732, %mul3A_734 : vector<16xi32>
    %add3A_736 = arith.addi %mul3A_729, %mul3A_735 : vector<16xi32>
    %shift_right_arithmetic3A_737 = arith.constant 2 : i32
    %shift_right_arithmetic3A_738 = vector.broadcast %shift_right_arithmetic3A_737 : i32 to vector<16xi32>
    %shift_right_arithmetic3A_739 = arith.shrsi %add3A_713, %shift_right_arithmetic3A_738 : vector<16xi32>
    %and3A_740 = arith.constant 15 : i32
    %and3A_741 = vector.broadcast %and3A_740 : i32 to vector<16xi32>
    %and3A_742 = arith.andi %shift_right_arithmetic3A_739, %and3A_741 : vector<16xi32>
    %mul3A_743 = arith.constant 8 : i32
    %mul3A_744 = vector.broadcast %mul3A_743 : i32 to vector<16xi32>
    %mul3A_745 = arith.muli %and3A_742, %mul3A_744 : vector<16xi32>
    %add3A_746 = arith.addi %add3A_736, %mul3A_745 : vector<16xi32>
    %and3A_747 = arith.constant 7 : i32
    %and3A_748 = vector.broadcast %and3A_747 : i32 to vector<16xi32>
    %and3A_749 = arith.andi %add3A_723, %and3A_748 : vector<16xi32>
    %add3A_750 = arith.addi %add3A_746, %and3A_749 : vector<16xi32>
    %min3A_751 = arith.constant 262143 : i32
    %min3A_752 = vector.broadcast %min3A_751 : i32 to vector<16xi32>
    %min3A_753 = arith.minsi %add3A_750, %min3A_752 : vector<16xi32>
    %swap3A_754 = arith.constant 1 : i32
    %swap3A_755 = arith.index_cast %swap3A_754 : i32 to index
    %swap3A_756 = arith.constant 80 : index
    %swap3A_757 = tpu.vector_load %arg4[%swap3A_755, %swap3A_756] {strides = array<i32>} : memref<43x128xi32, #tpu.memory_space<vmem>>, vector<1x16xi32>,
    %swap3A_758 = vector.shape_cast %swap3A_757 : vector<1x16xi32> to vector<16xi32>
    %swap3A_759 = vector.shape_cast %min3A_753 : vector<16xi32> to vector<1x16xi32>
    tpu.vector_store %arg4[%swap3A_755, %swap3A_756], %swap3A_759 {strides = array<i32>} : memref<43x128xi32, #tpu.memory_space<vmem>>, vector<1x16xi32>,
    %add3A_760 = arith.constant 2 : i32
    %add3A_761 = arith.addi %add3A_4, %add3A_760 : i32
    %mul3A_762 = arith.constant 64 : i32
    %mul3A_763 = arith.muli %add3A_761, %mul3A_762 : i32
    %add3A_764 = arith.constant 96 : i32
    %add3A_765 = arith.addi %mul3A_763, %add3A_764 : i32
    %add3A_766 = vector.broadcast %add3A_765 : i32 to vector<16xi32>
    %add3A_767 = arith.addi %add3A_766, %iota3A : vector<16xi32>
    %shift_right_arithmetic3A_768 = arith.constant 6 : i32
    %shift_right_arithmetic3A_769 = vector.broadcast %shift_right_arithmetic3A_768 : i32 to vector<16xi32>
    %shift_right_arithmetic3A_770 = arith.shrsi %add3A_767, %shift_right_arithmetic3A_769 : vector<16xi32>
    %shift_right_arithmetic3A_771 = arith.constant 1 : i32
    %shift_right_arithmetic3A_772 = vector.broadcast %shift_right_arithmetic3A_771 : i32 to vector<16xi32>
    %shift_right_arithmetic3A_773 = arith.shrsi %shift_right_arithmetic3A_770, %shift_right_arithmetic3A_772 : vector<16xi32>
    %add3A_774 = arith.addi %shift_right_arithmetic3A_770, %shift_right_arithmetic3A_773 : vector<16xi32>
    %add3A_775 = arith.constant 1 : i32
    %add3A_776 = vector.broadcast %add3A_775 : i32 to vector<16xi32>
    %add3A_777 = arith.addi %add3A_774, %add3A_776 : vector<16xi32>
    %and3A_778 = arith.constant 3 : i32
    %and3A_779 = vector.broadcast %and3A_778 : i32 to vector<16xi32>
    %and3A_780 = arith.andi %add3A_767, %and3A_779 : vector<16xi32>
    %mul3A_781 = arith.constant 65536 : i32
    %mul3A_782 = vector.broadcast %mul3A_781 : i32 to vector<16xi32>
    %mul3A_783 = arith.muli %and3A_780, %mul3A_782 : vector<16xi32>
    %shift_right_arithmetic3A_784 = arith.constant 3 : i32
    %shift_right_arithmetic3A_785 = vector.broadcast %shift_right_arithmetic3A_784 : i32 to vector<16xi32>
    %shift_right_arithmetic3A_786 = arith.shrsi %add3A_777, %shift_right_arithmetic3A_785 : vector<16xi32>
    %mul3A_787 = arith.constant 128 : i32
    %mul3A_788 = vector.broadcast %mul3A_787 : i32 to vector<16xi32>
    %mul3A_789 = arith.muli %shift_right_arithmetic3A_786, %mul3A_788 : vector<16xi32>
    %add3A_790 = arith.addi %mul3A_783, %mul3A_789 : vector<16xi32>
    %shift_right_arithmetic3A_791 = arith.constant 2 : i32
    %shift_right_arithmetic3A_792 = vector.broadcast %shift_right_arithmetic3A_791 : i32 to vector<16xi32>
    %shift_right_arithmetic3A_793 = arith.shrsi %add3A_767, %shift_right_arithmetic3A_792 : vector<16xi32>
    %and3A_794 = arith.constant 15 : i32
    %and3A_795 = vector.broadcast %and3A_794 : i32 to vector<16xi32>
    %and3A_796 = arith.andi %shift_right_arithmetic3A_793, %and3A_795 : vector<16xi32>
    %mul3A_797 = arith.constant 8 : i32
    %mul3A_798 = vector.broadcast %mul3A_797 : i32 to vector<16xi32>
    %mul3A_799 = arith.muli %and3A_796, %mul3A_798 : vector<16xi32>
    %add3A_800 = arith.addi %add3A_790, %mul3A_799 : vector<16xi32>
    %and3A_801 = arith.constant 7 : i32
    %and3A_802 = vector.broadcast %and3A_801 : i32 to vector<16xi32>
    %and3A_803 = arith.andi %add3A_777, %and3A_802 : vector<16xi32>
    %add3A_804 = arith.addi %add3A_800, %and3A_803 : vector<16xi32>
    %min3A_805 = arith.constant 262143 : i32
    %min3A_806 = vector.broadcast %min3A_805 : i32 to vector<16xi32>
    %min3A_807 = arith.minsi %add3A_804, %min3A_806 : vector<16xi32>
    %swap3A_808 = arith.constant 1 : i32
    %swap3A_809 = arith.index_cast %swap3A_808 : i32 to index
    %swap3A_810 = arith.constant 96 : index
    %swap3A_811 = tpu.vector_load %arg4[%swap3A_809, %swap3A_810] {strides = array<i32>} : memref<43x128xi32, #tpu.memory_space<vmem>>, vector<1x16xi32>,
    %swap3A_812 = vector.shape_cast %swap3A_811 : vector<1x16xi32> to vector<16xi32>
    %swap3A_813 = vector.shape_cast %min3A_807 : vector<16xi32> to vector<1x16xi32>
    tpu.vector_store %arg4[%swap3A_809, %swap3A_810], %swap3A_813 {strides = array<i32>} : memref<43x128xi32, #tpu.memory_space<vmem>>, vector<1x16xi32>,
    %add3A_814 = arith.constant 2 : i32
    %add3A_815 = arith.addi %add3A_4, %add3A_814 : i32
    %mul3A_816 = arith.constant 64 : i32
    %mul3A_817 = arith.muli %add3A_815, %mul3A_816 : i32
    %add3A_818 = arith.constant 112 : i32
    %add3A_819 = arith.addi %mul3A_817, %add3A_818 : i32
    %add3A_820 = vector.broadcast %add3A_819 : i32 to vector<16xi32>
    %add3A_821 = arith.addi %add3A_820, %iota3A : vector<16xi32>
    %shift_right_arithmetic3A_822 = arith.constant 6 : i32
    %shift_right_arithmetic3A_823 = vector.broadcast %shift_right_arithmetic3A_822 : i32 to vector<16xi32>
    %shift_right_arithmetic3A_824 = arith.shrsi %add3A_821, %shift_right_arithmetic3A_823 : vector<16xi32>
    %shift_right_arithmetic3A_825 = arith.constant 1 : i32
    %shift_right_arithmetic3A_826 = vector.broadcast %shift_right_arithmetic3A_825 : i32 to vector<16xi32>
    %shift_right_arithmetic3A_827 = arith.shrsi %shift_right_arithmetic3A_824, %shift_right_arithmetic3A_826 : vector<16xi32>
    %add3A_828 = arith.addi %shift_right_arithmetic3A_824, %shift_right_arithmetic3A_827 : vector<16xi32>
    %add3A_829 = arith.constant 1 : i32
    %add3A_830 = vector.broadcast %add3A_829 : i32 to vector<16xi32>
    %add3A_831 = arith.addi %add3A_828, %add3A_830 : vector<16xi32>
    %and3A_832 = arith.constant 3 : i32
    %and3A_833 = vector.broadcast %and3A_832 : i32 to vector<16xi32>
    %and3A_834 = arith.andi %add3A_821, %and3A_833 : vector<16xi32>
    %mul3A_835 = arith.constant 65536 : i32
    %mul3A_836 = vector.broadcast %mul3A_835 : i32 to vector<16xi32>
    %mul3A_837 = arith.muli %and3A_834, %mul3A_836 : vector<16xi32>
    %shift_right_arithmetic3A_838 = arith.constant 3 : i32
    %shift_right_arithmetic3A_839 = vector.broadcast %shift_right_arithmetic3A_838 : i32 to vector<16xi32>
    %shift_right_arithmetic3A_840 = arith.shrsi %add3A_831, %shift_right_arithmetic3A_839 : vector<16xi32>
    %mul3A_841 = arith.constant 128 : i32
    %mul3A_842 = vector.broadcast %mul3A_841 : i32 to vector<16xi32>
    %mul3A_843 = arith.muli %shift_right_arithmetic3A_840, %mul3A_842 : vector<16xi32>
    %add3A_844 = arith.addi %mul3A_837, %mul3A_843 : vector<16xi32>
    %shift_right_arithmetic3A_845 = arith.constant 2 : i32
    %shift_right_arithmetic3A_846 = vector.broadcast %shift_right_arithmetic3A_845 : i32 to vector<16xi32>
    %shift_right_arithmetic3A_847 = arith.shrsi %add3A_821, %shift_right_arithmetic3A_846 : vector<16xi32>
    %and3A_848 = arith.constant 15 : i32
    %and3A_849 = vector.broadcast %and3A_848 : i32 to vector<16xi32>
    %and3A_850 = arith.andi %shift_right_arithmetic3A_847, %and3A_849 : vector<16xi32>
    %mul3A_851 = arith.constant 8 : i32
    %mul3A_852 = vector.broadcast %mul3A_851 : i32 to vector<16xi32>
    %mul3A_853 = arith.muli %and3A_850, %mul3A_852 : vector<16xi32>
    %add3A_854 = arith.addi %add3A_844, %mul3A_853 : vector<16xi32>
    %and3A_855 = arith.constant 7 : i32
    %and3A_856 = vector.broadcast %and3A_855 : i32 to vector<16xi32>
    %and3A_857 = arith.andi %add3A_831, %and3A_856 : vector<16xi32>
    %add3A_858 = arith.addi %add3A_854, %and3A_857 : vector<16xi32>
    %min3A_859 = arith.constant 262143 : i32
    %min3A_860 = vector.broadcast %min3A_859 : i32 to vector<16xi32>
    %min3A_861 = arith.minsi %add3A_858, %min3A_860 : vector<16xi32>
    %swap3A_862 = arith.constant 1 : i32
    %swap3A_863 = arith.index_cast %swap3A_862 : i32 to index
    %swap3A_864 = arith.constant 112 : index
    %swap3A_865 = tpu.vector_load %arg4[%swap3A_863, %swap3A_864] {strides = array<i32>} : memref<43x128xi32, #tpu.memory_space<vmem>>, vector<1x16xi32>,
    %swap3A_866 = vector.shape_cast %swap3A_865 : vector<1x16xi32> to vector<16xi32>
    %swap3A_867 = vector.shape_cast %min3A_861 : vector<16xi32> to vector<1x16xi32>
    tpu.vector_store %arg4[%swap3A_863, %swap3A_864], %swap3A_867 {strides = array<i32>} : memref<43x128xi32, #tpu.memory_space<vmem>>, vector<1x16xi32>,
    %add3A_868 = arith.constant 4 : i32
    %add3A_869 = arith.addi %add3A_4, %add3A_868 : i32
    %mul3A_870 = arith.constant 64 : i32
    %mul3A_871 = arith.muli %add3A_869, %mul3A_870 : i32
    %add3A_872 = arith.constant 0 : i32
    %add3A_873 = arith.addi %mul3A_871, %add3A_872 : i32
    %add3A_874 = vector.broadcast %add3A_873 : i32 to vector<16xi32>
    %add3A_875 = arith.addi %add3A_874, %iota3A : vector<16xi32>
    %shift_right_arithmetic3A_876 = arith.constant 6 : i32
    %shift_right_arithmetic3A_877 = vector.broadcast %shift_right_arithmetic3A_876 : i32 to vector<16xi32>
    %shift_right_arithmetic3A_878 = arith.shrsi %add3A_875, %shift_right_arithmetic3A_877 : vector<16xi32>
    %shift_right_arithmetic3A_879 = arith.constant 1 : i32
    %shift_right_arithmetic3A_880 = vector.broadcast %shift_right_arithmetic3A_879 : i32 to vector<16xi32>
    %shift_right_arithmetic3A_881 = arith.shrsi %shift_right_arithmetic3A_878, %shift_right_arithmetic3A_880 : vector<16xi32>
    %add3A_882 = arith.addi %shift_right_arithmetic3A_878, %shift_right_arithmetic3A_881 : vector<16xi32>
    %add3A_883 = arith.constant 1 : i32
    %add3A_884 = vector.broadcast %add3A_883 : i32 to vector<16xi32>
    %add3A_885 = arith.addi %add3A_882, %add3A_884 : vector<16xi32>
    %and3A_886 = arith.constant 3 : i32
    %and3A_887 = vector.broadcast %and3A_886 : i32 to vector<16xi32>
    %and3A_888 = arith.andi %add3A_875, %and3A_887 : vector<16xi32>
    %mul3A_889 = arith.constant 65536 : i32
    %mul3A_890 = vector.broadcast %mul3A_889 : i32 to vector<16xi32>
    %mul3A_891 = arith.muli %and3A_888, %mul3A_890 : vector<16xi32>
    %shift_right_arithmetic3A_892 = arith.constant 3 : i32
    %shift_right_arithmetic3A_893 = vector.broadcast %shift_right_arithmetic3A_892 : i32 to vector<16xi32>
    %shift_right_arithmetic3A_894 = arith.shrsi %add3A_885, %shift_right_arithmetic3A_893 : vector<16xi32>
    %mul3A_895 = arith.constant 128 : i32
    %mul3A_896 = vector.broadcast %mul3A_895 : i32 to vector<16xi32>
    %mul3A_897 = arith.muli %shift_right_arithmetic3A_894, %mul3A_896 : vector<16xi32>
    %add3A_898 = arith.addi %mul3A_891, %mul3A_897 : vector<16xi32>
    %shift_right_arithmetic3A_899 = arith.constant 2 : i32
    %shift_right_arithmetic3A_900 = vector.broadcast %shift_right_arithmetic3A_899 : i32 to vector<16xi32>
    %shift_right_arithmetic3A_901 = arith.shrsi %add3A_875, %shift_right_arithmetic3A_900 : vector<16xi32>
    %and3A_902 = arith.constant 15 : i32
    %and3A_903 = vector.broadcast %and3A_902 : i32 to vector<16xi32>
    %and3A_904 = arith.andi %shift_right_arithmetic3A_901, %and3A_903 : vector<16xi32>
    %mul3A_905 = arith.constant 8 : i32
    %mul3A_906 = vector.broadcast %mul3A_905 : i32 to vector<16xi32>
    %mul3A_907 = arith.muli %and3A_904, %mul3A_906 : vector<16xi32>
    %add3A_908 = arith.addi %add3A_898, %mul3A_907 : vector<16xi32>
    %and3A_909 = arith.constant 7 : i32
    %and3A_910 = vector.broadcast %and3A_909 : i32 to vector<16xi32>
    %and3A_911 = arith.andi %add3A_885, %and3A_910 : vector<16xi32>
    %add3A_912 = arith.addi %add3A_908, %and3A_911 : vector<16xi32>
    %min3A_913 = arith.constant 262143 : i32
    %min3A_914 = vector.broadcast %min3A_913 : i32 to vector<16xi32>
    %min3A_915 = arith.minsi %add3A_912, %min3A_914 : vector<16xi32>
    %swap3A_916 = arith.constant 2 : i32
    %swap3A_917 = arith.index_cast %swap3A_916 : i32 to index
    %swap3A_918 = arith.constant 0 : index
    %swap3A_919 = tpu.vector_load %arg4[%swap3A_917, %swap3A_918] {strides = array<i32>} : memref<43x128xi32, #tpu.memory_space<vmem>>, vector<1x16xi32>,
    %swap3A_920 = vector.shape_cast %swap3A_919 : vector<1x16xi32> to vector<16xi32>
    %swap3A_921 = vector.shape_cast %min3A_915 : vector<16xi32> to vector<1x16xi32>
    tpu.vector_store %arg4[%swap3A_917, %swap3A_918], %swap3A_921 {strides = array<i32>} : memref<43x128xi32, #tpu.memory_space<vmem>>, vector<1x16xi32>,
    %add3A_922 = arith.constant 4 : i32
    %add3A_923 = arith.addi %add3A_4, %add3A_922 : i32
    %mul3A_924 = arith.constant 64 : i32
    %mul3A_925 = arith.muli %add3A_923, %mul3A_924 : i32
    %add3A_926 = arith.constant 16 : i32
    %add3A_927 = arith.addi %mul3A_925, %add3A_926 : i32
    %add3A_928 = vector.broadcast %add3A_927 : i32 to vector<16xi32>
    %add3A_929 = arith.addi %add3A_928, %iota3A : vector<16xi32>
    %shift_right_arithmetic3A_930 = arith.constant 6 : i32
    %shift_right_arithmetic3A_931 = vector.broadcast %shift_right_arithmetic3A_930 : i32 to vector<16xi32>
    %shift_right_arithmetic3A_932 = arith.shrsi %add3A_929, %shift_right_arithmetic3A_931 : vector<16xi32>
    %shift_right_arithmetic3A_933 = arith.constant 1 : i32
    %shift_right_arithmetic3A_934 = vector.broadcast %shift_right_arithmetic3A_933 : i32 to vector<16xi32>
    %shift_right_arithmetic3A_935 = arith.shrsi %shift_right_arithmetic3A_932, %shift_right_arithmetic3A_934 : vector<16xi32>
    %add3A_936 = arith.addi %shift_right_arithmetic3A_932, %shift_right_arithmetic3A_935 : vector<16xi32>
    %add3A_937 = arith.constant 1 : i32
    %add3A_938 = vector.broadcast %add3A_937 : i32 to vector<16xi32>
    %add3A_939 = arith.addi %add3A_936, %add3A_938 : vector<16xi32>
    %and3A_940 = arith.constant 3 : i32
    %and3A_941 = vector.broadcast %and3A_940 : i32 to vector<16xi32>
    %and3A_942 = arith.andi %add3A_929, %and3A_941 : vector<16xi32>
    %mul3A_943 = arith.constant 65536 : i32
    %mul3A_944 = vector.broadcast %mul3A_943 : i32 to vector<16xi32>
    %mul3A_945 = arith.muli %and3A_942, %mul3A_944 : vector<16xi32>
    %shift_right_arithmetic3A_946 = arith.constant 3 : i32
    %shift_right_arithmetic3A_947 = vector.broadcast %shift_right_arithmetic3A_946 : i32 to vector<16xi32>
    %shift_right_arithmetic3A_948 = arith.shrsi %add3A_939, %shift_right_arithmetic3A_947 : vector<16xi32>
    %mul3A_949 = arith.constant 128 : i32
    %mul3A_950 = vector.broadcast %mul3A_949 : i32 to vector<16xi32>
    %mul3A_951 = arith.muli %shift_right_arithmetic3A_948, %mul3A_950 : vector<16xi32>
    %add3A_952 = arith.addi %mul3A_945, %mul3A_951 : vector<16xi32>
    %shift_right_arithmetic3A_953 = arith.constant 2 : i32
    %shift_right_arithmetic3A_954 = vector.broadcast %shift_right_arithmetic3A_953 : i32 to vector<16xi32>
    %shift_right_arithmetic3A_955 = arith.shrsi %add3A_929, %shift_right_arithmetic3A_954 : vector<16xi32>
    %and3A_956 = arith.constant 15 : i32
    %and3A_957 = vector.broadcast %and3A_956 : i32 to vector<16xi32>
    %and3A_958 = arith.andi %shift_right_arithmetic3A_955, %and3A_957 : vector<16xi32>
    %mul3A_959 = arith.constant 8 : i32
    %mul3A_960 = vector.broadcast %mul3A_959 : i32 to vector<16xi32>
    %mul3A_961 = arith.muli %and3A_958, %mul3A_960 : vector<16xi32>
    %add3A_962 = arith.addi %add3A_952, %mul3A_961 : vector<16xi32>
    %and3A_963 = arith.constant 7 : i32
    %and3A_964 = vector.broadcast %and3A_963 : i32 to vector<16xi32>
    %and3A_965 = arith.andi %add3A_939, %and3A_964 : vector<16xi32>
    %add3A_966 = arith.addi %add3A_962, %and3A_965 : vector<16xi32>
    %min3A_967 = arith.constant 262143 : i32
    %min3A_968 = vector.broadcast %min3A_967 : i32 to vector<16xi32>
    %min3A_969 = arith.minsi %add3A_966, %min3A_968 : vector<16xi32>
    %swap3A_970 = arith.constant 2 : i32
    %swap3A_971 = arith.index_cast %swap3A_970 : i32 to index
    %swap3A_972 = arith.constant 16 : index
    %swap3A_973 = tpu.vector_load %arg4[%swap3A_971, %swap3A_972] {strides = array<i32>} : memref<43x128xi32, #tpu.memory_space<vmem>>, vector<1x16xi32>,
    %swap3A_974 = vector.shape_cast %swap3A_973 : vector<1x16xi32> to vector<16xi32>
    %swap3A_975 = vector.shape_cast %min3A_969 : vector<16xi32> to vector<1x16xi32>
    tpu.vector_store %arg4[%swap3A_971, %swap3A_972], %swap3A_975 {strides = array<i32>} : memref<43x128xi32, #tpu.memory_space<vmem>>, vector<1x16xi32>,
    %add3A_976 = arith.constant 4 : i32
    %add3A_977 = arith.addi %add3A_4, %add3A_976 : i32
    %mul3A_978 = arith.constant 64 : i32
    %mul3A_979 = arith.muli %add3A_977, %mul3A_978 : i32
    %add3A_980 = arith.constant 32 : i32
    %add3A_981 = arith.addi %mul3A_979, %add3A_980 : i32
    %add3A_982 = vector.broadcast %add3A_981 : i32 to vector<16xi32>
    %add3A_983 = arith.addi %add3A_982, %iota3A : vector<16xi32>
    %shift_right_arithmetic3A_984 = arith.constant 6 : i32
    %shift_right_arithmetic3A_985 = vector.broadcast %shift_right_arithmetic3A_984 : i32 to vector<16xi32>
    %shift_right_arithmetic3A_986 = arith.shrsi %add3A_983, %shift_right_arithmetic3A_985 : vector<16xi32>
    %shift_right_arithmetic3A_987 = arith.constant 1 : i32
    %shift_right_arithmetic3A_988 = vector.broadcast %shift_right_arithmetic3A_987 : i32 to vector<16xi32>
    %shift_right_arithmetic3A_989 = arith.shrsi %shift_right_arithmetic3A_986, %shift_right_arithmetic3A_988 : vector<16xi32>
    %add3A_990 = arith.addi %shift_right_arithmetic3A_986, %shift_right_arithmetic3A_989 : vector<16xi32>
    %add3A_991 = arith.constant 1 : i32
    %add3A_992 = vector.broadcast %add3A_991 : i32 to vector<16xi32>
    %add3A_993 = arith.addi %add3A_990, %add3A_992 : vector<16xi32>
    %and3A_994 = arith.constant 3 : i32
    %and3A_995 = vector.broadcast %and3A_994 : i32 to vector<16xi32>
    %and3A_996 = arith.andi %add3A_983, %and3A_995 : vector<16xi32>
    %mul3A_997 = arith.constant 65536 : i32
    %mul3A_998 = vector.broadcast %mul3A_997 : i32 to vector<16xi32>
    %mul3A_999 = arith.muli %and3A_996, %mul3A_998 : vector<16xi32>
    %shift_right_arithmetic3A_1000 = arith.constant 3 : i32
    %shift_right_arithmetic3A_1001 = vector.broadcast %shift_right_arithmetic3A_1000 : i32 to vector<16xi32>
    %shift_right_arithmetic3A_1002 = arith.shrsi %add3A_993, %shift_right_arithmetic3A_1001 : vector<16xi32>
    %mul3A_1003 = arith.constant 128 : i32
    %mul3A_1004 = vector.broadcast %mul3A_1003 : i32 to vector<16xi32>
    %mul3A_1005 = arith.muli %shift_right_arithmetic3A_1002, %mul3A_1004 : vector<16xi32>
    %add3A_1006 = arith.addi %mul3A_999, %mul3A_1005 : vector<16xi32>
    %shift_right_arithmetic3A_1007 = arith.constant 2 : i32
    %shift_right_arithmetic3A_1008 = vector.broadcast %shift_right_arithmetic3A_1007 : i32 to vector<16xi32>
    %shift_right_arithmetic3A_1009 = arith.shrsi %add3A_983, %shift_right_arithmetic3A_1008 : vector<16xi32>
    %and3A_1010 = arith.constant 15 : i32
    %and3A_1011 = vector.broadcast %and3A_1010 : i32 to vector<16xi32>
    %and3A_1012 = arith.andi %shift_right_arithmetic3A_1009, %and3A_1011 : vector<16xi32>
    %mul3A_1013 = arith.constant 8 : i32
    %mul3A_1014 = vector.broadcast %mul3A_1013 : i32 to vector<16xi32>
    %mul3A_1015 = arith.muli %and3A_1012, %mul3A_1014 : vector<16xi32>
    %add3A_1016 = arith.addi %add3A_1006, %mul3A_1015 : vector<16xi32>
    %and3A_1017 = arith.constant 7 : i32
    %and3A_1018 = vector.broadcast %and3A_1017 : i32 to vector<16xi32>
    %and3A_1019 = arith.andi %add3A_993, %and3A_1018 : vector<16xi32>
    %add3A_1020 = arith.addi %add3A_1016, %and3A_1019 : vector<16xi32>
    %min3A_1021 = arith.constant 262143 : i32
    %min3A_1022 = vector.broadcast %min3A_1021 : i32 to vector<16xi32>
    %min3A_1023 = arith.minsi %add3A_1020, %min3A_1022 : vector<16xi32>
    %swap3A_1024 = arith.constant 2 : i32
    %swap3A_1025 = arith.index_cast %swap3A_1024 : i32 to index
    %swap3A_1026 = arith.constant 32 : index
    %swap3A_1027 = tpu.vector_load %arg4[%swap3A_1025, %swap3A_1026] {strides = array<i32>} : memref<43x128xi32, #tpu.memory_space<vmem>>, vector<1x16xi32>,
    %swap3A_1028 = vector.shape_cast %swap3A_1027 : vector<1x16xi32> to vector<16xi32>
    %swap3A_1029 = vector.shape_cast %min3A_1023 : vector<16xi32> to vector<1x16xi32>
    tpu.vector_store %arg4[%swap3A_1025, %swap3A_1026], %swap3A_1029 {strides = array<i32>} : memref<43x128xi32, #tpu.memory_space<vmem>>, vector<1x16xi32>,
    %add3A_1030 = arith.constant 4 : i32
    %add3A_1031 = arith.addi %add3A_4, %add3A_1030 : i32
    %mul3A_1032 = arith.constant 64 : i32
    %mul3A_1033 = arith.muli %add3A_1031, %mul3A_1032 : i32
    %add3A_1034 = arith.constant 48 : i32
    %add3A_1035 = arith.addi %mul3A_1033, %add3A_1034 : i32
    %add3A_1036 = vector.broadcast %add3A_1035 : i32 to vector<16xi32>
    %add3A_1037 = arith.addi %add3A_1036, %iota3A : vector<16xi32>
    %shift_right_arithmetic3A_1038 = arith.constant 6 : i32
    %shift_right_arithmetic3A_1039 = vector.broadcast %shift_right_arithmetic3A_1038 : i32 to vector<16xi32>
    %shift_right_arithmetic3A_1040 = arith.shrsi %add3A_1037, %shift_right_arithmetic3A_1039 : vector<16xi32>
    %shift_right_arithmetic3A_1041 = arith.constant 1 : i32
    %shift_right_arithmetic3A_1042 = vector.broadcast %shift_right_arithmetic3A_1041 : i32 to vector<16xi32>
    %shift_right_arithmetic3A_1043 = arith.shrsi %shift_right_arithmetic3A_1040, %shift_right_arithmetic3A_1042 : vector<16xi32>
    %add3A_1044 = arith.addi %shift_right_arithmetic3A_1040, %shift_right_arithmetic3A_1043 : vector<16xi32>
    %add3A_1045 = arith.constant 1 : i32
    %add3A_1046 = vector.broadcast %add3A_1045 : i32 to vector<16xi32>
    %add3A_1047 = arith.addi %add3A_1044, %add3A_1046 : vector<16xi32>
    %and3A_1048 = arith.constant 3 : i32
    %and3A_1049 = vector.broadcast %and3A_1048 : i32 to vector<16xi32>
    %and3A_1050 = arith.andi %add3A_1037, %and3A_1049 : vector<16xi32>
    %mul3A_1051 = arith.constant 65536 : i32
    %mul3A_1052 = vector.broadcast %mul3A_1051 : i32 to vector<16xi32>
    %mul3A_1053 = arith.muli %and3A_1050, %mul3A_1052 : vector<16xi32>
    %shift_right_arithmetic3A_1054 = arith.constant 3 : i32
    %shift_right_arithmetic3A_1055 = vector.broadcast %shift_right_arithmetic3A_1054 : i32 to vector<16xi32>
    %shift_right_arithmetic3A_1056 = arith.shrsi %add3A_1047, %shift_right_arithmetic3A_1055 : vector<16xi32>
    %mul3A_1057 = arith.constant 128 : i32
    %mul3A_1058 = vector.broadcast %mul3A_1057 : i32 to vector<16xi32>
    %mul3A_1059 = arith.muli %shift_right_arithmetic3A_1056, %mul3A_1058 : vector<16xi32>
    %add3A_1060 = arith.addi %mul3A_1053, %mul3A_1059 : vector<16xi32>
    %shift_right_arithmetic3A_1061 = arith.constant 2 : i32
    %shift_right_arithmetic3A_1062 = vector.broadcast %shift_right_arithmetic3A_1061 : i32 to vector<16xi32>
    %shift_right_arithmetic3A_1063 = arith.shrsi %add3A_1037, %shift_right_arithmetic3A_1062 : vector<16xi32>
    %and3A_1064 = arith.constant 15 : i32
    %and3A_1065 = vector.broadcast %and3A_1064 : i32 to vector<16xi32>
    %and3A_1066 = arith.andi %shift_right_arithmetic3A_1063, %and3A_1065 : vector<16xi32>
    %mul3A_1067 = arith.constant 8 : i32
    %mul3A_1068 = vector.broadcast %mul3A_1067 : i32 to vector<16xi32>
    %mul3A_1069 = arith.muli %and3A_1066, %mul3A_1068 : vector<16xi32>
    %add3A_1070 = arith.addi %add3A_1060, %mul3A_1069 : vector<16xi32>
    %and3A_1071 = arith.constant 7 : i32
    %and3A_1072 = vector.broadcast %and3A_1071 : i32 to vector<16xi32>
    %and3A_1073 = arith.andi %add3A_1047, %and3A_1072 : vector<16xi32>
    %add3A_1074 = arith.addi %add3A_1070, %and3A_1073 : vector<16xi32>
    %min3A_1075 = arith.constant 262143 : i32
    %min3A_1076 = vector.broadcast %min3A_1075 : i32 to vector<16xi32>
    %min3A_1077 = arith.minsi %add3A_1074, %min3A_1076 : vector<16xi32>
    %swap3A_1078 = arith.constant 2 : i32
    %swap3A_1079 = arith.index_cast %swap3A_1078 : i32 to index
    %swap3A_1080 = arith.constant 48 : index
    %swap3A_1081 = tpu.vector_load %arg4[%swap3A_1079, %swap3A_1080] {strides = array<i32>} : memref<43x128xi32, #tpu.memory_space<vmem>>, vector<1x16xi32>,
    %swap3A_1082 = vector.shape_cast %swap3A_1081 : vector<1x16xi32> to vector<16xi32>
    %swap3A_1083 = vector.shape_cast %min3A_1077 : vector<16xi32> to vector<1x16xi32>
    tpu.vector_store %arg4[%swap3A_1079, %swap3A_1080], %swap3A_1083 {strides = array<i32>} : memref<43x128xi32, #tpu.memory_space<vmem>>, vector<1x16xi32>,
    %add3A_1084 = arith.constant 4 : i32
    %add3A_1085 = arith.addi %add3A_4, %add3A_1084 : i32
    %mul3A_1086 = arith.constant 64 : i32
    %mul3A_1087 = arith.muli %add3A_1085, %mul3A_1086 : i32
    %add3A_1088 = arith.constant 64 : i32
    %add3A_1089 = arith.addi %mul3A_1087, %add3A_1088 : i32
    %add3A_1090 = vector.broadcast %add3A_1089 : i32 to vector<16xi32>
    %add3A_1091 = arith.addi %add3A_1090, %iota3A : vector<16xi32>
    %shift_right_arithmetic3A_1092 = arith.constant 6 : i32
    %shift_right_arithmetic3A_1093 = vector.broadcast %shift_right_arithmetic3A_1092 : i32 to vector<16xi32>
    %shift_right_arithmetic3A_1094 = arith.shrsi %add3A_1091, %shift_right_arithmetic3A_1093 : vector<16xi32>
    %shift_right_arithmetic3A_1095 = arith.constant 1 : i32
    %shift_right_arithmetic3A_1096 = vector.broadcast %shift_right_arithmetic3A_1095 : i32 to vector<16xi32>
    %shift_right_arithmetic3A_1097 = arith.shrsi %shift_right_arithmetic3A_1094, %shift_right_arithmetic3A_1096 : vector<16xi32>
    %add3A_1098 = arith.addi %shift_right_arithmetic3A_1094, %shift_right_arithmetic3A_1097 : vector<16xi32>
    %add3A_1099 = arith.constant 1 : i32
    %add3A_1100 = vector.broadcast %add3A_1099 : i32 to vector<16xi32>
    %add3A_1101 = arith.addi %add3A_1098, %add3A_1100 : vector<16xi32>
    %and3A_1102 = arith.constant 3 : i32
    %and3A_1103 = vector.broadcast %and3A_1102 : i32 to vector<16xi32>
    %and3A_1104 = arith.andi %add3A_1091, %and3A_1103 : vector<16xi32>
    %mul3A_1105 = arith.constant 65536 : i32
    %mul3A_1106 = vector.broadcast %mul3A_1105 : i32 to vector<16xi32>
    %mul3A_1107 = arith.muli %and3A_1104, %mul3A_1106 : vector<16xi32>
    %shift_right_arithmetic3A_1108 = arith.constant 3 : i32
    %shift_right_arithmetic3A_1109 = vector.broadcast %shift_right_arithmetic3A_1108 : i32 to vector<16xi32>
    %shift_right_arithmetic3A_1110 = arith.shrsi %add3A_1101, %shift_right_arithmetic3A_1109 : vector<16xi32>
    %mul3A_1111 = arith.constant 128 : i32
    %mul3A_1112 = vector.broadcast %mul3A_1111 : i32 to vector<16xi32>
    %mul3A_1113 = arith.muli %shift_right_arithmetic3A_1110, %mul3A_1112 : vector<16xi32>
    %add3A_1114 = arith.addi %mul3A_1107, %mul3A_1113 : vector<16xi32>
    %shift_right_arithmetic3A_1115 = arith.constant 2 : i32
    %shift_right_arithmetic3A_1116 = vector.broadcast %shift_right_arithmetic3A_1115 : i32 to vector<16xi32>
    %shift_right_arithmetic3A_1117 = arith.shrsi %add3A_1091, %shift_right_arithmetic3A_1116 : vector<16xi32>
    %and3A_1118 = arith.constant 15 : i32
    %and3A_1119 = vector.broadcast %and3A_1118 : i32 to vector<16xi32>
    %and3A_1120 = arith.andi %shift_right_arithmetic3A_1117, %and3A_1119 : vector<16xi32>
    %mul3A_1121 = arith.constant 8 : i32
    %mul3A_1122 = vector.broadcast %mul3A_1121 : i32 to vector<16xi32>
    %mul3A_1123 = arith.muli %and3A_1120, %mul3A_1122 : vector<16xi32>
    %add3A_1124 = arith.addi %add3A_1114, %mul3A_1123 : vector<16xi32>
    %and3A_1125 = arith.constant 7 : i32
    %and3A_1126 = vector.broadcast %and3A_1125 : i32 to vector<16xi32>
    %and3A_1127 = arith.andi %add3A_1101, %and3A_1126 : vector<16xi32>
    %add3A_1128 = arith.addi %add3A_1124, %and3A_1127 : vector<16xi32>
    %min3A_1129 = arith.constant 262143 : i32
    %min3A_1130 = vector.broadcast %min3A_1129 : i32 to vector<16xi32>
    %min3A_1131 = arith.minsi %add3A_1128, %min3A_1130 : vector<16xi32>
    %swap3A_1132 = arith.constant 2 : i32
    %swap3A_1133 = arith.index_cast %swap3A_1132 : i32 to index
    %swap3A_1134 = arith.constant 64 : index
    %swap3A_1135 = tpu.vector_load %arg4[%swap3A_1133, %swap3A_1134] {strides = array<i32>} : memref<43x128xi32, #tpu.memory_space<vmem>>, vector<1x16xi32>,
    %swap3A_1136 = vector.shape_cast %swap3A_1135 : vector<1x16xi32> to vector<16xi32>
    %swap3A_1137 = vector.shape_cast %min3A_1131 : vector<16xi32> to vector<1x16xi32>
    tpu.vector_store %arg4[%swap3A_1133, %swap3A_1134], %swap3A_1137 {strides = array<i32>} : memref<43x128xi32, #tpu.memory_space<vmem>>, vector<1x16xi32>,
    %add3A_1138 = arith.constant 4 : i32
    %add3A_1139 = arith.addi %add3A_4, %add3A_1138 : i32
    %mul3A_1140 = arith.constant 64 : i32
    %mul3A_1141 = arith.muli %add3A_1139, %mul3A_1140 : i32
    %add3A_1142 = arith.constant 80 : i32
    %add3A_1143 = arith.addi %mul3A_1141, %add3A_1142 : i32
    %add3A_1144 = vector.broadcast %add3A_1143 : i32 to vector<16xi32>
    %add3A_1145 = arith.addi %add3A_1144, %iota3A : vector<16xi32>
    %shift_right_arithmetic3A_1146 = arith.constant 6 : i32
    %shift_right_arithmetic3A_1147 = vector.broadcast %shift_right_arithmetic3A_1146 : i32 to vector<16xi32>
    %shift_right_arithmetic3A_1148 = arith.shrsi %add3A_1145, %shift_right_arithmetic3A_1147 : vector<16xi32>
    %shift_right_arithmetic3A_1149 = arith.constant 1 : i32
    %shift_right_arithmetic3A_1150 = vector.broadcast %shift_right_arithmetic3A_1149 : i32 to vector<16xi32>
    %shift_right_arithmetic3A_1151 = arith.shrsi %shift_right_arithmetic3A_1148, %shift_right_arithmetic3A_1150 : vector<16xi32>
    %add3A_1152 = arith.addi %shift_right_arithmetic3A_1148, %shift_right_arithmetic3A_1151 : vector<16xi32>
    %add3A_1153 = arith.constant 1 : i32
    %add3A_1154 = vector.broadcast %add3A_1153 : i32 to vector<16xi32>
    %add3A_1155 = arith.addi %add3A_1152, %add3A_1154 : vector<16xi32>
    %and3A_1156 = arith.constant 3 : i32
    %and3A_1157 = vector.broadcast %and3A_1156 : i32 to vector<16xi32>
    %and3A_1158 = arith.andi %add3A_1145, %and3A_1157 : vector<16xi32>
    %mul3A_1159 = arith.constant 65536 : i32
    %mul3A_1160 = vector.broadcast %mul3A_1159 : i32 to vector<16xi32>
    %mul3A_1161 = arith.muli %and3A_1158, %mul3A_1160 : vector<16xi32>
    %shift_right_arithmetic3A_1162 = arith.constant 3 : i32
    %shift_right_arithmetic3A_1163 = vector.broadcast %shift_right_arithmetic3A_1162 : i32 to vector<16xi32>
    %shift_right_arithmetic3A_1164 = arith.shrsi %add3A_1155, %shift_right_arithmetic3A_1163 : vector<16xi32>
    %mul3A_1165 = arith.constant 128 : i32
    %mul3A_1166 = vector.broadcast %mul3A_1165 : i32 to vector<16xi32>
    %mul3A_1167 = arith.muli %shift_right_arithmetic3A_1164, %mul3A_1166 : vector<16xi32>
    %add3A_1168 = arith.addi %mul3A_1161, %mul3A_1167 : vector<16xi32>
    %shift_right_arithmetic3A_1169 = arith.constant 2 : i32
    %shift_right_arithmetic3A_1170 = vector.broadcast %shift_right_arithmetic3A_1169 : i32 to vector<16xi32>
    %shift_right_arithmetic3A_1171 = arith.shrsi %add3A_1145, %shift_right_arithmetic3A_1170 : vector<16xi32>
    %and3A_1172 = arith.constant 15 : i32
    %and3A_1173 = vector.broadcast %and3A_1172 : i32 to vector<16xi32>
    %and3A_1174 = arith.andi %shift_right_arithmetic3A_1171, %and3A_1173 : vector<16xi32>
    %mul3A_1175 = arith.constant 8 : i32
    %mul3A_1176 = vector.broadcast %mul3A_1175 : i32 to vector<16xi32>
    %mul3A_1177 = arith.muli %and3A_1174, %mul3A_1176 : vector<16xi32>
    %add3A_1178 = arith.addi %add3A_1168, %mul3A_1177 : vector<16xi32>
    %and3A_1179 = arith.constant 7 : i32
    %and3A_1180 = vector.broadcast %and3A_1179 : i32 to vector<16xi32>
    %and3A_1181 = arith.andi %add3A_1155, %and3A_1180 : vector<16xi32>
    %add3A_1182 = arith.addi %add3A_1178, %and3A_1181 : vector<16xi32>
    %min3A_1183 = arith.constant 262143 : i32
    %min3A_1184 = vector.broadcast %min3A_1183 : i32 to vector<16xi32>
    %min3A_1185 = arith.minsi %add3A_1182, %min3A_1184 : vector<16xi32>
    %swap3A_1186 = arith.constant 2 : i32
    %swap3A_1187 = arith.index_cast %swap3A_1186 : i32 to index
    %swap3A_1188 = arith.constant 80 : index
    %swap3A_1189 = tpu.vector_load %arg4[%swap3A_1187, %swap3A_1188] {strides = array<i32>} : memref<43x128xi32, #tpu.memory_space<vmem>>, vector<1x16xi32>,
    %swap3A_1190 = vector.shape_cast %swap3A_1189 : vector<1x16xi32> to vector<16xi32>
    %swap3A_1191 = vector.shape_cast %min3A_1185 : vector<16xi32> to vector<1x16xi32>
    tpu.vector_store %arg4[%swap3A_1187, %swap3A_1188], %swap3A_1191 {strides = array<i32>} : memref<43x128xi32, #tpu.memory_space<vmem>>, vector<1x16xi32>,
    %add3A_1192 = arith.constant 4 : i32
    %add3A_1193 = arith.addi %add3A_4, %add3A_1192 : i32
    %mul3A_1194 = arith.constant 64 : i32
    %mul3A_1195 = arith.muli %add3A_1193, %mul3A_1194 : i32
    %add3A_1196 = arith.constant 96 : i32
    %add3A_1197 = arith.addi %mul3A_1195, %add3A_1196 : i32
    %add3A_1198 = vector.broadcast %add3A_1197 : i32 to vector<16xi32>
    %add3A_1199 = arith.addi %add3A_1198, %iota3A : vector<16xi32>
    %shift_right_arithmetic3A_1200 = arith.constant 6 : i32
    %shift_right_arithmetic3A_1201 = vector.broadcast %shift_right_arithmetic3A_1200 : i32 to vector<16xi32>
    %shift_right_arithmetic3A_1202 = arith.shrsi %add3A_1199, %shift_right_arithmetic3A_1201 : vector<16xi32>
    %shift_right_arithmetic3A_1203 = arith.constant 1 : i32
    %shift_right_arithmetic3A_1204 = vector.broadcast %shift_right_arithmetic3A_1203 : i32 to vector<16xi32>
    %shift_right_arithmetic3A_1205 = arith.shrsi %shift_right_arithmetic3A_1202, %shift_right_arithmetic3A_1204 : vector<16xi32>
    %add3A_1206 = arith.addi %shift_right_arithmetic3A_1202, %shift_right_arithmetic3A_1205 : vector<16xi32>
    %add3A_1207 = arith.constant 1 : i32
    %add3A_1208 = vector.broadcast %add3A_1207 : i32 to vector<16xi32>
    %add3A_1209 = arith.addi %add3A_1206, %add3A_1208 : vector<16xi32>
    %and3A_1210 = arith.constant 3 : i32
    %and3A_1211 = vector.broadcast %and3A_1210 : i32 to vector<16xi32>
    %and3A_1212 = arith.andi %add3A_1199, %and3A_1211 : vector<16xi32>
    %mul3A_1213 = arith.constant 65536 : i32
    %mul3A_1214 = vector.broadcast %mul3A_1213 : i32 to vector<16xi32>
    %mul3A_1215 = arith.muli %and3A_1212, %mul3A_1214 : vector<16xi32>
    %shift_right_arithmetic3A_1216 = arith.constant 3 : i32
    %shift_right_arithmetic3A_1217 = vector.broadcast %shift_right_arithmetic3A_1216 : i32 to vector<16xi32>
    %shift_right_arithmetic3A_1218 = arith.shrsi %add3A_1209, %shift_right_arithmetic3A_1217 : vector<16xi32>
    %mul3A_1219 = arith.constant 128 : i32
    %mul3A_1220 = vector.broadcast %mul3A_1219 : i32 to vector<16xi32>
    %mul3A_1221 = arith.muli %shift_right_arithmetic3A_1218, %mul3A_1220 : vector<16xi32>
    %add3A_1222 = arith.addi %mul3A_1215, %mul3A_1221 : vector<16xi32>
    %shift_right_arithmetic3A_1223 = arith.constant 2 : i32
    %shift_right_arithmetic3A_1224 = vector.broadcast %shift_right_arithmetic3A_1223 : i32 to vector<16xi32>
    %shift_right_arithmetic3A_1225 = arith.shrsi %add3A_1199, %shift_right_arithmetic3A_1224 : vector<16xi32>
    %and3A_1226 = arith.constant 15 : i32
    %and3A_1227 = vector.broadcast %and3A_1226 : i32 to vector<16xi32>
    %and3A_1228 = arith.andi %shift_right_arithmetic3A_1225, %and3A_1227 : vector<16xi32>
    %mul3A_1229 = arith.constant 8 : i32
    %mul3A_1230 = vector.broadcast %mul3A_1229 : i32 to vector<16xi32>
    %mul3A_1231 = arith.muli %and3A_1228, %mul3A_1230 : vector<16xi32>
    %add3A_1232 = arith.addi %add3A_1222, %mul3A_1231 : vector<16xi32>
    %and3A_1233 = arith.constant 7 : i32
    %and3A_1234 = vector.broadcast %and3A_1233 : i32 to vector<16xi32>
    %and3A_1235 = arith.andi %add3A_1209, %and3A_1234 : vector<16xi32>
    %add3A_1236 = arith.addi %add3A_1232, %and3A_1235 : vector<16xi32>
    %min3A_1237 = arith.constant 262143 : i32
    %min3A_1238 = vector.broadcast %min3A_1237 : i32 to vector<16xi32>
    %min3A_1239 = arith.minsi %add3A_1236, %min3A_1238 : vector<16xi32>
    %swap3A_1240 = arith.constant 2 : i32
    %swap3A_1241 = arith.index_cast %swap3A_1240 : i32 to index
    %swap3A_1242 = arith.constant 96 : index
    %swap3A_1243 = tpu.vector_load %arg4[%swap3A_1241, %swap3A_1242] {strides = array<i32>} : memref<43x128xi32, #tpu.memory_space<vmem>>, vector<1x16xi32>,
    %swap3A_1244 = vector.shape_cast %swap3A_1243 : vector<1x16xi32> to vector<16xi32>
    %swap3A_1245 = vector.shape_cast %min3A_1239 : vector<16xi32> to vector<1x16xi32>
    tpu.vector_store %arg4[%swap3A_1241, %swap3A_1242], %swap3A_1245 {strides = array<i32>} : memref<43x128xi32, #tpu.memory_space<vmem>>, vector<1x16xi32>,
    %add3A_1246 = arith.constant 4 : i32
    %add3A_1247 = arith.addi %add3A_4, %add3A_1246 : i32
    %mul3A_1248 = arith.constant 64 : i32
    %mul3A_1249 = arith.muli %add3A_1247, %mul3A_1248 : i32
    %add3A_1250 = arith.constant 112 : i32
    %add3A_1251 = arith.addi %mul3A_1249, %add3A_1250 : i32
    %add3A_1252 = vector.broadcast %add3A_1251 : i32 to vector<16xi32>
    %add3A_1253 = arith.addi %add3A_1252, %iota3A : vector<16xi32>
    %shift_right_arithmetic3A_1254 = arith.constant 6 : i32
    %shift_right_arithmetic3A_1255 = vector.broadcast %shift_right_arithmetic3A_1254 : i32 to vector<16xi32>
    %shift_right_arithmetic3A_1256 = arith.shrsi %add3A_1253, %shift_right_arithmetic3A_1255 : vector<16xi32>
    %shift_right_arithmetic3A_1257 = arith.constant 1 : i32
    %shift_right_arithmetic3A_1258 = vector.broadcast %shift_right_arithmetic3A_1257 : i32 to vector<16xi32>
    %shift_right_arithmetic3A_1259 = arith.shrsi %shift_right_arithmetic3A_1256, %shift_right_arithmetic3A_1258 : vector<16xi32>
    %add3A_1260 = arith.addi %shift_right_arithmetic3A_1256, %shift_right_arithmetic3A_1259 : vector<16xi32>
    %add3A_1261 = arith.constant 1 : i32
    %add3A_1262 = vector.broadcast %add3A_1261 : i32 to vector<16xi32>
    %add3A_1263 = arith.addi %add3A_1260, %add3A_1262 : vector<16xi32>
    %and3A_1264 = arith.constant 3 : i32
    %and3A_1265 = vector.broadcast %and3A_1264 : i32 to vector<16xi32>
    %and3A_1266 = arith.andi %add3A_1253, %and3A_1265 : vector<16xi32>
    %mul3A_1267 = arith.constant 65536 : i32
    %mul3A_1268 = vector.broadcast %mul3A_1267 : i32 to vector<16xi32>
    %mul3A_1269 = arith.muli %and3A_1266, %mul3A_1268 : vector<16xi32>
    %shift_right_arithmetic3A_1270 = arith.constant 3 : i32
    %shift_right_arithmetic3A_1271 = vector.broadcast %shift_right_arithmetic3A_1270 : i32 to vector<16xi32>
    %shift_right_arithmetic3A_1272 = arith.shrsi %add3A_1263, %shift_right_arithmetic3A_1271 : vector<16xi32>
    %mul3A_1273 = arith.constant 128 : i32
    %mul3A_1274 = vector.broadcast %mul3A_1273 : i32 to vector<16xi32>
    %mul3A_1275 = arith.muli %shift_right_arithmetic3A_1272, %mul3A_1274 : vector<16xi32>
    %add3A_1276 = arith.addi %mul3A_1269, %mul3A_1275 : vector<16xi32>
    %shift_right_arithmetic3A_1277 = arith.constant 2 : i32
    %shift_right_arithmetic3A_1278 = vector.broadcast %shift_right_arithmetic3A_1277 : i32 to vector<16xi32>
    %shift_right_arithmetic3A_1279 = arith.shrsi %add3A_1253, %shift_right_arithmetic3A_1278 : vector<16xi32>
    %and3A_1280 = arith.constant 15 : i32
    %and3A_1281 = vector.broadcast %and3A_1280 : i32 to vector<16xi32>
    %and3A_1282 = arith.andi %shift_right_arithmetic3A_1279, %and3A_1281 : vector<16xi32>
    %mul3A_1283 = arith.constant 8 : i32
    %mul3A_1284 = vector.broadcast %mul3A_1283 : i32 to vector<16xi32>
    %mul3A_1285 = arith.muli %and3A_1282, %mul3A_1284 : vector<16xi32>
    %add3A_1286 = arith.addi %add3A_1276, %mul3A_1285 : vector<16xi32>
    %and3A_1287 = arith.constant 7 : i32
    %and3A_1288 = vector.broadcast %and3A_1287 : i32 to vector<16xi32>
    %and3A_1289 = arith.andi %add3A_1263, %and3A_1288 : vector<16xi32>
    %add3A_1290 = arith.addi %add3A_1286, %and3A_1289 : vector<16xi32>
    %min3A_1291 = arith.constant 262143 : i32
    %min3A_1292 = vector.broadcast %min3A_1291 : i32 to vector<16xi32>
    %min3A_1293 = arith.minsi %add3A_1290, %min3A_1292 : vector<16xi32>
    %swap3A_1294 = arith.constant 2 : i32
    %swap3A_1295 = arith.index_cast %swap3A_1294 : i32 to index
    %swap3A_1296 = arith.constant 112 : index
    %swap3A_1297 = tpu.vector_load %arg4[%swap3A_1295, %swap3A_1296] {strides = array<i32>} : memref<43x128xi32, #tpu.memory_space<vmem>>, vector<1x16xi32>,
    %swap3A_1298 = vector.shape_cast %swap3A_1297 : vector<1x16xi32> to vector<16xi32>
    %swap3A_1299 = vector.shape_cast %min3A_1293 : vector<16xi32> to vector<1x16xi32>
    tpu.vector_store %arg4[%swap3A_1295, %swap3A_1296], %swap3A_1299 {strides = array<i32>} : memref<43x128xi32, #tpu.memory_space<vmem>>, vector<1x16xi32>,
    %dma_start3A = arith.constant 0 : i32
    %dma_start3A_1300 = arith.constant 0 : i32
    %dma_start3A_1301 = tpu.memref_slice %arg4[%dma_start3A, %dma_start3A_1300] : memref<43x128xi32, #tpu.memory_space<vmem>> -> memref<1x128xi32, #tpu.memory_space<vmem>>
    %dma_start3A_1302 = tpu.memref_squeeze %dma_start3A_1301 : memref<1x128xi32, #tpu.memory_space<vmem>> -> memref<128xi32, #tpu.memory_space<vmem>>
    %dma_start3A_1303 = arith.constant 0 : i32
    %dma_start3A_1304 = arith.constant 0 : i32
    %dma_start3A_1305 = tpu.memref_slice %arg2[%dma_start3A_1303, %dma_start3A_1304] : memref<262144x128xf32, #tpu.memory_space<hbm>> -> memref<262144x128xf32, #tpu.memory_space<hbm>>
    tpu.enqueue_indirect_dma source(%dma_start3A_1305 : memref<262144x128xf32, #tpu.memory_space<hbm>>) target(%arg5 : memref<128x128xf32, #tpu.memory_space<vmem>>) offsets(%dma_start3A_1302 : memref<128xi32, #tpu.memory_space<vmem>>) semaphore(%arg9 : memref<!tpu.dma_semaphore, #tpu.memory_space<semaphore_mem>>)
    %dma_start3A_1306 = arith.constant 1 : i32
    %dma_start3A_1307 = arith.constant 0 : i32
    %dma_start3A_1308 = tpu.memref_slice %arg4[%dma_start3A_1306, %dma_start3A_1307] : memref<43x128xi32, #tpu.memory_space<vmem>> -> memref<1x128xi32, #tpu.memory_space<vmem>>
    %dma_start3A_1309 = tpu.memref_squeeze %dma_start3A_1308 : memref<1x128xi32, #tpu.memory_space<vmem>> -> memref<128xi32, #tpu.memory_space<vmem>>
    %dma_start3A_1310 = arith.constant 0 : i32
    %dma_start3A_1311 = arith.constant 0 : i32
    %dma_start3A_1312 = tpu.memref_slice %arg2[%dma_start3A_1310, %dma_start3A_1311] : memref<262144x128xf32, #tpu.memory_space<hbm>> -> memref<262144x128xf32, #tpu.memory_space<hbm>>
    tpu.enqueue_indirect_dma source(%dma_start3A_1312 : memref<262144x128xf32, #tpu.memory_space<hbm>>) target(%arg6 : memref<128x128xf32, #tpu.memory_space<vmem>>) offsets(%dma_start3A_1309 : memref<128xi32, #tpu.memory_space<vmem>>) semaphore(%arg10 : memref<!tpu.dma_semaphore, #tpu.memory_space<semaphore_mem>>)
    %dma_start3A_1313 = arith.constant 2 : i32
    %dma_start3A_1314 = arith.constant 0 : i32
    %dma_start3A_1315 = tpu.memref_slice %arg4[%dma_start3A_1313, %dma_start3A_1314] : memref<43x128xi32, #tpu.memory_space<vmem>> -> memref<1x128xi32, #tpu.memory_space<vmem>>
    %dma_start3A_1316 = tpu.memref_squeeze %dma_start3A_1315 : memref<1x128xi32, #tpu.memory_space<vmem>> -> memref<128xi32, #tpu.memory_space<vmem>>
    %dma_start3A_1317 = arith.constant 0 : i32
    %dma_start3A_1318 = arith.constant 0 : i32
    %dma_start3A_1319 = tpu.memref_slice %arg2[%dma_start3A_1317, %dma_start3A_1318] : memref<262144x128xf32, #tpu.memory_space<hbm>> -> memref<262144x128xf32, #tpu.memory_space<hbm>>
    tpu.enqueue_indirect_dma source(%dma_start3A_1319 : memref<262144x128xf32, #tpu.memory_space<hbm>>) target(%arg7 : memref<128x128xf32, #tpu.memory_space<vmem>>) offsets(%dma_start3A_1316 : memref<128xi32, #tpu.memory_space<vmem>>) semaphore(%arg11 : memref<!tpu.dma_semaphore, #tpu.memory_space<semaphore_mem>>)
    %scan3A = arith.constant 0 : i32
    %scan3A_1320 = arith.constant 3 : i32
    %scan3A_1321 = arith.constant 40 : i32
    %scan3A_1322 = arith.addi %scan3A_1320, %scan3A_1321 : i32
    %scan3A_1323 = arith.constant 1 : i32
    scf.for %scan3A_1348 = %scan3A_1320 to %scan3A_1322 step %scan3A_1323  : i32 {
      %mul3A_1349 = arith.constant 2 : i32
      %mul3A_1350 = arith.muli %mul3A_1349, %scan3A_1348 : i32
      %add3A_1351 = arith.addi %add3A_4, %mul3A_1350 : i32
      %mul3A_1352 = arith.constant 64 : i32
      %mul3A_1353 = arith.muli %add3A_1351, %mul3A_1352 : i32
      %add3A_1354 = arith.constant 0 : i32
      %add3A_1355 = arith.addi %mul3A_1353, %add3A_1354 : i32
      %add3A_1356 = vector.broadcast %add3A_1355 : i32 to vector<16xi32>
      %add3A_1357 = arith.addi %add3A_1356, %iota3A : vector<16xi32>
      %shift_right_arithmetic3A_1358 = arith.constant 6 : i32
      %shift_right_arithmetic3A_1359 = vector.broadcast %shift_right_arithmetic3A_1358 : i32 to vector<16xi32>
      %shift_right_arithmetic3A_1360 = arith.shrsi %add3A_1357, %shift_right_arithmetic3A_1359 : vector<16xi32>
      %shift_right_arithmetic3A_1361 = arith.constant 1 : i32
      %shift_right_arithmetic3A_1362 = vector.broadcast %shift_right_arithmetic3A_1361 : i32 to vector<16xi32>
      %shift_right_arithmetic3A_1363 = arith.shrsi %shift_right_arithmetic3A_1360, %shift_right_arithmetic3A_1362 : vector<16xi32>
      %add3A_1364 = arith.addi %shift_right_arithmetic3A_1360, %shift_right_arithmetic3A_1363 : vector<16xi32>
      %add3A_1365 = arith.constant 1 : i32
      %add3A_1366 = vector.broadcast %add3A_1365 : i32 to vector<16xi32>
      %add3A_1367 = arith.addi %add3A_1364, %add3A_1366 : vector<16xi32>
      %and3A_1368 = arith.constant 3 : i32
      %and3A_1369 = vector.broadcast %and3A_1368 : i32 to vector<16xi32>
      %and3A_1370 = arith.andi %add3A_1357, %and3A_1369 : vector<16xi32>
      %mul3A_1371 = arith.constant 65536 : i32
      %mul3A_1372 = vector.broadcast %mul3A_1371 : i32 to vector<16xi32>
      %mul3A_1373 = arith.muli %and3A_1370, %mul3A_1372 : vector<16xi32>
      %shift_right_arithmetic3A_1374 = arith.constant 3 : i32
      %shift_right_arithmetic3A_1375 = vector.broadcast %shift_right_arithmetic3A_1374 : i32 to vector<16xi32>
      %shift_right_arithmetic3A_1376 = arith.shrsi %add3A_1367, %shift_right_arithmetic3A_1375 : vector<16xi32>
      %mul3A_1377 = arith.constant 128 : i32
      %mul3A_1378 = vector.broadcast %mul3A_1377 : i32 to vector<16xi32>
      %mul3A_1379 = arith.muli %shift_right_arithmetic3A_1376, %mul3A_1378 : vector<16xi32>
      %add3A_1380 = arith.addi %mul3A_1373, %mul3A_1379 : vector<16xi32>
      %shift_right_arithmetic3A_1381 = arith.constant 2 : i32
      %shift_right_arithmetic3A_1382 = vector.broadcast %shift_right_arithmetic3A_1381 : i32 to vector<16xi32>
      %shift_right_arithmetic3A_1383 = arith.shrsi %add3A_1357, %shift_right_arithmetic3A_1382 : vector<16xi32>
      %and3A_1384 = arith.constant 15 : i32
      %and3A_1385 = vector.broadcast %and3A_1384 : i32 to vector<16xi32>
      %and3A_1386 = arith.andi %shift_right_arithmetic3A_1383, %and3A_1385 : vector<16xi32>
      %mul3A_1387 = arith.constant 8 : i32
      %mul3A_1388 = vector.broadcast %mul3A_1387 : i32 to vector<16xi32>
      %mul3A_1389 = arith.muli %and3A_1386, %mul3A_1388 : vector<16xi32>
      %add3A_1390 = arith.addi %add3A_1380, %mul3A_1389 : vector<16xi32>
      %and3A_1391 = arith.constant 7 : i32
      %and3A_1392 = vector.broadcast %and3A_1391 : i32 to vector<16xi32>
      %and3A_1393 = arith.andi %add3A_1367, %and3A_1392 : vector<16xi32>
      %add3A_1394 = arith.addi %add3A_1390, %and3A_1393 : vector<16xi32>
      %min3A_1395 = arith.constant 262143 : i32
      %min3A_1396 = vector.broadcast %min3A_1395 : i32 to vector<16xi32>
      %min3A_1397 = arith.minsi %add3A_1394, %min3A_1396 : vector<16xi32>
      %swap3A_1398 = arith.index_cast %scan3A_1348 : i32 to index
      %swap3A_1399 = arith.constant 0 : index
      %swap3A_1400 = tpu.vector_load %arg4[%swap3A_1398, %swap3A_1399] {strides = array<i32>} : memref<43x128xi32, #tpu.memory_space<vmem>>, vector<1x16xi32>,
      %swap3A_1401 = vector.shape_cast %swap3A_1400 : vector<1x16xi32> to vector<16xi32>
      %swap3A_1402 = vector.shape_cast %min3A_1397 : vector<16xi32> to vector<1x16xi32>
      tpu.vector_store %arg4[%swap3A_1398, %swap3A_1399], %swap3A_1402 {strides = array<i32>} : memref<43x128xi32, #tpu.memory_space<vmem>>, vector<1x16xi32>,
      %mul3A_1403 = arith.constant 2 : i32
      %mul3A_1404 = arith.muli %mul3A_1403, %scan3A_1348 : i32
      %add3A_1405 = arith.addi %add3A_4, %mul3A_1404 : i32
      %mul3A_1406 = arith.constant 64 : i32
      %mul3A_1407 = arith.muli %add3A_1405, %mul3A_1406 : i32
      %add3A_1408 = arith.constant 16 : i32
      %add3A_1409 = arith.addi %mul3A_1407, %add3A_1408 : i32
      %add3A_1410 = vector.broadcast %add3A_1409 : i32 to vector<16xi32>
      %add3A_1411 = arith.addi %add3A_1410, %iota3A : vector<16xi32>
      %shift_right_arithmetic3A_1412 = arith.constant 6 : i32
      %shift_right_arithmetic3A_1413 = vector.broadcast %shift_right_arithmetic3A_1412 : i32 to vector<16xi32>
      %shift_right_arithmetic3A_1414 = arith.shrsi %add3A_1411, %shift_right_arithmetic3A_1413 : vector<16xi32>
      %shift_right_arithmetic3A_1415 = arith.constant 1 : i32
      %shift_right_arithmetic3A_1416 = vector.broadcast %shift_right_arithmetic3A_1415 : i32 to vector<16xi32>
      %shift_right_arithmetic3A_1417 = arith.shrsi %shift_right_arithmetic3A_1414, %shift_right_arithmetic3A_1416 : vector<16xi32>
      %add3A_1418 = arith.addi %shift_right_arithmetic3A_1414, %shift_right_arithmetic3A_1417 : vector<16xi32>
      %add3A_1419 = arith.constant 1 : i32
      %add3A_1420 = vector.broadcast %add3A_1419 : i32 to vector<16xi32>
      %add3A_1421 = arith.addi %add3A_1418, %add3A_1420 : vector<16xi32>
      %and3A_1422 = arith.constant 3 : i32
      %and3A_1423 = vector.broadcast %and3A_1422 : i32 to vector<16xi32>
      %and3A_1424 = arith.andi %add3A_1411, %and3A_1423 : vector<16xi32>
      %mul3A_1425 = arith.constant 65536 : i32
      %mul3A_1426 = vector.broadcast %mul3A_1425 : i32 to vector<16xi32>
      %mul3A_1427 = arith.muli %and3A_1424, %mul3A_1426 : vector<16xi32>
      %shift_right_arithmetic3A_1428 = arith.constant 3 : i32
      %shift_right_arithmetic3A_1429 = vector.broadcast %shift_right_arithmetic3A_1428 : i32 to vector<16xi32>
      %shift_right_arithmetic3A_1430 = arith.shrsi %add3A_1421, %shift_right_arithmetic3A_1429 : vector<16xi32>
      %mul3A_1431 = arith.constant 128 : i32
      %mul3A_1432 = vector.broadcast %mul3A_1431 : i32 to vector<16xi32>
      %mul3A_1433 = arith.muli %shift_right_arithmetic3A_1430, %mul3A_1432 : vector<16xi32>
      %add3A_1434 = arith.addi %mul3A_1427, %mul3A_1433 : vector<16xi32>
      %shift_right_arithmetic3A_1435 = arith.constant 2 : i32
      %shift_right_arithmetic3A_1436 = vector.broadcast %shift_right_arithmetic3A_1435 : i32 to vector<16xi32>
      %shift_right_arithmetic3A_1437 = arith.shrsi %add3A_1411, %shift_right_arithmetic3A_1436 : vector<16xi32>
      %and3A_1438 = arith.constant 15 : i32
      %and3A_1439 = vector.broadcast %and3A_1438 : i32 to vector<16xi32>
      %and3A_1440 = arith.andi %shift_right_arithmetic3A_1437, %and3A_1439 : vector<16xi32>
      %mul3A_1441 = arith.constant 8 : i32
      %mul3A_1442 = vector.broadcast %mul3A_1441 : i32 to vector<16xi32>
      %mul3A_1443 = arith.muli %and3A_1440, %mul3A_1442 : vector<16xi32>
      %add3A_1444 = arith.addi %add3A_1434, %mul3A_1443 : vector<16xi32>
      %and3A_1445 = arith.constant 7 : i32
      %and3A_1446 = vector.broadcast %and3A_1445 : i32 to vector<16xi32>
      %and3A_1447 = arith.andi %add3A_1421, %and3A_1446 : vector<16xi32>
      %add3A_1448 = arith.addi %add3A_1444, %and3A_1447 : vector<16xi32>
      %min3A_1449 = arith.constant 262143 : i32
      %min3A_1450 = vector.broadcast %min3A_1449 : i32 to vector<16xi32>
      %min3A_1451 = arith.minsi %add3A_1448, %min3A_1450 : vector<16xi32>
      %swap3A_1452 = arith.index_cast %scan3A_1348 : i32 to index
      %swap3A_1453 = arith.constant 16 : index
      %swap3A_1454 = tpu.vector_load %arg4[%swap3A_1452, %swap3A_1453] {strides = array<i32>} : memref<43x128xi32, #tpu.memory_space<vmem>>, vector<1x16xi32>,
      %swap3A_1455 = vector.shape_cast %swap3A_1454 : vector<1x16xi32> to vector<16xi32>
      %swap3A_1456 = vector.shape_cast %min3A_1451 : vector<16xi32> to vector<1x16xi32>
      tpu.vector_store %arg4[%swap3A_1452, %swap3A_1453], %swap3A_1456 {strides = array<i32>} : memref<43x128xi32, #tpu.memory_space<vmem>>, vector<1x16xi32>,
      %mul3A_1457 = arith.constant 2 : i32
      %mul3A_1458 = arith.muli %mul3A_1457, %scan3A_1348 : i32
      %add3A_1459 = arith.addi %add3A_4, %mul3A_1458 : i32
      %mul3A_1460 = arith.constant 64 : i32
      %mul3A_1461 = arith.muli %add3A_1459, %mul3A_1460 : i32
      %add3A_1462 = arith.constant 32 : i32
      %add3A_1463 = arith.addi %mul3A_1461, %add3A_1462 : i32
      %add3A_1464 = vector.broadcast %add3A_1463 : i32 to vector<16xi32>
      %add3A_1465 = arith.addi %add3A_1464, %iota3A : vector<16xi32>
      %shift_right_arithmetic3A_1466 = arith.constant 6 : i32
      %shift_right_arithmetic3A_1467 = vector.broadcast %shift_right_arithmetic3A_1466 : i32 to vector<16xi32>
      %shift_right_arithmetic3A_1468 = arith.shrsi %add3A_1465, %shift_right_arithmetic3A_1467 : vector<16xi32>
      %shift_right_arithmetic3A_1469 = arith.constant 1 : i32
      %shift_right_arithmetic3A_1470 = vector.broadcast %shift_right_arithmetic3A_1469 : i32 to vector<16xi32>
      %shift_right_arithmetic3A_1471 = arith.shrsi %shift_right_arithmetic3A_1468, %shift_right_arithmetic3A_1470 : vector<16xi32>
      %add3A_1472 = arith.addi %shift_right_arithmetic3A_1468, %shift_right_arithmetic3A_1471 : vector<16xi32>
      %add3A_1473 = arith.constant 1 : i32
      %add3A_1474 = vector.broadcast %add3A_1473 : i32 to vector<16xi32>
      %add3A_1475 = arith.addi %add3A_1472, %add3A_1474 : vector<16xi32>
      %and3A_1476 = arith.constant 3 : i32
      %and3A_1477 = vector.broadcast %and3A_1476 : i32 to vector<16xi32>
      %and3A_1478 = arith.andi %add3A_1465, %and3A_1477 : vector<16xi32>
      %mul3A_1479 = arith.constant 65536 : i32
      %mul3A_1480 = vector.broadcast %mul3A_1479 : i32 to vector<16xi32>
      %mul3A_1481 = arith.muli %and3A_1478, %mul3A_1480 : vector<16xi32>
      %shift_right_arithmetic3A_1482 = arith.constant 3 : i32
      %shift_right_arithmetic3A_1483 = vector.broadcast %shift_right_arithmetic3A_1482 : i32 to vector<16xi32>
      %shift_right_arithmetic3A_1484 = arith.shrsi %add3A_1475, %shift_right_arithmetic3A_1483 : vector<16xi32>
      %mul3A_1485 = arith.constant 128 : i32
      %mul3A_1486 = vector.broadcast %mul3A_1485 : i32 to vector<16xi32>
      %mul3A_1487 = arith.muli %shift_right_arithmetic3A_1484, %mul3A_1486 : vector<16xi32>
      %add3A_1488 = arith.addi %mul3A_1481, %mul3A_1487 : vector<16xi32>
      %shift_right_arithmetic3A_1489 = arith.constant 2 : i32
      %shift_right_arithmetic3A_1490 = vector.broadcast %shift_right_arithmetic3A_1489 : i32 to vector<16xi32>
      %shift_right_arithmetic3A_1491 = arith.shrsi %add3A_1465, %shift_right_arithmetic3A_1490 : vector<16xi32>
      %and3A_1492 = arith.constant 15 : i32
      %and3A_1493 = vector.broadcast %and3A_1492 : i32 to vector<16xi32>
      %and3A_1494 = arith.andi %shift_right_arithmetic3A_1491, %and3A_1493 : vector<16xi32>
      %mul3A_1495 = arith.constant 8 : i32
      %mul3A_1496 = vector.broadcast %mul3A_1495 : i32 to vector<16xi32>
      %mul3A_1497 = arith.muli %and3A_1494, %mul3A_1496 : vector<16xi32>
      %add3A_1498 = arith.addi %add3A_1488, %mul3A_1497 : vector<16xi32>
      %and3A_1499 = arith.constant 7 : i32
      %and3A_1500 = vector.broadcast %and3A_1499 : i32 to vector<16xi32>
      %and3A_1501 = arith.andi %add3A_1475, %and3A_1500 : vector<16xi32>
      %add3A_1502 = arith.addi %add3A_1498, %and3A_1501 : vector<16xi32>
      %min3A_1503 = arith.constant 262143 : i32
      %min3A_1504 = vector.broadcast %min3A_1503 : i32 to vector<16xi32>
      %min3A_1505 = arith.minsi %add3A_1502, %min3A_1504 : vector<16xi32>
      %swap3A_1506 = arith.index_cast %scan3A_1348 : i32 to index
      %swap3A_1507 = arith.constant 32 : index
      %swap3A_1508 = tpu.vector_load %arg4[%swap3A_1506, %swap3A_1507] {strides = array<i32>} : memref<43x128xi32, #tpu.memory_space<vmem>>, vector<1x16xi32>,
      %swap3A_1509 = vector.shape_cast %swap3A_1508 : vector<1x16xi32> to vector<16xi32>
      %swap3A_1510 = vector.shape_cast %min3A_1505 : vector<16xi32> to vector<1x16xi32>
      tpu.vector_store %arg4[%swap3A_1506, %swap3A_1507], %swap3A_1510 {strides = array<i32>} : memref<43x128xi32, #tpu.memory_space<vmem>>, vector<1x16xi32>,
      %mul3A_1511 = arith.constant 2 : i32
      %mul3A_1512 = arith.muli %mul3A_1511, %scan3A_1348 : i32
      %add3A_1513 = arith.addi %add3A_4, %mul3A_1512 : i32
      %mul3A_1514 = arith.constant 64 : i32
      %mul3A_1515 = arith.muli %add3A_1513, %mul3A_1514 : i32
      %add3A_1516 = arith.constant 48 : i32
      %add3A_1517 = arith.addi %mul3A_1515, %add3A_1516 : i32
      %add3A_1518 = vector.broadcast %add3A_1517 : i32 to vector<16xi32>
      %add3A_1519 = arith.addi %add3A_1518, %iota3A : vector<16xi32>
      %shift_right_arithmetic3A_1520 = arith.constant 6 : i32
      %shift_right_arithmetic3A_1521 = vector.broadcast %shift_right_arithmetic3A_1520 : i32 to vector<16xi32>
      %shift_right_arithmetic3A_1522 = arith.shrsi %add3A_1519, %shift_right_arithmetic3A_1521 : vector<16xi32>
      %shift_right_arithmetic3A_1523 = arith.constant 1 : i32
      %shift_right_arithmetic3A_1524 = vector.broadcast %shift_right_arithmetic3A_1523 : i32 to vector<16xi32>
      %shift_right_arithmetic3A_1525 = arith.shrsi %shift_right_arithmetic3A_1522, %shift_right_arithmetic3A_1524 : vector<16xi32>
      %add3A_1526 = arith.addi %shift_right_arithmetic3A_1522, %shift_right_arithmetic3A_1525 : vector<16xi32>
      %add3A_1527 = arith.constant 1 : i32
      %add3A_1528 = vector.broadcast %add3A_1527 : i32 to vector<16xi32>
      %add3A_1529 = arith.addi %add3A_1526, %add3A_1528 : vector<16xi32>
      %and3A_1530 = arith.constant 3 : i32
      %and3A_1531 = vector.broadcast %and3A_1530 : i32 to vector<16xi32>
      %and3A_1532 = arith.andi %add3A_1519, %and3A_1531 : vector<16xi32>
      %mul3A_1533 = arith.constant 65536 : i32
      %mul3A_1534 = vector.broadcast %mul3A_1533 : i32 to vector<16xi32>
      %mul3A_1535 = arith.muli %and3A_1532, %mul3A_1534 : vector<16xi32>
      %shift_right_arithmetic3A_1536 = arith.constant 3 : i32
      %shift_right_arithmetic3A_1537 = vector.broadcast %shift_right_arithmetic3A_1536 : i32 to vector<16xi32>
      %shift_right_arithmetic3A_1538 = arith.shrsi %add3A_1529, %shift_right_arithmetic3A_1537 : vector<16xi32>
      %mul3A_1539 = arith.constant 128 : i32
      %mul3A_1540 = vector.broadcast %mul3A_1539 : i32 to vector<16xi32>
      %mul3A_1541 = arith.muli %shift_right_arithmetic3A_1538, %mul3A_1540 : vector<16xi32>
      %add3A_1542 = arith.addi %mul3A_1535, %mul3A_1541 : vector<16xi32>
      %shift_right_arithmetic3A_1543 = arith.constant 2 : i32
      %shift_right_arithmetic3A_1544 = vector.broadcast %shift_right_arithmetic3A_1543 : i32 to vector<16xi32>
      %shift_right_arithmetic3A_1545 = arith.shrsi %add3A_1519, %shift_right_arithmetic3A_1544 : vector<16xi32>
      %and3A_1546 = arith.constant 15 : i32
      %and3A_1547 = vector.broadcast %and3A_1546 : i32 to vector<16xi32>
      %and3A_1548 = arith.andi %shift_right_arithmetic3A_1545, %and3A_1547 : vector<16xi32>
      %mul3A_1549 = arith.constant 8 : i32
      %mul3A_1550 = vector.broadcast %mul3A_1549 : i32 to vector<16xi32>
      %mul3A_1551 = arith.muli %and3A_1548, %mul3A_1550 : vector<16xi32>
      %add3A_1552 = arith.addi %add3A_1542, %mul3A_1551 : vector<16xi32>
      %and3A_1553 = arith.constant 7 : i32
      %and3A_1554 = vector.broadcast %and3A_1553 : i32 to vector<16xi32>
      %and3A_1555 = arith.andi %add3A_1529, %and3A_1554 : vector<16xi32>
      %add3A_1556 = arith.addi %add3A_1552, %and3A_1555 : vector<16xi32>
      %min3A_1557 = arith.constant 262143 : i32
      %min3A_1558 = vector.broadcast %min3A_1557 : i32 to vector<16xi32>
      %min3A_1559 = arith.minsi %add3A_1556, %min3A_1558 : vector<16xi32>
      %swap3A_1560 = arith.index_cast %scan3A_1348 : i32 to index
      %swap3A_1561 = arith.constant 48 : index
      %swap3A_1562 = tpu.vector_load %arg4[%swap3A_1560, %swap3A_1561] {strides = array<i32>} : memref<43x128xi32, #tpu.memory_space<vmem>>, vector<1x16xi32>,
      %swap3A_1563 = vector.shape_cast %swap3A_1562 : vector<1x16xi32> to vector<16xi32>
      %swap3A_1564 = vector.shape_cast %min3A_1559 : vector<16xi32> to vector<1x16xi32>
      tpu.vector_store %arg4[%swap3A_1560, %swap3A_1561], %swap3A_1564 {strides = array<i32>} : memref<43x128xi32, #tpu.memory_space<vmem>>, vector<1x16xi32>,
      %mul3A_1565 = arith.constant 2 : i32
      %mul3A_1566 = arith.muli %mul3A_1565, %scan3A_1348 : i32
      %add3A_1567 = arith.addi %add3A_4, %mul3A_1566 : i32
      %mul3A_1568 = arith.constant 64 : i32
      %mul3A_1569 = arith.muli %add3A_1567, %mul3A_1568 : i32
      %add3A_1570 = arith.constant 64 : i32
      %add3A_1571 = arith.addi %mul3A_1569, %add3A_1570 : i32
      %add3A_1572 = vector.broadcast %add3A_1571 : i32 to vector<16xi32>
      %add3A_1573 = arith.addi %add3A_1572, %iota3A : vector<16xi32>
      %shift_right_arithmetic3A_1574 = arith.constant 6 : i32
      %shift_right_arithmetic3A_1575 = vector.broadcast %shift_right_arithmetic3A_1574 : i32 to vector<16xi32>
      %shift_right_arithmetic3A_1576 = arith.shrsi %add3A_1573, %shift_right_arithmetic3A_1575 : vector<16xi32>
      %shift_right_arithmetic3A_1577 = arith.constant 1 : i32
      %shift_right_arithmetic3A_1578 = vector.broadcast %shift_right_arithmetic3A_1577 : i32 to vector<16xi32>
      %shift_right_arithmetic3A_1579 = arith.shrsi %shift_right_arithmetic3A_1576, %shift_right_arithmetic3A_1578 : vector<16xi32>
      %add3A_1580 = arith.addi %shift_right_arithmetic3A_1576, %shift_right_arithmetic3A_1579 : vector<16xi32>
      %add3A_1581 = arith.constant 1 : i32
      %add3A_1582 = vector.broadcast %add3A_1581 : i32 to vector<16xi32>
      %add3A_1583 = arith.addi %add3A_1580, %add3A_1582 : vector<16xi32>
      %and3A_1584 = arith.constant 3 : i32
      %and3A_1585 = vector.broadcast %and3A_1584 : i32 to vector<16xi32>
      %and3A_1586 = arith.andi %add3A_1573, %and3A_1585 : vector<16xi32>
      %mul3A_1587 = arith.constant 65536 : i32
      %mul3A_1588 = vector.broadcast %mul3A_1587 : i32 to vector<16xi32>
      %mul3A_1589 = arith.muli %and3A_1586, %mul3A_1588 : vector<16xi32>
      %shift_right_arithmetic3A_1590 = arith.constant 3 : i32
      %shift_right_arithmetic3A_1591 = vector.broadcast %shift_right_arithmetic3A_1590 : i32 to vector<16xi32>
      %shift_right_arithmetic3A_1592 = arith.shrsi %add3A_1583, %shift_right_arithmetic3A_1591 : vector<16xi32>
      %mul3A_1593 = arith.constant 128 : i32
      %mul3A_1594 = vector.broadcast %mul3A_1593 : i32 to vector<16xi32>
      %mul3A_1595 = arith.muli %shift_right_arithmetic3A_1592, %mul3A_1594 : vector<16xi32>
      %add3A_1596 = arith.addi %mul3A_1589, %mul3A_1595 : vector<16xi32>
      %shift_right_arithmetic3A_1597 = arith.constant 2 : i32
      %shift_right_arithmetic3A_1598 = vector.broadcast %shift_right_arithmetic3A_1597 : i32 to vector<16xi32>
      %shift_right_arithmetic3A_1599 = arith.shrsi %add3A_1573, %shift_right_arithmetic3A_1598 : vector<16xi32>
      %and3A_1600 = arith.constant 15 : i32
      %and3A_1601 = vector.broadcast %and3A_1600 : i32 to vector<16xi32>
      %and3A_1602 = arith.andi %shift_right_arithmetic3A_1599, %and3A_1601 : vector<16xi32>
      %mul3A_1603 = arith.constant 8 : i32
      %mul3A_1604 = vector.broadcast %mul3A_1603 : i32 to vector<16xi32>
      %mul3A_1605 = arith.muli %and3A_1602, %mul3A_1604 : vector<16xi32>
      %add3A_1606 = arith.addi %add3A_1596, %mul3A_1605 : vector<16xi32>
      %and3A_1607 = arith.constant 7 : i32
      %and3A_1608 = vector.broadcast %and3A_1607 : i32 to vector<16xi32>
      %and3A_1609 = arith.andi %add3A_1583, %and3A_1608 : vector<16xi32>
      %add3A_1610 = arith.addi %add3A_1606, %and3A_1609 : vector<16xi32>
      %min3A_1611 = arith.constant 262143 : i32
      %min3A_1612 = vector.broadcast %min3A_1611 : i32 to vector<16xi32>
      %min3A_1613 = arith.minsi %add3A_1610, %min3A_1612 : vector<16xi32>
      %swap3A_1614 = arith.index_cast %scan3A_1348 : i32 to index
      %swap3A_1615 = arith.constant 64 : index
      %swap3A_1616 = tpu.vector_load %arg4[%swap3A_1614, %swap3A_1615] {strides = array<i32>} : memref<43x128xi32, #tpu.memory_space<vmem>>, vector<1x16xi32>,
      %swap3A_1617 = vector.shape_cast %swap3A_1616 : vector<1x16xi32> to vector<16xi32>
      %swap3A_1618 = vector.shape_cast %min3A_1613 : vector<16xi32> to vector<1x16xi32>
      tpu.vector_store %arg4[%swap3A_1614, %swap3A_1615], %swap3A_1618 {strides = array<i32>} : memref<43x128xi32, #tpu.memory_space<vmem>>, vector<1x16xi32>,
      %mul3A_1619 = arith.constant 2 : i32
      %mul3A_1620 = arith.muli %mul3A_1619, %scan3A_1348 : i32
      %add3A_1621 = arith.addi %add3A_4, %mul3A_1620 : i32
      %mul3A_1622 = arith.constant 64 : i32
      %mul3A_1623 = arith.muli %add3A_1621, %mul3A_1622 : i32
      %add3A_1624 = arith.constant 80 : i32
      %add3A_1625 = arith.addi %mul3A_1623, %add3A_1624 : i32
      %add3A_1626 = vector.broadcast %add3A_1625 : i32 to vector<16xi32>
      %add3A_1627 = arith.addi %add3A_1626, %iota3A : vector<16xi32>
      %shift_right_arithmetic3A_1628 = arith.constant 6 : i32
      %shift_right_arithmetic3A_1629 = vector.broadcast %shift_right_arithmetic3A_1628 : i32 to vector<16xi32>
      %shift_right_arithmetic3A_1630 = arith.shrsi %add3A_1627, %shift_right_arithmetic3A_1629 : vector<16xi32>
      %shift_right_arithmetic3A_1631 = arith.constant 1 : i32
      %shift_right_arithmetic3A_1632 = vector.broadcast %shift_right_arithmetic3A_1631 : i32 to vector<16xi32>
      %shift_right_arithmetic3A_1633 = arith.shrsi %shift_right_arithmetic3A_1630, %shift_right_arithmetic3A_1632 : vector<16xi32>
      %add3A_1634 = arith.addi %shift_right_arithmetic3A_1630, %shift_right_arithmetic3A_1633 : vector<16xi32>
      %add3A_1635 = arith.constant 1 : i32
      %add3A_1636 = vector.broadcast %add3A_1635 : i32 to vector<16xi32>
      %add3A_1637 = arith.addi %add3A_1634, %add3A_1636 : vector<16xi32>
      %and3A_1638 = arith.constant 3 : i32
      %and3A_1639 = vector.broadcast %and3A_1638 : i32 to vector<16xi32>
      %and3A_1640 = arith.andi %add3A_1627, %and3A_1639 : vector<16xi32>
      %mul3A_1641 = arith.constant 65536 : i32
      %mul3A_1642 = vector.broadcast %mul3A_1641 : i32 to vector<16xi32>
      %mul3A_1643 = arith.muli %and3A_1640, %mul3A_1642 : vector<16xi32>
      %shift_right_arithmetic3A_1644 = arith.constant 3 : i32
      %shift_right_arithmetic3A_1645 = vector.broadcast %shift_right_arithmetic3A_1644 : i32 to vector<16xi32>
      %shift_right_arithmetic3A_1646 = arith.shrsi %add3A_1637, %shift_right_arithmetic3A_1645 : vector<16xi32>
      %mul3A_1647 = arith.constant 128 : i32
      %mul3A_1648 = vector.broadcast %mul3A_1647 : i32 to vector<16xi32>
      %mul3A_1649 = arith.muli %shift_right_arithmetic3A_1646, %mul3A_1648 : vector<16xi32>
      %add3A_1650 = arith.addi %mul3A_1643, %mul3A_1649 : vector<16xi32>
      %shift_right_arithmetic3A_1651 = arith.constant 2 : i32
      %shift_right_arithmetic3A_1652 = vector.broadcast %shift_right_arithmetic3A_1651 : i32 to vector<16xi32>
      %shift_right_arithmetic3A_1653 = arith.shrsi %add3A_1627, %shift_right_arithmetic3A_1652 : vector<16xi32>
      %and3A_1654 = arith.constant 15 : i32
      %and3A_1655 = vector.broadcast %and3A_1654 : i32 to vector<16xi32>
      %and3A_1656 = arith.andi %shift_right_arithmetic3A_1653, %and3A_1655 : vector<16xi32>
      %mul3A_1657 = arith.constant 8 : i32
      %mul3A_1658 = vector.broadcast %mul3A_1657 : i32 to vector<16xi32>
      %mul3A_1659 = arith.muli %and3A_1656, %mul3A_1658 : vector<16xi32>
      %add3A_1660 = arith.addi %add3A_1650, %mul3A_1659 : vector<16xi32>
      %and3A_1661 = arith.constant 7 : i32
      %and3A_1662 = vector.broadcast %and3A_1661 : i32 to vector<16xi32>
      %and3A_1663 = arith.andi %add3A_1637, %and3A_1662 : vector<16xi32>
      %add3A_1664 = arith.addi %add3A_1660, %and3A_1663 : vector<16xi32>
      %min3A_1665 = arith.constant 262143 : i32
      %min3A_1666 = vector.broadcast %min3A_1665 : i32 to vector<16xi32>
      %min3A_1667 = arith.minsi %add3A_1664, %min3A_1666 : vector<16xi32>
      %swap3A_1668 = arith.index_cast %scan3A_1348 : i32 to index
      %swap3A_1669 = arith.constant 80 : index
      %swap3A_1670 = tpu.vector_load %arg4[%swap3A_1668, %swap3A_1669] {strides = array<i32>} : memref<43x128xi32, #tpu.memory_space<vmem>>, vector<1x16xi32>,
      %swap3A_1671 = vector.shape_cast %swap3A_1670 : vector<1x16xi32> to vector<16xi32>
      %swap3A_1672 = vector.shape_cast %min3A_1667 : vector<16xi32> to vector<1x16xi32>
      tpu.vector_store %arg4[%swap3A_1668, %swap3A_1669], %swap3A_1672 {strides = array<i32>} : memref<43x128xi32, #tpu.memory_space<vmem>>, vector<1x16xi32>,
      %mul3A_1673 = arith.constant 2 : i32
      %mul3A_1674 = arith.muli %mul3A_1673, %scan3A_1348 : i32
      %add3A_1675 = arith.addi %add3A_4, %mul3A_1674 : i32
      %mul3A_1676 = arith.constant 64 : i32
      %mul3A_1677 = arith.muli %add3A_1675, %mul3A_1676 : i32
      %add3A_1678 = arith.constant 96 : i32
      %add3A_1679 = arith.addi %mul3A_1677, %add3A_1678 : i32
      %add3A_1680 = vector.broadcast %add3A_1679 : i32 to vector<16xi32>
      %add3A_1681 = arith.addi %add3A_1680, %iota3A : vector<16xi32>
      %shift_right_arithmetic3A_1682 = arith.constant 6 : i32
      %shift_right_arithmetic3A_1683 = vector.broadcast %shift_right_arithmetic3A_1682 : i32 to vector<16xi32>
      %shift_right_arithmetic3A_1684 = arith.shrsi %add3A_1681, %shift_right_arithmetic3A_1683 : vector<16xi32>
      %shift_right_arithmetic3A_1685 = arith.constant 1 : i32
      %shift_right_arithmetic3A_1686 = vector.broadcast %shift_right_arithmetic3A_1685 : i32 to vector<16xi32>
      %shift_right_arithmetic3A_1687 = arith.shrsi %shift_right_arithmetic3A_1684, %shift_right_arithmetic3A_1686 : vector<16xi32>
      %add3A_1688 = arith.addi %shift_right_arithmetic3A_1684, %shift_right_arithmetic3A_1687 : vector<16xi32>
      %add3A_1689 = arith.constant 1 : i32
      %add3A_1690 = vector.broadcast %add3A_1689 : i32 to vector<16xi32>
      %add3A_1691 = arith.addi %add3A_1688, %add3A_1690 : vector<16xi32>
      %and3A_1692 = arith.constant 3 : i32
      %and3A_1693 = vector.broadcast %and3A_1692 : i32 to vector<16xi32>
      %and3A_1694 = arith.andi %add3A_1681, %and3A_1693 : vector<16xi32>
      %mul3A_1695 = arith.constant 65536 : i32
      %mul3A_1696 = vector.broadcast %mul3A_1695 : i32 to vector<16xi32>
      %mul3A_1697 = arith.muli %and3A_1694, %mul3A_1696 : vector<16xi32>
      %shift_right_arithmetic3A_1698 = arith.constant 3 : i32
      %shift_right_arithmetic3A_1699 = vector.broadcast %shift_right_arithmetic3A_1698 : i32 to vector<16xi32>
      %shift_right_arithmetic3A_1700 = arith.shrsi %add3A_1691, %shift_right_arithmetic3A_1699 : vector<16xi32>
      %mul3A_1701 = arith.constant 128 : i32
      %mul3A_1702 = vector.broadcast %mul3A_1701 : i32 to vector<16xi32>
      %mul3A_1703 = arith.muli %shift_right_arithmetic3A_1700, %mul3A_1702 : vector<16xi32>
      %add3A_1704 = arith.addi %mul3A_1697, %mul3A_1703 : vector<16xi32>
      %shift_right_arithmetic3A_1705 = arith.constant 2 : i32
      %shift_right_arithmetic3A_1706 = vector.broadcast %shift_right_arithmetic3A_1705 : i32 to vector<16xi32>
      %shift_right_arithmetic3A_1707 = arith.shrsi %add3A_1681, %shift_right_arithmetic3A_1706 : vector<16xi32>
      %and3A_1708 = arith.constant 15 : i32
      %and3A_1709 = vector.broadcast %and3A_1708 : i32 to vector<16xi32>
      %and3A_1710 = arith.andi %shift_right_arithmetic3A_1707, %and3A_1709 : vector<16xi32>
      %mul3A_1711 = arith.constant 8 : i32
      %mul3A_1712 = vector.broadcast %mul3A_1711 : i32 to vector<16xi32>
      %mul3A_1713 = arith.muli %and3A_1710, %mul3A_1712 : vector<16xi32>
      %add3A_1714 = arith.addi %add3A_1704, %mul3A_1713 : vector<16xi32>
      %and3A_1715 = arith.constant 7 : i32
      %and3A_1716 = vector.broadcast %and3A_1715 : i32 to vector<16xi32>
      %and3A_1717 = arith.andi %add3A_1691, %and3A_1716 : vector<16xi32>
      %add3A_1718 = arith.addi %add3A_1714, %and3A_1717 : vector<16xi32>
      %min3A_1719 = arith.constant 262143 : i32
      %min3A_1720 = vector.broadcast %min3A_1719 : i32 to vector<16xi32>
      %min3A_1721 = arith.minsi %add3A_1718, %min3A_1720 : vector<16xi32>
      %swap3A_1722 = arith.index_cast %scan3A_1348 : i32 to index
      %swap3A_1723 = arith.constant 96 : index
      %swap3A_1724 = tpu.vector_load %arg4[%swap3A_1722, %swap3A_1723] {strides = array<i32>} : memref<43x128xi32, #tpu.memory_space<vmem>>, vector<1x16xi32>,
      %swap3A_1725 = vector.shape_cast %swap3A_1724 : vector<1x16xi32> to vector<16xi32>
      %swap3A_1726 = vector.shape_cast %min3A_1721 : vector<16xi32> to vector<1x16xi32>
      tpu.vector_store %arg4[%swap3A_1722, %swap3A_1723], %swap3A_1726 {strides = array<i32>} : memref<43x128xi32, #tpu.memory_space<vmem>>, vector<1x16xi32>,
      %mul3A_1727 = arith.constant 2 : i32
      %mul3A_1728 = arith.muli %mul3A_1727, %scan3A_1348 : i32
      %add3A_1729 = arith.addi %add3A_4, %mul3A_1728 : i32
      %mul3A_1730 = arith.constant 64 : i32
      %mul3A_1731 = arith.muli %add3A_1729, %mul3A_1730 : i32
      %add3A_1732 = arith.constant 112 : i32
      %add3A_1733 = arith.addi %mul3A_1731, %add3A_1732 : i32
      %add3A_1734 = vector.broadcast %add3A_1733 : i32 to vector<16xi32>
      %add3A_1735 = arith.addi %add3A_1734, %iota3A : vector<16xi32>
      %shift_right_arithmetic3A_1736 = arith.constant 6 : i32
      %shift_right_arithmetic3A_1737 = vector.broadcast %shift_right_arithmetic3A_1736 : i32 to vector<16xi32>
      %shift_right_arithmetic3A_1738 = arith.shrsi %add3A_1735, %shift_right_arithmetic3A_1737 : vector<16xi32>
      %shift_right_arithmetic3A_1739 = arith.constant 1 : i32
      %shift_right_arithmetic3A_1740 = vector.broadcast %shift_right_arithmetic3A_1739 : i32 to vector<16xi32>
      %shift_right_arithmetic3A_1741 = arith.shrsi %shift_right_arithmetic3A_1738, %shift_right_arithmetic3A_1740 : vector<16xi32>
      %add3A_1742 = arith.addi %shift_right_arithmetic3A_1738, %shift_right_arithmetic3A_1741 : vector<16xi32>
      %add3A_1743 = arith.constant 1 : i32
      %add3A_1744 = vector.broadcast %add3A_1743 : i32 to vector<16xi32>
      %add3A_1745 = arith.addi %add3A_1742, %add3A_1744 : vector<16xi32>
      %and3A_1746 = arith.constant 3 : i32
      %and3A_1747 = vector.broadcast %and3A_1746 : i32 to vector<16xi32>
      %and3A_1748 = arith.andi %add3A_1735, %and3A_1747 : vector<16xi32>
      %mul3A_1749 = arith.constant 65536 : i32
      %mul3A_1750 = vector.broadcast %mul3A_1749 : i32 to vector<16xi32>
      %mul3A_1751 = arith.muli %and3A_1748, %mul3A_1750 : vector<16xi32>
      %shift_right_arithmetic3A_1752 = arith.constant 3 : i32
      %shift_right_arithmetic3A_1753 = vector.broadcast %shift_right_arithmetic3A_1752 : i32 to vector<16xi32>
      %shift_right_arithmetic3A_1754 = arith.shrsi %add3A_1745, %shift_right_arithmetic3A_1753 : vector<16xi32>
      %mul3A_1755 = arith.constant 128 : i32
      %mul3A_1756 = vector.broadcast %mul3A_1755 : i32 to vector<16xi32>
      %mul3A_1757 = arith.muli %shift_right_arithmetic3A_1754, %mul3A_1756 : vector<16xi32>
      %add3A_1758 = arith.addi %mul3A_1751, %mul3A_1757 : vector<16xi32>
      %shift_right_arithmetic3A_1759 = arith.constant 2 : i32
      %shift_right_arithmetic3A_1760 = vector.broadcast %shift_right_arithmetic3A_1759 : i32 to vector<16xi32>
      %shift_right_arithmetic3A_1761 = arith.shrsi %add3A_1735, %shift_right_arithmetic3A_1760 : vector<16xi32>
      %and3A_1762 = arith.constant 15 : i32
      %and3A_1763 = vector.broadcast %and3A_1762 : i32 to vector<16xi32>
      %and3A_1764 = arith.andi %shift_right_arithmetic3A_1761, %and3A_1763 : vector<16xi32>
      %mul3A_1765 = arith.constant 8 : i32
      %mul3A_1766 = vector.broadcast %mul3A_1765 : i32 to vector<16xi32>
      %mul3A_1767 = arith.muli %and3A_1764, %mul3A_1766 : vector<16xi32>
      %add3A_1768 = arith.addi %add3A_1758, %mul3A_1767 : vector<16xi32>
      %and3A_1769 = arith.constant 7 : i32
      %and3A_1770 = vector.broadcast %and3A_1769 : i32 to vector<16xi32>
      %and3A_1771 = arith.andi %add3A_1745, %and3A_1770 : vector<16xi32>
      %add3A_1772 = arith.addi %add3A_1768, %and3A_1771 : vector<16xi32>
      %min3A_1773 = arith.constant 262143 : i32
      %min3A_1774 = vector.broadcast %min3A_1773 : i32 to vector<16xi32>
      %min3A_1775 = arith.minsi %add3A_1772, %min3A_1774 : vector<16xi32>
      %swap3A_1776 = arith.index_cast %scan3A_1348 : i32 to index
      %swap3A_1777 = arith.constant 112 : index
      %swap3A_1778 = tpu.vector_load %arg4[%swap3A_1776, %swap3A_1777] {strides = array<i32>} : memref<43x128xi32, #tpu.memory_space<vmem>>, vector<1x16xi32>,
      %swap3A_1779 = vector.shape_cast %swap3A_1778 : vector<1x16xi32> to vector<16xi32>
      %swap3A_1780 = vector.shape_cast %min3A_1775 : vector<16xi32> to vector<1x16xi32>
      tpu.vector_store %arg4[%swap3A_1776, %swap3A_1777], %swap3A_1780 {strides = array<i32>} : memref<43x128xi32, #tpu.memory_space<vmem>>, vector<1x16xi32>,
    }
    %scan3A_1324 = arith.constant 40 : i32
    %scan3A_1325 = arith.constant 0 : i32
    %scan3A_1326 = arith.constant 0 : i32
    %scan3A_1327 = arith.constant 14 : i32
    %scan3A_1328 = arith.addi %scan3A_1326, %scan3A_1327 : i32
    %scan3A_1329 = arith.constant 1 : i32
    scf.for %scan3A_1348 = %scan3A_1326 to %scan3A_1328 step %scan3A_1329  : i32 {
      %mul3A_1349 = arith.constant 3 : i32
      %mul3A_1350 = arith.muli %mul3A_1349, %scan3A_1348 : i32
      %add3A_1351 = arith.constant 0 : i32
      %add3A_1352 = arith.addi %mul3A_1350, %add3A_1351 : i32
      %ge3A_1353 = arith.constant 1 : i32
      %ge3A_1354 = arith.cmpi sge, %add3A_1352, %ge3A_1353 : i32
      %lt3A_1355 = arith.constant 40 : i32
      %lt3A_1356 = arith.cmpi slt, %add3A_1352, %lt3A_1355 : i32
      %and3A_1357 = arith.andi %ge3A_1354, %lt3A_1356 : i1
      %convert_element_type3A_1358 = arith.extui %and3A_1357 : i1 to i32
      %cond3A_1359 = arith.constant 0 : i32
      %cond3A_1360 = arith.cmpi ne, %convert_element_type3A_1358, %cond3A_1359 : i32
      scf.if %cond3A_1360 {
        %dma_wait3A_1427 = arith.constant 0 : i32
        %dma_wait3A_1428 = tpu.memref_slice %arg3[%mul3A_6, %dma_wait3A_1427] : memref<174720x128xf32, #tpu.memory_space<hbm>> -> memref<128x128xf32, #tpu.memory_space<hbm>>
        %dma_wait3A_1429 = arith.constant 0 : i32
        %dma_wait3A_1430 = tpu.memref_slice %arg3[%mul3A_6, %dma_wait3A_1429] : memref<174720x128xf32, #tpu.memory_space<hbm>> -> memref<128x128xf32, #tpu.memory_space<hbm>>
        tpu.wait_dma2 semaphore(%arg14 : memref<!tpu.dma_semaphore, #tpu.memory_space<semaphore_mem>>) src(%arg7 : memref<128x128xf32, #tpu.memory_space<vmem>>) dst(%dma_wait3A_1430 : memref<128x128xf32, #tpu.memory_space<hbm>>)
        %add3A_1431 = arith.constant 2 : i32
        %add3A_1432 = arith.addi %add3A_1352, %add3A_1431 : i32
        %dma_start3A_1433 = arith.constant 0 : i32
        %dma_start3A_1434 = tpu.memref_slice %arg4[%add3A_1432, %dma_start3A_1433] : memref<43x128xi32, #tpu.memory_space<vmem>> -> memref<1x128xi32, #tpu.memory_space<vmem>>
        %dma_start3A_1435 = tpu.memref_squeeze %dma_start3A_1434 : memref<1x128xi32, #tpu.memory_space<vmem>> -> memref<128xi32, #tpu.memory_space<vmem>>
        %dma_start3A_1436 = arith.constant 0 : i32
        %dma_start3A_1437 = arith.constant 0 : i32
        %dma_start3A_1438 = tpu.memref_slice %arg2[%dma_start3A_1436, %dma_start3A_1437] : memref<262144x128xf32, #tpu.memory_space<hbm>> -> memref<262144x128xf32, #tpu.memory_space<hbm>>
        tpu.enqueue_indirect_dma source(%dma_start3A_1438 : memref<262144x128xf32, #tpu.memory_space<hbm>>) target(%arg7 : memref<128x128xf32, #tpu.memory_space<vmem>>) offsets(%dma_start3A_1435 : memref<128xi32, #tpu.memory_space<vmem>>) semaphore(%arg11 : memref<!tpu.dma_semaphore, #tpu.memory_space<semaphore_mem>>)
      } else {
      }
      %dma_wait3A_1361 = arith.constant 0 : i32
      %dma_wait3A_1362 = arith.constant 0 : i32
      %dma_wait3A_1363 = tpu.memref_slice %arg4[%dma_wait3A_1361, %dma_wait3A_1362] : memref<43x128xi32, #tpu.memory_space<vmem>> -> memref<1x128xi32, #tpu.memory_space<vmem>>
      %dma_wait3A_1364 = tpu.memref_squeeze %dma_wait3A_1363 : memref<1x128xi32, #tpu.memory_space<vmem>> -> memref<128xi32, #tpu.memory_space<vmem>>
      %dma_wait3A_1365 = arith.constant 0 : i32
      %dma_wait3A_1366 = arith.constant 0 : i32
      %dma_wait3A_1367 = tpu.memref_slice %arg2[%dma_wait3A_1365, %dma_wait3A_1366] : memref<262144x128xf32, #tpu.memory_space<hbm>> -> memref<262144x128xf32, #tpu.memory_space<hbm>>
      tpu.wait_indirect_dma semaphore(%arg9 : memref<!tpu.dma_semaphore, #tpu.memory_space<semaphore_mem>>) src(%dma_wait3A_1367 : memref<262144x128xf32, #tpu.memory_space<hbm>>) dst(%arg5 : memref<128x128xf32, #tpu.memory_space<vmem>>)
      %mul3A_1368 = arith.constant 128 : i32
      %mul3A_1369 = arith.muli %add3A_1352, %mul3A_1368 : i32
      %add3A_1370 = arith.addi %mul3A_6, %mul3A_1369 : i32
      %dma_start3A_1371 = arith.constant 0 : i32
      %dma_start3A_1372 = tpu.memref_slice %arg3[%add3A_1370, %dma_start3A_1371] : memref<174720x128xf32, #tpu.memory_space<hbm>> -> memref<128x128xf32, #tpu.memory_space<hbm>>
      %dma_start3A_1373 = arith.constant 0 : i32
      %dma_start3A_1374 = tpu.memref_slice %arg3[%add3A_1370, %dma_start3A_1373] : memref<174720x128xf32, #tpu.memory_space<hbm>> -> memref<128x128xf32, #tpu.memory_space<hbm>>
      tpu.enqueue_dma source(%arg5 : memref<128x128xf32, #tpu.memory_space<vmem>>) target(%dma_start3A_1374 : memref<128x128xf32, #tpu.memory_space<hbm>>) target_semaphore(%arg12 : memref<!tpu.dma_semaphore, #tpu.memory_space<semaphore_mem>>)
      %mul3A_1375 = arith.constant 3 : i32
      %mul3A_1376 = arith.muli %mul3A_1375, %scan3A_1348 : i32
      %add3A_1377 = arith.constant 1 : i32
      %add3A_1378 = arith.addi %mul3A_1376, %add3A_1377 : i32
      %ge3A_1379 = arith.constant 1 : i32
      %ge3A_1380 = arith.cmpi sge, %add3A_1378, %ge3A_1379 : i32
      %lt3A_1381 = arith.constant 40 : i32
      %lt3A_1382 = arith.cmpi slt, %add3A_1378, %lt3A_1381 : i32
      %and3A_1383 = arith.andi %ge3A_1380, %lt3A_1382 : i1
      %convert_element_type3A_1384 = arith.extui %and3A_1383 : i1 to i32
      %cond3A_1385 = arith.constant 0 : i32
      %cond3A_1386 = arith.cmpi ne, %convert_element_type3A_1384, %cond3A_1385 : i32
      scf.if %cond3A_1386 {
        %dma_wait3A_1427 = arith.constant 0 : i32
        %dma_wait3A_1428 = tpu.memref_slice %arg3[%mul3A_6, %dma_wait3A_1427] : memref<174720x128xf32, #tpu.memory_space<hbm>> -> memref<128x128xf32, #tpu.memory_space<hbm>>
        %dma_wait3A_1429 = arith.constant 0 : i32
        %dma_wait3A_1430 = tpu.memref_slice %arg3[%mul3A_6, %dma_wait3A_1429] : memref<174720x128xf32, #tpu.memory_space<hbm>> -> memref<128x128xf32, #tpu.memory_space<hbm>>
        tpu.wait_dma2 semaphore(%arg12 : memref<!tpu.dma_semaphore, #tpu.memory_space<semaphore_mem>>) src(%arg5 : memref<128x128xf32, #tpu.memory_space<vmem>>) dst(%dma_wait3A_1430 : memref<128x128xf32, #tpu.memory_space<hbm>>)
        %add3A_1431 = arith.constant 2 : i32
        %add3A_1432 = arith.addi %add3A_1378, %add3A_1431 : i32
        %dma_start3A_1433 = arith.constant 0 : i32
        %dma_start3A_1434 = tpu.memref_slice %arg4[%add3A_1432, %dma_start3A_1433] : memref<43x128xi32, #tpu.memory_space<vmem>> -> memref<1x128xi32, #tpu.memory_space<vmem>>
        %dma_start3A_1435 = tpu.memref_squeeze %dma_start3A_1434 : memref<1x128xi32, #tpu.memory_space<vmem>> -> memref<128xi32, #tpu.memory_space<vmem>>
        %dma_start3A_1436 = arith.constant 0 : i32
        %dma_start3A_1437 = arith.constant 0 : i32
        %dma_start3A_1438 = tpu.memref_slice %arg2[%dma_start3A_1436, %dma_start3A_1437] : memref<262144x128xf32, #tpu.memory_space<hbm>> -> memref<262144x128xf32, #tpu.memory_space<hbm>>
        tpu.enqueue_indirect_dma source(%dma_start3A_1438 : memref<262144x128xf32, #tpu.memory_space<hbm>>) target(%arg5 : memref<128x128xf32, #tpu.memory_space<vmem>>) offsets(%dma_start3A_1435 : memref<128xi32, #tpu.memory_space<vmem>>) semaphore(%arg9 : memref<!tpu.dma_semaphore, #tpu.memory_space<semaphore_mem>>)
      } else {
      }
      %dma_wait3A_1387 = arith.constant 0 : i32
      %dma_wait3A_1388 = arith.constant 0 : i32
      %dma_wait3A_1389 = tpu.memref_slice %arg4[%dma_wait3A_1387, %dma_wait3A_1388] : memref<43x128xi32, #tpu.memory_space<vmem>> -> memref<1x128xi32, #tpu.memory_space<vmem>>
      %dma_wait3A_1390 = tpu.memref_squeeze %dma_wait3A_1389 : memref<1x128xi32, #tpu.memory_space<vmem>> -> memref<128xi32, #tpu.memory_space<vmem>>
      %dma_wait3A_1391 = arith.constant 0 : i32
      %dma_wait3A_1392 = arith.constant 0 : i32
      %dma_wait3A_1393 = tpu.memref_slice %arg2[%dma_wait3A_1391, %dma_wait3A_1392] : memref<262144x128xf32, #tpu.memory_space<hbm>> -> memref<262144x128xf32, #tpu.memory_space<hbm>>
      tpu.wait_indirect_dma semaphore(%arg10 : memref<!tpu.dma_semaphore, #tpu.memory_space<semaphore_mem>>) src(%dma_wait3A_1393 : memref<262144x128xf32, #tpu.memory_space<hbm>>) dst(%arg6 : memref<128x128xf32, #tpu.memory_space<vmem>>)
      %mul3A_1394 = arith.constant 128 : i32
      %mul3A_1395 = arith.muli %add3A_1378, %mul3A_1394 : i32
      %add3A_1396 = arith.addi %mul3A_6, %mul3A_1395 : i32
      %dma_start3A_1397 = arith.constant 0 : i32
      %dma_start3A_1398 = tpu.memref_slice %arg3[%add3A_1396, %dma_start3A_1397] : memref<174720x128xf32, #tpu.memory_space<hbm>> -> memref<128x128xf32, #tpu.memory_space<hbm>>
      %dma_start3A_1399 = arith.constant 0 : i32
      %dma_start3A_1400 = tpu.memref_slice %arg3[%add3A_1396, %dma_start3A_1399] : memref<174720x128xf32, #tpu.memory_space<hbm>> -> memref<128x128xf32, #tpu.memory_space<hbm>>
      tpu.enqueue_dma source(%arg6 : memref<128x128xf32, #tpu.memory_space<vmem>>) target(%dma_start3A_1400 : memref<128x128xf32, #tpu.memory_space<hbm>>) target_semaphore(%arg13 : memref<!tpu.dma_semaphore, #tpu.memory_space<semaphore_mem>>)
      %mul3A_1401 = arith.constant 3 : i32
      %mul3A_1402 = arith.muli %mul3A_1401, %scan3A_1348 : i32
      %add3A_1403 = arith.constant 2 : i32
      %add3A_1404 = arith.addi %mul3A_1402, %add3A_1403 : i32
      %ge3A_1405 = arith.constant 1 : i32
      %ge3A_1406 = arith.cmpi sge, %add3A_1404, %ge3A_1405 : i32
      %lt3A_1407 = arith.constant 40 : i32
      %lt3A_1408 = arith.cmpi slt, %add3A_1404, %lt3A_1407 : i32
      %and3A_1409 = arith.andi %ge3A_1406, %lt3A_1408 : i1
      %convert_element_type3A_1410 = arith.extui %and3A_1409 : i1 to i32
      %cond3A_1411 = arith.constant 0 : i32
      %cond3A_1412 = arith.cmpi ne, %convert_element_type3A_1410, %cond3A_1411 : i32
      scf.if %cond3A_1412 {
        %dma_wait3A_1427 = arith.constant 0 : i32
        %dma_wait3A_1428 = tpu.memref_slice %arg3[%mul3A_6, %dma_wait3A_1427] : memref<174720x128xf32, #tpu.memory_space<hbm>> -> memref<128x128xf32, #tpu.memory_space<hbm>>
        %dma_wait3A_1429 = arith.constant 0 : i32
        %dma_wait3A_1430 = tpu.memref_slice %arg3[%mul3A_6, %dma_wait3A_1429] : memref<174720x128xf32, #tpu.memory_space<hbm>> -> memref<128x128xf32, #tpu.memory_space<hbm>>
        tpu.wait_dma2 semaphore(%arg13 : memref<!tpu.dma_semaphore, #tpu.memory_space<semaphore_mem>>) src(%arg6 : memref<128x128xf32, #tpu.memory_space<vmem>>) dst(%dma_wait3A_1430 : memref<128x128xf32, #tpu.memory_space<hbm>>)
        %add3A_1431 = arith.constant 2 : i32
        %add3A_1432 = arith.addi %add3A_1404, %add3A_1431 : i32
        %dma_start3A_1433 = arith.constant 0 : i32
        %dma_start3A_1434 = tpu.memref_slice %arg4[%add3A_1432, %dma_start3A_1433] : memref<43x128xi32, #tpu.memory_space<vmem>> -> memref<1x128xi32, #tpu.memory_space<vmem>>
        %dma_start3A_1435 = tpu.memref_squeeze %dma_start3A_1434 : memref<1x128xi32, #tpu.memory_space<vmem>> -> memref<128xi32, #tpu.memory_space<vmem>>
        %dma_start3A_1436 = arith.constant 0 : i32
        %dma_start3A_1437 = arith.constant 0 : i32
        %dma_start3A_1438 = tpu.memref_slice %arg2[%dma_start3A_1436, %dma_start3A_1437] : memref<262144x128xf32, #tpu.memory_space<hbm>> -> memref<262144x128xf32, #tpu.memory_space<hbm>>
        tpu.enqueue_indirect_dma source(%dma_start3A_1438 : memref<262144x128xf32, #tpu.memory_space<hbm>>) target(%arg6 : memref<128x128xf32, #tpu.memory_space<vmem>>) offsets(%dma_start3A_1435 : memref<128xi32, #tpu.memory_space<vmem>>) semaphore(%arg10 : memref<!tpu.dma_semaphore, #tpu.memory_space<semaphore_mem>>)
      } else {
      }
      %dma_wait3A_1413 = arith.constant 0 : i32
      %dma_wait3A_1414 = arith.constant 0 : i32
      %dma_wait3A_1415 = tpu.memref_slice %arg4[%dma_wait3A_1413, %dma_wait3A_1414] : memref<43x128xi32, #tpu.memory_space<vmem>> -> memref<1x128xi32, #tpu.memory_space<vmem>>
      %dma_wait3A_1416 = tpu.memref_squeeze %dma_wait3A_1415 : memref<1x128xi32, #tpu.memory_space<vmem>> -> memref<128xi32, #tpu.memory_space<vmem>>
      %dma_wait3A_1417 = arith.constant 0 : i32
      %dma_wait3A_1418 = arith.constant 0 : i32
      %dma_wait3A_1419 = tpu.memref_slice %arg2[%dma_wait3A_1417, %dma_wait3A_1418] : memref<262144x128xf32, #tpu.memory_space<hbm>> -> memref<262144x128xf32, #tpu.memory_space<hbm>>
      tpu.wait_indirect_dma semaphore(%arg11 : memref<!tpu.dma_semaphore, #tpu.memory_space<semaphore_mem>>) src(%dma_wait3A_1419 : memref<262144x128xf32, #tpu.memory_space<hbm>>) dst(%arg7 : memref<128x128xf32, #tpu.memory_space<vmem>>)
      %mul3A_1420 = arith.constant 128 : i32
      %mul3A_1421 = arith.muli %add3A_1404, %mul3A_1420 : i32
      %add3A_1422 = arith.addi %mul3A_6, %mul3A_1421 : i32
      %dma_start3A_1423 = arith.constant 0 : i32
      %dma_start3A_1424 = tpu.memref_slice %arg3[%add3A_1422, %dma_start3A_1423] : memref<174720x128xf32, #tpu.memory_space<hbm>> -> memref<128x128xf32, #tpu.memory_space<hbm>>
      %dma_start3A_1425 = arith.constant 0 : i32
      %dma_start3A_1426 = tpu.memref_slice %arg3[%add3A_1422, %dma_start3A_1425] : memref<174720x128xf32, #tpu.memory_space<hbm>> -> memref<128x128xf32, #tpu.memory_space<hbm>>
      tpu.enqueue_dma source(%arg7 : memref<128x128xf32, #tpu.memory_space<vmem>>) target(%dma_start3A_1426 : memref<128x128xf32, #tpu.memory_space<hbm>>) target_semaphore(%arg14 : memref<!tpu.dma_semaphore, #tpu.memory_space<semaphore_mem>>)
    }
    %scan3A_1330 = arith.constant 14 : i32
    %dma_wait3A = arith.constant 0 : i32
    %dma_wait3A_1331 = tpu.memref_slice %arg3[%mul3A_6, %dma_wait3A] : memref<174720x128xf32, #tpu.memory_space<hbm>> -> memref<128x128xf32, #tpu.memory_space<hbm>>
    %dma_wait3A_1332 = arith.constant 0 : i32
    %dma_wait3A_1333 = tpu.memref_slice %arg3[%mul3A_6, %dma_wait3A_1332] : memref<174720x128xf32, #tpu.memory_space<hbm>> -> memref<128x128xf32, #tpu.memory_space<hbm>>
    tpu.wait_dma2 semaphore(%arg12 : memref<!tpu.dma_semaphore, #tpu.memory_space<semaphore_mem>>) src(%arg5 : memref<128x128xf32, #tpu.memory_space<vmem>>) dst(%dma_wait3A_1333 : memref<128x128xf32, #tpu.memory_space<hbm>>)
    %dma_wait3A_1334 = arith.constant 0 : i32
    %dma_wait3A_1335 = tpu.memref_slice %arg3[%mul3A_6, %dma_wait3A_1334] : memref<174720x128xf32, #tpu.memory_space<hbm>> -> memref<128x128xf32, #tpu.memory_space<hbm>>
    %dma_wait3A_1336 = arith.constant 0 : i32
    %dma_wait3A_1337 = tpu.memref_slice %arg3[%mul3A_6, %dma_wait3A_1336] : memref<174720x128xf32, #tpu.memory_space<hbm>> -> memref<128x128xf32, #tpu.memory_space<hbm>>
    tpu.wait_dma2 semaphore(%arg13 : memref<!tpu.dma_semaphore, #tpu.memory_space<semaphore_mem>>) src(%arg6 : memref<128x128xf32, #tpu.memory_space<vmem>>) dst(%dma_wait3A_1337 : memref<128x128xf32, #tpu.memory_space<hbm>>)
    %dma_wait3A_1338 = arith.constant 0 : i32
    %dma_wait3A_1339 = tpu.memref_slice %arg3[%mul3A_6, %dma_wait3A_1338] : memref<174720x128xf32, #tpu.memory_space<hbm>> -> memref<128x128xf32, #tpu.memory_space<hbm>>
    %dma_wait3A_1340 = arith.constant 0 : i32
    %dma_wait3A_1341 = tpu.memref_slice %arg3[%mul3A_6, %dma_wait3A_1340] : memref<174720x128xf32, #tpu.memory_space<hbm>> -> memref<128x128xf32, #tpu.memory_space<hbm>>
    tpu.wait_dma2 semaphore(%arg14 : memref<!tpu.dma_semaphore, #tpu.memory_space<semaphore_mem>>) src(%arg7 : memref<128x128xf32, #tpu.memory_space<vmem>>) dst(%dma_wait3A_1341 : memref<128x128xf32, #tpu.memory_space<hbm>>)
    %lt3A = arith.constant 10 : i32
    %lt3A_1342 = arith.cmpi slt, %add3A, %lt3A : i32
    %convert_element_type3A = arith.extui %lt3A_1342 : i1 to i32
    %cond3A = arith.constant 0 : i32
    %cond3A_1343 = arith.cmpi ne, %convert_element_type3A, %cond3A : i32
    scf.if %cond3A_1343 {
      %dma_start3A_1348 = arith.constant 42 : i32
      %dma_start3A_1349 = arith.constant 0 : i32
      %dma_start3A_1350 = tpu.memref_slice %arg4[%dma_start3A_1348, %dma_start3A_1349] : memref<43x128xi32, #tpu.memory_space<vmem>> -> memref<1x128xi32, #tpu.memory_space<vmem>>
      %dma_start3A_1351 = tpu.memref_squeeze %dma_start3A_1350 : memref<1x128xi32, #tpu.memory_space<vmem>> -> memref<128xi32, #tpu.memory_space<vmem>>
      %dma_start3A_1352 = arith.constant 0 : i32
      %dma_start3A_1353 = arith.constant 0 : i32
      %dma_start3A_1354 = tpu.memref_slice %arg2[%dma_start3A_1352, %dma_start3A_1353] : memref<262144x128xf32, #tpu.memory_space<hbm>> -> memref<262144x128xf32, #tpu.memory_space<hbm>>
      tpu.enqueue_indirect_dma source(%dma_start3A_1354 : memref<262144x128xf32, #tpu.memory_space<hbm>>) target(%arg5 : memref<128x128xf32, #tpu.memory_space<vmem>>) offsets(%dma_start3A_1351 : memref<128xi32, #tpu.memory_space<vmem>>) semaphore(%arg15 : memref<!tpu.dma_semaphore, #tpu.memory_space<semaphore_mem>>)
      %dma_wait3A_1355 = arith.constant 42 : i32
      %dma_wait3A_1356 = arith.constant 0 : i32
      %dma_wait3A_1357 = tpu.memref_slice %arg4[%dma_wait3A_1355, %dma_wait3A_1356] : memref<43x128xi32, #tpu.memory_space<vmem>> -> memref<1x128xi32, #tpu.memory_space<vmem>>
      %dma_wait3A_1358 = tpu.memref_squeeze %dma_wait3A_1357 : memref<1x128xi32, #tpu.memory_space<vmem>> -> memref<128xi32, #tpu.memory_space<vmem>>
      %dma_wait3A_1359 = arith.constant 0 : i32
      %dma_wait3A_1360 = arith.constant 0 : i32
      %dma_wait3A_1361 = tpu.memref_slice %arg2[%dma_wait3A_1359, %dma_wait3A_1360] : memref<262144x128xf32, #tpu.memory_space<hbm>> -> memref<262144x128xf32, #tpu.memory_space<hbm>>
      tpu.wait_indirect_dma semaphore(%arg15 : memref<!tpu.dma_semaphore, #tpu.memory_space<semaphore_mem>>) src(%dma_wait3A_1361 : memref<262144x128xf32, #tpu.memory_space<hbm>>) dst(%arg5 : memref<128x128xf32, #tpu.memory_space<vmem>>)
      %add3A_1362 = arith.constant 5376 : i32
      %add3A_1363 = arith.addi %mul3A_6, %add3A_1362 : i32
      "tpu.region"() ({
        %run_scoped3A = tpu.sem_alloc : memref<!tpu.dma_semaphore, #tpu.memory_space<semaphore_mem>>
        %dma_start3A_1364 = arith.constant 0 : i32
        %dma_start3A_1365 = tpu.memref_slice %arg3[%add3A_1363, %dma_start3A_1364] : memref<174720x128xf32, #tpu.memory_space<hbm>> -> memref<128x128xf32, #tpu.memory_space<hbm>>
        %dma_start3A_1366 = arith.constant 0 : i32
        %dma_start3A_1367 = tpu.memref_slice %arg3[%add3A_1363, %dma_start3A_1366] : memref<174720x128xf32, #tpu.memory_space<hbm>> -> memref<128x128xf32, #tpu.memory_space<hbm>>
        tpu.enqueue_dma source(%arg5 : memref<128x128xf32, #tpu.memory_space<vmem>>) target(%dma_start3A_1367 : memref<128x128xf32, #tpu.memory_space<hbm>>) target_semaphore(%run_scoped3A : memref<!tpu.dma_semaphore, #tpu.memory_space<semaphore_mem>>)
        %dma_wait3A_1368 = arith.constant 0 : i32
        %dma_wait3A_1369 = tpu.memref_slice %arg3[%add3A_1363, %dma_wait3A_1368] : memref<174720x128xf32, #tpu.memory_space<hbm>> -> memref<128x128xf32, #tpu.memory_space<hbm>>
        %dma_wait3A_1370 = arith.constant 0 : i32
        %dma_wait3A_1371 = tpu.memref_slice %arg3[%add3A_1363, %dma_wait3A_1370] : memref<174720x128xf32, #tpu.memory_space<hbm>> -> memref<128x128xf32, #tpu.memory_space<hbm>>
        tpu.wait_dma2 semaphore(%run_scoped3A : memref<!tpu.dma_semaphore, #tpu.memory_space<semaphore_mem>>) src(%arg5 : memref<128x128xf32, #tpu.memory_space<vmem>>) dst(%dma_wait3A_1371 : memref<128x128xf32, #tpu.memory_space<hbm>>)
        tpu.yield
      }) : () -> ()
    } else {
    }
    %ge3A = arith.constant 10 : i32
    %ge3A_1344 = arith.cmpi sge, %add3A, %ge3A : i32
    %convert_element_type3A_1345 = arith.extui %ge3A_1344 : i1 to i32
    %cond3A_1346 = arith.constant 0 : i32
    %cond3A_1347 = arith.cmpi ne, %convert_element_type3A_1345, %cond3A_1346 : i32
    scf.if %cond3A_1347 {
      %dma_start3A_1348 = arith.constant 42 : i32
      %dma_start3A_1349 = arith.constant 0 : i32
      %dma_start3A_1350 = tpu.memref_slice %arg4[%dma_start3A_1348, %dma_start3A_1349] : memref<43x128xi32, #tpu.memory_space<vmem>> -> memref<1x64xi32, #tpu.memory_space<vmem>>
      %dma_start3A_1351 = tpu.memref_squeeze %dma_start3A_1350 : memref<1x64xi32, #tpu.memory_space<vmem>> -> memref<64xi32, #tpu.memory_space<vmem>>
      %dma_start3A_1352 = arith.constant 0 : i32
      %dma_start3A_1353 = arith.constant 0 : i32
      %dma_start3A_1354 = tpu.memref_slice %arg2[%dma_start3A_1352, %dma_start3A_1353] : memref<262144x128xf32, #tpu.memory_space<hbm>> -> memref<262144x128xf32, #tpu.memory_space<hbm>>
      tpu.enqueue_indirect_dma source(%dma_start3A_1354 : memref<262144x128xf32, #tpu.memory_space<hbm>>) target(%arg8 : memref<64x128xf32, #tpu.memory_space<vmem>>) offsets(%dma_start3A_1351 : memref<64xi32, #tpu.memory_space<vmem>>) semaphore(%arg15 : memref<!tpu.dma_semaphore, #tpu.memory_space<semaphore_mem>>)
      %dma_wait3A_1355 = arith.constant 42 : i32
      %dma_wait3A_1356 = arith.constant 0 : i32
      %dma_wait3A_1357 = tpu.memref_slice %arg4[%dma_wait3A_1355, %dma_wait3A_1356] : memref<43x128xi32, #tpu.memory_space<vmem>> -> memref<1x64xi32, #tpu.memory_space<vmem>>
      %dma_wait3A_1358 = tpu.memref_squeeze %dma_wait3A_1357 : memref<1x64xi32, #tpu.memory_space<vmem>> -> memref<64xi32, #tpu.memory_space<vmem>>
      %dma_wait3A_1359 = arith.constant 0 : i32
      %dma_wait3A_1360 = arith.constant 0 : i32
      %dma_wait3A_1361 = tpu.memref_slice %arg2[%dma_wait3A_1359, %dma_wait3A_1360] : memref<262144x128xf32, #tpu.memory_space<hbm>> -> memref<262144x128xf32, #tpu.memory_space<hbm>>
      tpu.wait_indirect_dma semaphore(%arg15 : memref<!tpu.dma_semaphore, #tpu.memory_space<semaphore_mem>>) src(%dma_wait3A_1361 : memref<262144x128xf32, #tpu.memory_space<hbm>>) dst(%arg8 : memref<64x128xf32, #tpu.memory_space<vmem>>)
      %add3A_1362 = arith.constant 5376 : i32
      %add3A_1363 = arith.addi %mul3A_6, %add3A_1362 : i32
      "tpu.region"() ({
        %run_scoped3A = tpu.sem_alloc : memref<!tpu.dma_semaphore, #tpu.memory_space<semaphore_mem>>
        %dma_start3A_1364 = arith.constant 0 : i32
        %dma_start3A_1365 = tpu.memref_slice %arg3[%add3A_1363, %dma_start3A_1364] : memref<174720x128xf32, #tpu.memory_space<hbm>> -> memref<64x128xf32, #tpu.memory_space<hbm>>
        %dma_start3A_1366 = arith.constant 0 : i32
        %dma_start3A_1367 = tpu.memref_slice %arg3[%add3A_1363, %dma_start3A_1366] : memref<174720x128xf32, #tpu.memory_space<hbm>> -> memref<64x128xf32, #tpu.memory_space<hbm>>
        tpu.enqueue_dma source(%arg8 : memref<64x128xf32, #tpu.memory_space<vmem>>) target(%dma_start3A_1367 : memref<64x128xf32, #tpu.memory_space<hbm>>) target_semaphore(%run_scoped3A : memref<!tpu.dma_semaphore, #tpu.memory_space<semaphore_mem>>)
        %dma_wait3A_1368 = arith.constant 0 : i32
        %dma_wait3A_1369 = tpu.memref_slice %arg3[%add3A_1363, %dma_wait3A_1368] : memref<174720x128xf32, #tpu.memory_space<hbm>> -> memref<64x128xf32, #tpu.memory_space<hbm>>
        %dma_wait3A_1370 = arith.constant 0 : i32
        %dma_wait3A_1371 = tpu.memref_slice %arg3[%add3A_1363, %dma_wait3A_1370] : memref<174720x128xf32, #tpu.memory_space<hbm>> -> memref<64x128xf32, #tpu.memory_space<hbm>>
        tpu.wait_dma2 semaphore(%run_scoped3A : memref<!tpu.dma_semaphore, #tpu.memory_space<semaphore_mem>>) src(%arg8 : memref<64x128xf32, #tpu.memory_space<vmem>>) dst(%dma_wait3A_1371 : memref<64x128xf32, #tpu.memory_space<hbm>>)
        tpu.yield
      }) : () -> ()
    } else {
    }
    return
  }
}

</mosaic_0001>

<sc_bundles>
// kernel: kernel.3.cloned.1.call-start
scs
__scs_entry_jumppad:
0x0: {  	(pc) =	sbr.rel $0x88, $3  }
0x1: {  	(tag) =	ssettag $0x0;
	lr =	simm.s32 $0x1  }
0x2: {  	[smem:$0x3FA0] =	sst lr;
	_ =	strace $0xD0000000  }
0x3: {  	_ = 	snop  }
0x4: {  	_ = 	snop  }
0x5: {  	_ = 	snop  }
0x6: {  	_ = 	snop  }
0x7: {  	_ = 	snop  }
__scs_overlays_trampoline_lowered:
0x8: {  	[smem:$0x3FAF] =	sst s0  }
0x9: {  	[smem:$0x3FB0] =	sst s1  }
0xa: {  	[smem:$0x3FB1] =	sst s2  }
0xb: {  	[smem:$0x3FB2] =	sst s3  }
0xc: {  	[smem:$0x3FB3] =	sst s4  }
0xd: {  	[smem:$0x3FB4] =	sst s5  }
0xe: {  	[smem:$0x3FB5] =	sst s6  }
0xf: {  	[smem:$0x3FB6] =	sst s7  }
0x10: {  	[smem:$0x3FB7] =	sst s8  }
0x11: {  	[smem:$0x3FB8] =	sst s9;
	s0 =	simm.s32 @!p0 $0x0  }
0x12: {  	s1 =	sld [smem:$0x3F9E];
	s0 =	simm.s32 @p0 $0x1  }
0x13: {  	[smem:$0x3FB9] =	sst s0;
	s0 =	simm.s32 @!p1 $0x0  }
0x14: {  	s2 =	sld [smem:$0x3F9D];
	s0 =	simm.s32 @p1 $0x1  }
0x15: {  	[smem:$0x3FBA] =	sst s0;
	s0 =	simm.s32 @!p2 $0x0  }
0x16: {  	s3 =	sld [smem:$0x3FDB];
	s0 =	simm.s32 @p2 $0x1  }
0x17: {  	s4 =	simm.s32 $0x1BF5;
	[smem:$0x3FBC] =	sst s0  }
0x18: {  	s0 =	sld [smem:$0x3F9F];
	_ =	swait.ge [sflag:s4], $0x0  }
0x19: {  	s7 =	sld [smem:$0x3FA0]  }
0x1a: {  	s8 =	sadd.s32 $0xFFFFE003, lr  }
0x1b: {  	s9 =	sadd.s32 $0xFFFFFEF7, lr;
	s5 =	simm.s32 $0xFFFFFFFF;
	p2 =	slt.u32 s8, $0xFFFFF086  }
0x1c: {  	p1 =	slt.u32 s9, $0xF7A;
	s5 =	simm.s32 @!p2 $0x0  }
0x1d: {  	s5 =	simm.s32 @p1 $0x1;
	p0 =	seq.s32 s7, s2  }
0x1e: {  	s7 =	smul.u32 @!p0 $0xF7A, s2;
	p2 =	seq.s32 @!p0 s5, $0x0  }
0x1f: {  	s9 =	smul.u32 $0xF7A, s1;
	s8 =	simm.s32 @!p0 $0x1BF5;
	p2 =	por !p2, p0  }
0x20: {  	[sflag:s8] =	ssyncset.s32 @!p0 $0xFFFFF086;
	s6 =	sadd.s32 @!p0 s3, s7;
	s7 =	simm.s32 @!p0 $0x108  }
0x21: {  	s3 =	sadd.s32 s3, s9;
	s6 =	sadd.s32 @!p0 $0x88, s6;
	s7 =	simm.s32 @p2 $0x1082  }
0x22: {  	[simem:s7], [sflag:s8] =	dma.local @!p0 [hbm:s6], $0xF7A  }
0x23: {  	s9 =	sor.u32 $0xD0000000, s2;
	s6 =	simm.s32 $0x108;
	_ =	swait.ge @!p0 [sflag:s8], $0x0  }
0x24: {  	s3 =	sadd.s32 $0x88, s3;
	s6 =	simm.s32 @!p1 $0x1082;
	[sflag:s4] =	ssyncset.s32 $0xFFFFF086  }
0x25: {  	[simem:s6], [sflag:s4] =	dma.local [hbm:s3], $0xF7A  }
0x26: {  	[smem:$0x3FA0] =	sst s1;
	(tag) =	ssettag s2;
	_ =	strace s9  }
0x27: {  	s1 =	sld [smem:$0x3FB0]  }
0x28: {  	s2 =	sld [smem:$0x3FB1]  }
0x29: {  	s4 =	sld [smem:$0x3FB3]  }
0x2a: {  	p0 =	seq.s32 s5, $0x0;
	s5 =	sld [smem:$0x3FB4]  }
0x2b: {  	s6 =	sld [smem:$0x3FB5]  }
0x2c: {  	s7 =	sld [smem:$0x3FB6]  }
0x2d: {  	s3 =	simm.s32 $0x108;
	s8 =	sld [smem:$0x3FB7]  }
0x2e: {  	s3 =	simm.s32 @!p0 $0x1082;
	s9 =	sld [smem:$0x3FB8]  }
0x2f: {  	lr =	sadd.s32 s0, s3;
	s0 =	sld [smem:$0x3FAF]  }
0x30: {  	s3 =	sld [smem:$0x3FB2]  }
0x31: {  	[smem:$0x3FBB] =	sst s10  }
0x32: {  	s10 =	sld [smem:$0x3FB9];
	_ =	sdelay $0x3  }
0x33: {  	p0 =	seq.s32 s10, $0x1;
	s10 =	sld [smem:$0x3FBB];
	_ =	sdelay $0x3  }
0x34: {  	[smem:$0x3FBB] =	sst s10  }
0x35: {  	s10 =	sld [smem:$0x3FBA];
	_ =	sdelay $0x3  }
0x36: {  	p1 =	seq.s32 s10, $0x1;
	s10 =	sld [smem:$0x3FBB];
	_ =	sdelay $0x3  }
0x37: {  	[smem:$0x3FBB] =	sst s10  }
0x38: {  	s10 =	sld [smem:$0x3FBC]  }
0x39: {  	_ = 	snop;
	(pc) =	sbr.ind lr, $3  }
0x3a: {  	_ = 	snop  }
0x3b: {  	_ = 	snop  }
0x3c: {  	p2 =	seq.s32 s10, $0x1;
	s10 =	sld [smem:$0x3FBB]  }
0x3d: {  	_ =	shalt  }
0x3e: {  	_ =	shalt  }
0x3f: {  	_ =	shalt  }
0x40: {  	_ =	shalt  }
0x41: {  	_ =	shalt  }
0x42: {  	_ =	shalt  }
0x43: {  	_ =	shalt  }
0x44: {  	_ =	shalt  }
0x45: {  	_ =	shalt  }
0x46: {  	_ =	shalt  }
0x47: {  	_ =	shalt  }
0x48: {  	_ =	shalt  }
0x49: {  	_ =	shalt  }
0x4a: {  	_ =	shalt  }
0x4b: {  	_ =	shalt  }
0x4c: {  	_ =	shalt  }
0x4d: {  	_ =	shalt  }
0x4e: {  	_ =	shalt  }
0x4f: {  	_ =	shalt  }
0x50: {  	_ =	shalt  }
0x51: {  	_ =	shalt  }
0x52: {  	_ =	shalt  }
0x53: {  	_ =	shalt  }
0x54: {  	_ =	shalt  }
0x55: {  	_ =	shalt  }
0x56: {  	_ =	shalt  }
0x57: {  	_ =	shalt  }
0x58: {  	_ =	shalt  }
0x59: {  	_ =	shalt  }
0x5a: {  	_ =	shalt  }
0x5b: {  	_ =	shalt  }
0x5c: {  	_ =	shalt  }
0x5d: {  	_ =	shalt  }
0x5e: {  	_ =	shalt  }
0x5f: {  	_ =	shalt  }
0x60: {  	_ =	shalt  }
0x61: {  	_ =	shalt  }
0x62: {  	_ =	shalt  }
0x63: {  	_ =	shalt  }
0x64: {  	_ =	shalt  }
0x65: {  	_ =	shalt  }
0x66: {  	_ =	shalt  }
0x67: {  	_ =	shalt  }
0x68: {  	_ =	shalt  }
0x69: {  	_ =	shalt  }
0x6a: {  	_ =	shalt  }
0x6b: {  	_ =	shalt  }
0x6c: {  	_ =	shalt  }
0x6d: {  	_ =	shalt  }
0x6e: {  	_ =	shalt  }
0x6f: {  	_ =	shalt  }
0x70: {  	_ =	shalt  }
0x71: {  	_ =	shalt  }
0x72: {  	_ =	shalt  }
0x73: {  	_ =	shalt  }
0x74: {  	_ =	shalt  }
0x75: {  	_ =	shalt  }
0x76: {  	_ =	shalt  }
0x77: {  	_ =	shalt  }
0x78: {  	_ =	shalt  }
0x79: {  	_ =	shalt  }
0x7a: {  	_ =	shalt  }
0x7b: {  	_ =	shalt  }
0x7c: {  	_ =	shalt  }
0x7d: {  	_ =	shalt  }
0x7e: {  	_ =	shalt  }
0x7f: {  	_ =	shalt  }
0x80: {  	_ =	shalt  }
0x81: {  	_ =	shalt  }
0x82: {  	_ =	shalt  }
0x83: {  	_ =	shalt  }
0x84: {  	_ =	shalt  }
0x85: {  	_ =	shalt  }
0x86: {  	_ =	shalt  }
0x87: {  	_ =	shalt  }
.Lfunc_end0:
.L_simem_size_0:
called_computation_lowered:
.L_overlay_start_0:
0x88: {  	s2 =	sld [smem:$0x3FD9]  }
0x89: {  	s3 =	sld [smem:$0x3FFE];
	_ =	sdelay $0x1  }
0x8a: {  	s1 =	srdreg.scid  }
0x8b: {  	s0 =	sand.u32 $0x1, s1  }
0x8c: {  	s18 =	sshll.u32 s0, $0xA;
	s2 =	sadd.s32 s3, s2  }
0x8d: {  	s2 =	sadd.s32 s2, s18  }
0x8e: {  	[smem:$0x3FC7] =	sst s2  }
0x8f: {  	_ = 	snop  }
0x90: {  	s2 =	sld [smem:$0x3FC9]  }
0x91: {  	s19 =	sld [smem:$0x3FD0];
	(tm) =	ssettm $0x1  }
0x92: {  	s4 =	sld [smem:$0x3FFB];
	_ =	sdelay $0x3  }
0x93: {  	_ =	strace s4  }
0x94: {  	s4 =	sld [smem:$0x3FFC];
	_ =	sdelay $0x3  }
0x95: {  	_ =	strace s4  }
0x96: {  	s4 =	sld [smem:$0x3FFD];
	_ =	sdelay $0x3  }
0x97: {  	_ =	strace s4  }
0x98: {  	_ =	strace $0x8FFFFFFF  }
0x99: {  	s20 =	sld [smem:$0x3FDB];
	_ =	sdelay $0x1  }
0x9a: {  	s5 =	simm.s32 $_scs_section_size  }
0x9b: {  	s6 =	simm.s32 $_size__tile_overlayer_lowered;
	s7 =	simm.s32 $_tile_overlayer_lowered  }
0x9c: {  	s23 =	simm.s32 $0x1BFF;
	s22 =	sshll.u32 s7, $0x1;
	s4 =	sadd.s32 s5, s20  }
0x9d: {  	s8 =	simm.s32 $0x0;
	s21 =	sshll.u32 s6, $0x1;
	s6 =	sadd.s32 s22, s4  }
0x9e: {  	[timem:s8], [sflag:s23] =	dma.local [hbm:s6], s21  }
0x9f: {  	_ =	swait.ge [sflag:s23], s21  }
0xa0: {  	s5 =	ssub.s32 $0x0, s21;
	[sflag:s23] =	ssyncset.done $0x0  }
0xa1: {  	[sflag:s23] =	ssyncadd.s32 s5;
	_ =	sdelay $0x1  }
0xa2: {  	s24 =	simm.s32 $0x1B8B  }
0xa3: {  	_ =	swait.ge [sflag:s24], $0x1  }
0xa4: {  	[sflag:s24] =	ssyncset.done $0x0  }
0xa5: {  	s25 =	simm.s32 $0x1B8E;
	[sflag:s24] =	ssyncadd.s32 $0xFFFFFFFF  }
0xa6: {  	s26 =	simm.s32 $execute0_lowered;
	[smem:$0x3FD2] =	sst s25  }
0xa7: {  	s5 =	sshll.u32 s26, $0x1;
	_ =	strace $0x80000046;
	[dreg:$0x1] =	wrdreg $0xFFFFFFFF  }
0xa8: {  	s28 =	simm.s32 $_size_execute0_lowered;
	s4 =	sadd.s32 s4, s5;
	[dreg:$0x0] =	wrdreg $0x0  }
0xa9: {  	s5 =	sshll.u32 s28, $0x1;
	[dreg:$0x2] =	wrdreg s4  }
0xaa: {  	[dreg:$0x3] =	wrdreg s5  }
0xab: {  	[dreg:$0x4] =	wrdreg $0xC0  }
0xac: {  	_ =	task [dreg:s8], $0x5FFFF  }
0xad: {  	[dreg:$0x1] =	wrdreg $0xFFFFFFFF  }
0xae: {  	[dreg:$0x0] =	wrdreg $0x60  }
0xaf: {  	[dreg:$0x2] =	wrdreg s2  }
0xb0: {  	[dreg:$0x3] =	wrdreg s19  }
0xb1: {  	[dreg:$0x4] =	wrdreg $0x9  }
0xb2: {  	_ =	task.clear_ibuf [dreg:s8], $0x5FFFF;
	_ =	strace $0x90000046  }
0xb3: {  	s29 =	simm.s32 $0x9;
	_ =	strace $0x80000048  }
0xb4: {  	_ =	swait.ge [sflag:s29], $0x1  }
0xb5: {  	[sflag:s29] =	ssyncadd.s32 $0xFFFFFFFF  }
0xb6: {  	_ =	strace $0x90000048  }
0xb7: {  	_ =	sfence  }
0xb8: {  	s30 =	sld [smem:$0x0];
	_ =	sdelay $0x2  }
0xb9: {  	s31 =	sshll.u32 s1, $0xD;
	s1 =	sshrl.u32 s1, $0x2  }
0xba: {  	s3 =	sand.u32 $0x4000, s31;
	s1 =	sadd.s32 s1, s30  }
0xbb: {  	s0 =	sor.u32 s3, s0;
	s1 =	sshll.u32 s1, $0x11  }
0xbc: {  	s0 =	sor.u32 s1, s0  }
0xbd: {  	s0 =	sadd.s32 $0x8F2B, s0  }
0xbe: {  	[sflag:s0] =	ssyncadd.remote.s32 $0x1  }
0xbf: {  	_ =	sfence.sel $0xFFFF  }
0xc0: {  	[dreg:$0x0] =	wrdreg $0xFFFFFFFF;
	(pc) =	sbr.abs _section_cstart, $3  }
0xc1: {  	[dreg:$0x1] =	wrdreg $0xFFFFFFFF  }
0xc2: {  	_ =	task.clear_ibuf [dreg:s8], $0x2FFFF;
	_ =	strace $0x9FFFFFFF  }
0xc3: {  	(tm) =	ssettm $0x7FFFFFFF  }
tec
execute0_lowered:
.L_overlay_start_1:
0x0: {  	(tag) =	ssettag $0x1  }
0x1: {  	v0 =	vimm.s32 $0x30018;
	vm2 =	vcmask $0x300  }
0x2: {  	s1 =	srdreg.scid;
	s0 =	stileid.u32;
	vm3 =	vcmask $0x704;
	vm4 =	vcmask $0xB08;
	v0 =	vsel vm2, $0x0, v0  }
0x3: {  	vm5 =	vcmask $0xF0C;
	vm6 =	vcmask $0x1310;
	s6 =	sand.u32 $0x1, s1;
	s9 =	sshll.u32 s0, $0x1;
	v0 =	vsel vm3, $0x10000, v0  }
0x4: {  	vm7 =	vcmask $0x1714;
	vm8 =	vcmask $0x1B18;
	s1 =	sor.u32 s6, s9;
	v0 =	vsel vm4, $0x20000, v0  }
0x5: {  	vm9 =	vcmask $0x1F1C;
	vm10 =	vcmask $0x2320;
	s2 =	smul.u32 $0x55, s1;
	v0 =	vsel vm5, $0x30000, v0  }
0x6: {  	vm11 =	vcmask $0x2724;
	vm12 =	vcmask $0x2B28;
	s8 =	smin.u32 s1, $0xA;
	v0 =	vsel vm6, $0x8, v0  }
0x7: {  	vm13 =	vcmask $0x2F2C;
	vm14 =	vcmask $0x3330;
	s4 =	sadd.s32 s8, s2;
	v0 =	vsel vm7, $0x10008, v0  }
0x8: {  	vm1 =	vcmask $0x3734;
	vm0 =	vcmask $0x3B38;
	s10 =	sshll.u32 s4, $0x6;
	v0 =	vsel vm8, $0x20008, v0  }
0x9: {  	v5 =	vimm.s32 $0x30058;
	v1 =	vmov s10;
	v0 =	vsel vm9, $0x30008, v0  }
0xa: {  	s12 =	sadd.s32 $0x50, s10;
	s16 =	sadd.s32 $0x90, s10;
	v2 =	vshrl.u32 v1, $0x6;
	v1 =	vshrl.u32 v1, $0x7;
	v0 =	vsel vm10, $0x10, v0  }
0xb: {  	s22 =	sadd.s32 $0xF0, s10;
	v7 =	vmov s12;
	v11 =	vmov s16;
	v0 =	vsel vm11, $0x10010, v0  }
0xc: {  	s24 =	sadd.s32 $0x110, s10;
	v17 =	vmov s22;
	v1 =	vadd.s32 v2, v1;
	v0 =	vsel vm12, $0x20010, v0  }
0xd: {  	s26 =	sadd.s32 $0x130, s10;
	v19 =	vmov s24;
	v1 =	vadd.s32 $0x1, v1;
	v0 =	vsel vm13, $0x30010, v0  }
0xe: {  	v21 =	vmov s26;
	v2 =	vshll.u32 v1, $0x4;
	v0 =	vsel vm14, $0x18, v0  }
0xf: {  	v1 =	vand.u32 $0x7, v1;
	v2 =	vand.u32 $0x7FFFFF80, v2;
	v0 =	vsel vm1, $0x10018, v0  }
0x10: {  	s29 =	sadd.s32 $0x150, s10;
	v4 =	vor.u32 v1, v2;
	v1 =	vimm.s32 $0x30038;
	v0 =	vsel vm0, $0x20018, v0  }
0x11: {  	v25 =	vmov s29;
	v3 =	vsel vm2, $0x20, v1;
	v2 =	vadd.s32 v0, v4  }
0x12: {  	v1 =	vmin.u32 v2, $0x3FFFF;
	v2 =	vsel vm3, $0x10020, v3;
	v3 =	vsel vm2, $0x40, v5  }
0x13: {  	v5 =	vimm.s32 $0x30078;
	v2 =	vsel vm4, $0x20020, v2;
	v3 =	vsel vm3, $0x10040, v3  }
0x14: {  	v5 =	vsel vm2, $0x60, v5;
	v2 =	vsel vm5, $0x30020, v2;
	v3 =	vsel vm4, $0x20040, v3  }
0x15: {  	v5 =	vsel vm3, $0x10060, v5;
	v2 =	vsel vm6, $0x28, v2;
	v3 =	vsel vm5, $0x30040, v3  }
0x16: {  	v5 =	vsel vm4, $0x20060, v5;
	v2 =	vsel vm7, $0x10028, v2;
	v3 =	vsel vm6, $0x48, v3  }
0x17: {  	v5 =	vsel vm5, $0x30060, v5;
	v2 =	vsel vm8, $0x20028, v2;
	v3 =	vsel vm7, $0x10048, v3  }
0x18: {  	v5 =	vsel vm6, $0x68, v5;
	v2 =	vsel vm9, $0x30028, v2;
	v3 =	vsel vm8, $0x20048, v3  }
0x19: {  	v5 =	vsel vm7, $0x10068, v5;
	v2 =	vsel vm10, $0x30, v2;
	v3 =	vsel vm9, $0x30048, v3  }
0x1a: {  	v5 =	vsel vm8, $0x20068, v5;
	v2 =	vsel vm11, $0x10030, v2;
	v3 =	vsel vm10, $0x50, v3  }
0x1b: {  	v5 =	vsel vm9, $0x30068, v5;
	v2 =	vsel vm12, $0x20030, v2;
	v3 =	vsel vm11, $0x10050, v3  }
0x1c: {  	v5 =	vsel vm10, $0x70, v5;
	v2 =	vsel vm13, $0x30030, v2;
	v3 =	vsel vm12, $0x20050, v3  }
0x1d: {  	v5 =	vsel vm11, $0x10070, v5;
	v2 =	vsel vm14, $0x38, v2;
	v3 =	vsel vm13, $0x30050, v3  }
0x1e: {  	v5 =	vsel vm12, $0x20070, v5;
	v2 =	vsel vm1, $0x10038, v2;
	v3 =	vsel vm14, $0x58, v3  }
0x1f: {  	s11 =	sadd.s32 $0x40, s10;
	v5 =	vsel vm13, $0x30070, v5;
	v2 =	vsel vm0, $0x20038, v2;
	v3 =	vsel vm1, $0x10058, v3  }
0x20: {  	v23 =	vsel vm0, $0x20058, v3;
	v3 =	vsel vm14, $0x78, v5;
	v5 =	vmov s11  }
0x21: {  	v6 =	vshrl.u32 v5, $0x6;
	v5 =	vshrl.u32 v5, $0x7;
	v3 =	vsel vm1, $0x10078, v3  }
0x22: {  	v5 =	vadd.s32 v6, v5;
	v6 =	vshrl.u32 v7, $0x6;
	v7 =	vshrl.u32 v7, $0x7  }
0x23: {  	v24 =	vsel vm0, $0x20078, v3;
	v5 =	vadd.s32 $0x1, v5;
	v6 =	vadd.s32 v6, v7  }
0x24: {  	v3 =	vshll.u32 v5, $0x4;
	v6 =	vadd.s32 $0x1, v6;
	v5 =	vand.u32 $0x7, v5  }
0x25: {  	s13 =	sadd.s32 $0x60, s10;
	v3 =	vand.u32 $0x7FFFFF80, v3;
	v7 =	vshll.u32 v6, $0x4;
	v6 =	vand.u32 $0x7, v6  }
0x26: {  	v5 =	vor.u32 v5, v3;
	v3 =	vand.u32 $0x7FFFFF80, v7;
	v7 =	vmov s13  }
0x27: {  	s14 =	sadd.s32 $0x70, s10;
	v8 =	vshrl.u32 v7, $0x6;
	v7 =	vshrl.u32 v7, $0x7;
	v3 =	vor.u32 v6, v3  }
0x28: {  	v5 =	vadd.s32 v0, v5;
	v6 =	vadd.s32 v8, v7;
	v7 =	vmov s14  }
0x29: {  	v5 =	vmin.u32 v5, $0x3FFFF;
	v8 =	vadd.s32 $0x1, v6;
	v9 =	vshrl.u32 v7, $0x6  }
0x2a: {  	v7 =	vshrl.u32 v7, $0x7;
	v6 =	vadd.s32 v2, v3;
	v3 =	vshll.u32 v8, $0x4  }
0x2b: {  	v7 =	vadd.s32 v9, v7;
	v8 =	vand.u32 $0x7, v8;
	v3 =	vand.u32 $0x7FFFFF80, v3  }
0x2c: {  	s15 =	sadd.s32 $0x80, s10;
	v6 =	vmin.u32 v6, $0x3FFFF;
	v9 =	vadd.s32 $0x1, v7;
	v7 =	vor.u32 v8, v3  }
0x2d: {  	v3 =	vshll.u32 v9, $0x4;
	v8 =	vmov s15;
	v9 =	vand.u32 $0x7, v9  }
0x2e: {  	v10 =	vshrl.u32 v8, $0x6;
	v8 =	vshrl.u32 v8, $0x7;
	v3 =	vand.u32 $0x7FFFFF80, v3  }
0x2f: {  	v8 =	vadd.s32 v10, v8;
	v10 =	vshrl.u32 v11, $0x6;
	v11 =	vshrl.u32 v11, $0x7  }
0x30: {  	v7 =	vadd.s32 v23, v7;
	v12 =	vadd.s32 $0x1, v8;
	v8 =	vadd.s32 v10, v11  }
0x31: {  	v7 =	vmin.u32 v7, $0x3FFFF;
	v10 =	vshll.u32 v12, $0x4;
	v11 =	vadd.s32 $0x1, v8  }
0x32: {  	s17 =	sadd.s32 $0xA0, s10;
	v8 =	vor.u32 v9, v3;
	v3 =	vand.u32 $0x7FFFFF80, v10;
	v9 =	vshll.u32 v11, $0x4  }
0x33: {  	v10 =	vand.u32 $0x7, v12;
	v12 =	vand.u32 $0x7FFFFF80, v9;
	v9 =	vmov s17  }
0x34: {  	v11 =	vand.u32 $0x7, v11;
	v8 =	vadd.s32 v24, v8;
	v13 =	vshrl.u32 v9, $0x6  }
0x35: {  	v14 =	vshrl.u32 v9, $0x7;
	v9 =	vor.u32 v10, v3;
	v3 =	vor.u32 v11, v12  }
0x36: {  	s18 =	sadd.s32 $0xB0, s10;
	v8 =	vmin.u32 v8, $0x3FFFF;
	v11 =	vadd.s32 v13, v14;
	v10 =	vadd.s32 v2, v3  }
0x37: {  	v9 =	vadd.s32 v0, v9;
	v3 =	vadd.s32 $0x1, v11;
	v11 =	vmov s18  }
0x38: {  	v12 =	vshll.u32 v3, $0x4;
	v13 =	vshrl.u32 v11, $0x6;
	v11 =	vshrl.u32 v11, $0x7  }
0x39: {  	v3 =	vand.u32 $0x7, v3;
	v12 =	vand.u32 $0x7FFFFF80, v12;
	v13 =	vadd.s32 v13, v11  }
0x3a: {  	s19 =	sadd.s32 $0xC0, s10;
	v9 =	vmin.u32 v9, $0x3FFFF;
	v11 =	vor.u32 v3, v12;
	v3 =	vadd.s32 $0x1, v13  }
0x3b: {  	v10 =	vmin.u32 v10, $0x3FFFF;
	v12 =	vmov s19;
	v13 =	vshll.u32 v3, $0x4  }
0x3c: {  	v14 =	vshrl.u32 v12, $0x6;
	v12 =	vshrl.u32 v12, $0x7;
	v3 =	vand.u32 $0x7, v3  }
0x3d: {  	s20 =	sadd.s32 $0xD0, s10;
	v11 =	vadd.s32 v23, v11;
	v13 =	vand.u32 $0x7FFFFF80, v13;
	v12 =	vadd.s32 v14, v12  }
0x3e: {  	v14 =	vmov s20;
	v11 =	vmin.u32 v11, $0x3FFFF;
	v12 =	vadd.s32 $0x1, v12  }
0x3f: {  	v15 =	vshrl.u32 v14, $0x6;
	v14 =	vshrl.u32 v14, $0x7;
	v16 =	vshll.u32 v12, $0x4  }
0x40: {  	v14 =	vadd.s32 v15, v14;
	v15 =	vand.u32 $0x7FFFFF80, v16;
	v16 =	vand.u32 $0x7, v12  }
0x41: {  	s21 =	sadd.s32 $0xE0, s10;
	v14 =	vadd.s32 $0x1, v14;
	v12 =	vor.u32 v3, v13;
	v13 =	vor.u32 v16, v15  }
0x42: {  	v3 =	vshll.u32 v14, $0x4;
	v14 =	vand.u32 $0x7, v14;
	v15 =	vmov s21  }
0x43: {  	v12 =	vadd.s32 v24, v12;
	v3 =	vand.u32 $0x7FFFFF80, v3;
	v16 =	vshrl.u32 v15, $0x6  }
0x44: {  	v15 =	vshrl.u32 v15, $0x7;
	v12 =	vmin.u32 v12, $0x3FFFF;
	v13 =	vadd.s32 v0, v13  }
0x45: {  	v15 =	vadd.s32 v16, v15;
	v16 =	vshrl.u32 v17, $0x6;
	v17 =	vshrl.u32 v17, $0x7  }
0x46: {  	v3 =	vor.u32 v14, v3;
	v13 =	vmin.u32 v13, $0x3FFFF;
	v15 =	vadd.s32 $0x1, v15  }
0x47: {  	v16 =	vadd.s32 v16, v17;
	v14 =	vadd.s32 v2, v3;
	v3 =	vshll.u32 v15, $0x4  }
0x48: {  	v16 =	vadd.s32 $0x1, v16;
	v15 =	vand.u32 $0x7, v15;
	v14 =	vmin.u32 v14, $0x3FFFF  }
0x49: {  	s23 =	sadd.s32 $0x100, s10;
	v3 =	vand.u32 $0x7FFFFF80, v3;
	v17 =	vshll.u32 v16, $0x4;
	v16 =	vand.u32 $0x7, v16  }
0x4a: {  	v15 =	vor.u32 v15, v3;
	v3 =	vand.u32 $0x7FFFFF80, v17;
	v17 =	vmov s23  }
0x4b: {  	v18 =	vshrl.u32 v17, $0x6;
	v17 =	vshrl.u32 v17, $0x7;
	v16 =	vor.u32 v16, v3  }
0x4c: {  	v15 =	vadd.s32 v23, v15;
	v17 =	vadd.s32 v18, v17;
	v18 =	vshrl.u32 v19, $0x6  }
0x4d: {  	v19 =	vshrl.u32 v19, $0x7;
	v15 =	vmin.u32 v15, $0x3FFFF;
	v16 =	vadd.s32 v24, v16  }
0x4e: {  	v17 =	vadd.s32 $0x1, v17;
	v18 =	vadd.s32 v18, v19;
	v16 =	vmin.u32 v16, $0x3FFFF  }
0x4f: {  	v3 =	vshll.u32 v17, $0x4;
	v18 =	vadd.s32 $0x1, v18;
	v17 =	vand.u32 $0x7, v17  }
0x50: {  	s25 =	sadd.s32 $0x120, s10;
	v3 =	vand.u32 $0x7FFFFF80, v3;
	v19 =	vshll.u32 v18, $0x4;
	v18 =	vand.u32 $0x7, v18  }
0x51: {  	v17 =	vor.u32 v17, v3;
	v3 =	vand.u32 $0x7FFFFF80, v19;
	v19 =	vmov s25  }
0x52: {  	v20 =	vshrl.u32 v19, $0x6;
	v19 =	vshrl.u32 v19, $0x7;
	v3 =	vor.u32 v18, v3  }
0x53: {  	v19 =	vadd.s32 v20, v19;
	v20 =	vshrl.u32 v21, $0x6;
	v21 =	vshrl.u32 v21, $0x7  }
0x54: {  	v17 =	vadd.s32 v0, v17;
	v19 =	vadd.s32 $0x1, v19;
	v20 =	vadd.s32 v20, v21  }
0x55: {  	v27 =	vadd.s32 v2, v3;
	v18 =	vshll.u32 v19, $0x4;
	v20 =	vadd.s32 $0x1, v20  }
0x56: {  	s28 =	sadd.s32 $0x140, s10;
	v19 =	vand.u32 $0x7, v19;
	v18 =	vand.u32 $0x7FFFFF80, v18;
	v21 =	vshll.u32 v20, $0x4  }
0x57: {  	v19 =	vor.u32 v19, v18;
	v18 =	vand.u32 $0x7FFFFF80, v21;
	v21 =	vmov s28  }
0x58: {  	v17 =	vmin.u32 v17, $0x3FFFF;
	v20 =	vand.u32 $0x7, v20;
	v22 =	vshrl.u32 v21, $0x6  }
0x59: {  	v21 =	vshrl.u32 v21, $0x7;
	v20 =	vor.u32 v20, v18;
	v19 =	vadd.s32 v23, v19  }
0x5a: {  	v21 =	vadd.s32 v22, v21;
	v22 =	vshrl.u32 v25, $0x6;
	v25 =	vshrl.u32 v25, $0x7  }
0x5b: {  	v20 =	vadd.s32 v24, v20;
	v21 =	vadd.s32 $0x1, v21;
	v22 =	vadd.s32 v22, v25  }
0x5c: {  	s5 =	ssub.s32 $0x2, s6;
	v19 =	vmin.u32 v19, $0x3FFFF;
	v18 =	vshll.u32 v21, $0x4;
	v22 =	vadd.s32 $0x1, v22  }
0x5d: {  	s3 =	simm.s32 $0x0;
	s7 =	sshrl.u32 s5, $0x1;
	s30 =	sadd.s32 $0x160, s10;
	v21 =	vand.u32 $0x7, v21;
	v18 =	vand.u32 $0x7FFFFF80, v18;
	v25 =	vshll.u32 v22, $0x4  }
0x5e: {  	[smem:$0x7FF] =	sst s3;
	p0 =	sgt.u32 s0, $0x4;
	s5 =	ssub.s32 s5, s7;
	v21 =	vor.u32 v21, v18;
	v18 =	vand.u32 $0x7FFFFF80, v25;
	v25 =	vmov s30  }
0x5f: {  	s9 =	smul.u32 $0x2A80, s0;
	s31 =	sshll.u32 s8, $0x6;
	s5 =	smax.u32 s5, $0x1;
	v20 =	vmin.u32 v20, $0x3FFFF;
	v22 =	vand.u32 $0x7, v22;
	v26 =	vshrl.u32 v25, $0x6  }
0x60: {  	s4 =	sshll.u32 s4, $0xA;
	s1 =	sadd.s32 $0x170, s10;
	s12 =	smul.u32 $0xAA, s0;
	v25 =	vshrl.u32 v25, $0x7;
	v18 =	vor.u32 v22, v18;
	v21 =	vadd.s32 v0, v21  }
0x61: {  	s10 =	rddreg [dreg:$0x1];
	s16 =	simm.s32 $0x1;
	s22 =	simm.s32 $0x1480;
	v22 =	vadd.s32 v26, v25;
	v25 =	vmov s1;
	v21 =	vmin.u32 v21, $0x3FFFF  }
0x62: {  	s12 =	sadd.s32 s12, s8;
	s11 =	sadd.s32 s10, s4;
	s13 =	smul.u32 $0x55, s6;
	v22 =	vadd.s32 $0x1, v22;
	v26 =	vshrl.u32 v25, $0x6;
	v25 =	vshrl.u32 v25, $0x7  }
0x63: {  	s4 =	sadd.s32 $0x15000, s11;
	s7 =	sadd.s32 $0x14000, s11;
	s8 =	sadd.s32 $0x14800, s11;
	v3 =	vadd.s32 v26, v25;
	v25 =	vshll.u32 v22, $0x4;
	v22 =	vand.u32 $0x7, v22  }
0x64: {  	s14 =	smul.u32 $0x1540, s6;
	s6 =	sadd.s32 $0x13800, s11;
	s12 =	sadd.s32 s13, s12;
	v26 =	vadd.s32 v2, v18;
	v2 =	vadd.s32 v2, v4;
	v3 =	vadd.s32 $0x1, v3  }
0x65: {  	s11 =	simm.s32 $0x80;
	s13 =	simm.s32 $0x5800;
	s12 =	sshll.u32 s12, $0xA;
	v25 =	vand.u32 $0x7FFFFF80, v25;
	v2 =	vmin.u32 v2, $0x3FFFF;
	v18 =	vshll.u32 v3, $0x4  }
0x66: {  	s9 =	sadd.s32 s14, s9;
	s10 =	sadd.s32 s12, s10;
	s12 =	simm.s32 $0x1800;
	v25 =	vor.u32 v22, v25;
	v3 =	vand.u32 $0x7, v3;
	v18 =	vand.u32 $0x7FFFFF80, v18  }
0x67: {  	s14 =	simm.s32 $0x100;
	s9 =	sadd.s32 s31, s9;
	s10 =	sadd.s32 $0x1000, s10;
	v22 =	vmin.u32 v26, $0x3FFFF;
	v28 =	vor.u32 v3, v18;
	v3 =	vadd.s32 v23, v4  }
0x68: {  	s15 =	simm.s32 $0x9800;
	s17 =	simm.s32 $0x4;
	s18 =	simm.s32 $0x2;
	v4 =	vadd.s32 v24, v4;
	v18 =	vmin.u32 v27, $0x3FFFF;
	v23 =	vadd.s32 v23, v25  }
0x69: {  	s19 =	simm.s32 $0x5;
	s20 =	simm.s32 $0x3;
	s21 =	simm.s32 $0x6;
	v25 =	vlaneseq.u32;
	v3 =	vmin.u32 v3, $0x3FFFF;
	v24 =	vadd.s32 v24, v28  }
0x6a: {  	s23 =	simm.s32 $0x0;
	s1 =	rddreg [dreg:$0x0];
	_ =	strace $0x80000047;
	v4 =	vmin.u32 v4, $0x3FFFF;
	v23 =	vmin.u32 v23, $0x3FFFF;
	v24 =	vmin.u32 v24, $0x3FFFF  }
.LBB2_1:
0x6b: {  	s24 =	sadd.s32 $0x0, s9  }
0x6c: {  	v27 =	vmul.u32 $0x2, v25;
	v35 =	vand.u32 $0x3, v25;
	s25 =	sadd.s32 $0x190, s24;
	s26 =	sadd.s32 $0x1F0, s24;
	s2 =	sadd.s32 $0x1A0, s24  }
0x6d: {  	s28 =	sadd.s32 $0x1B0, s24;
	s30 =	sadd.s32 $0x1D0, s24;
	s31 =	sadd.s32 $0x1E0, s24;
	v28 =	vmov s25;
	v26 =	vmov s26;
	v29 =	vmov s2  }
0x6e: {  	s29 =	sadd.s32 $0x1C0, s24;
	s24 =	sadd.s32 $0x180, s24;
	v32 =	vmov s28;
	v33 =	vmov s30;
	v62 =	vmov s31  }
0x6f: {  	v46 =	vmov s24;
	v30 =	vshrl.u32 v26, $0x6;
	v31 =	vshrl.u32 v26, $0x7  }
0x70: {  	v26 =	vshll.u32 v26, $0x1;
	v61 =	vshrl.u32 v28, $0x6;
	v63 =	vshrl.u32 v28, $0x7  }
0x71: {  	v37 =	vshrl.u32 v29, $0x6;
	v38 =	vshrl.u32 v29, $0x7;
	v39 =	vshrl.u32 v32, $0x6  }
0x72: {  	v40 =	vshrl.u32 v32, $0x7;
	v43 =	vshrl.u32 v33, $0x6;
	v44 =	vshrl.u32 v33, $0x7  }
0x73: {  	[tilespmem:$0x0] =	vst v1;
	v45 =	vshrl.u32 v62, $0x6;
	v48 =	vshrl.u32 v62, $0x7;
	v51 =	vshrl.u32 v46, $0x6  }
0x74: {  	[tilespmem:$0x10] =	vst v2;
	v53 =	vshrl.u32 v46, $0x7;
	v28 =	vshll.u32 v28, $0x1;
	v29 =	vshll.u32 v29, $0x1  }
0x75: {  	[tilespmem:$0x20] =	vst v3;
	v32 =	vshll.u32 v32, $0x1;
	v33 =	vshll.u32 v33, $0x1;
	v30 =	vadd.s32 v30, v31  }
0x76: {  	[tilespmem:$0x30] =	vst v4;
	v31 =	vmov s29;
	v26 =	vor.u32 v27, v26;
	v37 =	vadd.s32 v37, v38  }
0x77: {  	[tilespmem:$0x40] =	vst v5;
	v49 =	vadd.s32 v39, v40;
	v52 =	vadd.s32 v43, v44;
	v40 =	vadd.s32 v51, v53  }
0x78: {  	[tilespmem:$0x50] =	vst v6;
	v28 =	vor.u32 v27, v28;
	v29 =	vor.u32 v27, v29;
	v32 =	vor.u32 v27, v32  }
0x79: {  	[tilespmem:$0x60] =	vst v7;
	v33 =	vor.u32 v27, v33;
	v30 =	vadd.s32 $0x1, v30;
	v36 =	vand.u32 $0x78, v26  }
0x7a: {  	[tilespmem:$0x70] =	vst v8;
	v26 =	vmul.u32 $0x10000, v35;
	v41 =	vshrl.u32 v31, $0x6;
	v42 =	vshrl.u32 v31, $0x7  }
0x7b: {  	[tilespmem:$0x80] =	vst v9;
	v35 =	vadd.s32 v45, v48;
	v37 =	vadd.s32 $0x1, v37;
	v38 =	vadd.s32 $0x1, v49  }
0x7c: {  	[tilespmem:$0x90] =	vst v10;
	v31 =	vshll.u32 v31, $0x1;
	v40 =	vadd.s32 $0x1, v40;
	v28 =	vand.u32 $0x78, v28  }
0x7d: {  	[tilespmem:$0xA0] =	vst v11;
	v29 =	vand.u32 $0x78, v29;
	v32 =	vand.u32 $0x78, v32;
	v33 =	vand.u32 $0x78, v33  }
0x7e: {  	[tilespmem:$0xB0] =	vst v12;
	v34 =	vshll.u32 v30, $0x4;
	v30 =	vand.u32 $0x7, v30;
	v50 =	vadd.s32 v41, v42  }
0x7f: {  	[tilespmem:$0xC0] =	vst v13;
	v41 =	vadd.s32 $0x1, v52;
	v35 =	vadd.s32 $0x1, v35;
	v55 =	vshll.u32 v37, $0x4  }
0x80: {  	[tilespmem:$0xD0] =	vst v14;
	v56 =	vshll.u32 v38, $0x4;
	v31 =	vor.u32 v27, v31;
	v59 =	vshll.u32 v40, $0x4  }
0x81: {  	[tilespmem:$0xE0] =	vst v15;
	v40 =	vand.u32 $0x7, v40;
	v37 =	vand.u32 $0x7, v37;
	v38 =	vand.u32 $0x7, v38  }
0x82: {  	[tilespmem:$0xF0] =	vst v16;
	v34 =	vand.u32 $0x7FFFFF80, v34;
	v39 =	vadd.s32 $0x1, v50;
	v58 =	vshll.u32 v41, $0x4  }
0x83: {  	[tilespmem:$0x100] =	vst v17;
	v47 =	vshll.u32 v35, $0x4;
	v43 =	vand.u32 $0x7FFFFF80, v55;
	v44 =	vand.u32 $0x7FFFFF80, v56  }
0x84: {  	[tilespmem:$0x110] =	vst v18;
	v31 =	vand.u32 $0x78, v31;
	v41 =	vand.u32 $0x7, v41;
	v35 =	vand.u32 $0x7, v35  }
0x85: {  	[tilespmem:$0x120] =	vst v19;
	v34 =	vor.u32 v36, v34;
	v36 =	vshll.u32 v62, $0x1;
	v57 =	vshll.u32 v39, $0x4  }
0x86: {  	[tilespmem:$0x130] =	vst v20;
	v46 =	vand.u32 $0x7FFFFF80, v58;
	v47 =	vand.u32 $0x7FFFFF80, v47;
	v29 =	vor.u32 v29, v43  }
0x87: {  	[tilespmem:$0x140] =	vst v21;
	v32 =	vor.u32 v32, v44;
	v39 =	vand.u32 $0x7, v39;
	v30 =	vor.u32 v30, v34  }
0x88: {  	[tilespmem:$0x150] =	vst v22;
	v34 =	vadd.s32 v61, v63;
	v36 =	vor.u32 v27, v36;
	v45 =	vand.u32 $0x7FFFFF80, v57  }
0x89: {  	[tilespmem:$0x160] =	vst v23;
	v33 =	vor.u32 v33, v46;
	v29 =	vor.u32 v37, v29;
	v32 =	vor.u32 v38, v32  }
0x8a: {  	[tilespmem:$0x170] =	vst v24;
	v30 =	vadd.s32 v26, v30;
	v34 =	vadd.s32 $0x1, v34;
	v36 =	vand.u32 $0x78, v36  }
0x8b: {  	[tilespmem:s12], [sflag:$0x1] =	stream.indirect.gather [hbm4b:s1+s11], $0x80, s3, s11, $0xb8;
	v31 =	vor.u32 v31, v45;
	v33 =	vor.u32 v41, v33;
	v29 =	vadd.s32 v26, v29;
	[tilespmem:$0xF800] =	vst v63  }
0x8c: {  	v62 =	vadd.s32 v26, v32;
	v30 =	vmin.u32 v30, $0x3FFFF;
	v54 =	vshll.u32 v34, $0x4  }
0x8d: {  	[tilespmem:s13], [sflag:$0x2] =	stream.indirect.gather [hbm4b:s1+s11], $0x80, s11, s11, $0xb8;
	v36 =	vor.u32 v36, v47;
	v34 =	vand.u32 $0x7, v34;
	v42 =	vand.u32 $0x7FFFFF80, v54;
	[tilespmem:$0xF800] =	vst v63  }
0x8e: {  	s24 =	simm.s32 $0x1F0;
	v31 =	vor.u32 v39, v31;
	v60 =	vor.u32 v35, v36;
	v28 =	vor.u32 v28, v42  }
0x8f: {  	[tilespmem:s15], [sflag:$0x3] =	stream.indirect.gather [hbm4b:s1+s11], $0x80, s14, s11, $0xb8;
	v63 =	vadd.s32 v26, v31;
	v31 =	vadd.s32 v26, v33;
	v28 =	vor.u32 v34, v28;
	[tilespmem:$0xF800] =	vst v63  }
0x90: {  	[tilespmem:s24+$0x0] =	vst v30;
	v30 =	vmin.u32 v29, $0x3FFFF;
	v42 =	vand.u32 $0x7FFFFF80, v59;
	v28 =	vadd.s32 v26, v28  }
0x91: {  	v29 =	vmin.u32 v62, $0x3FFFF;
	v61 =	vor.u32 v40, v42;
	v28 =	vmin.u32 v28, $0x3FFFF  }
0x92: {  	s26 =	sadd.s32 $0x80, s9;
	s25 =	simm.s32 $0x100;
	v32 =	vadd.s32 v26, v60;
	v33 =	vadd.s32 v0, v61;
	[tilespmem:s24+$0xFFFFFFA0] =	vst v28;
	v28 =	vmin.u32 v63, $0x3FFFF  }
.LBB2_2:
0x93: {  	p1 =	sne.s32 s25, $0x1380;
	s28 =	sadd.s32 $0x190, s26;
	s29 =	sadd.s32 $0x1F0, s26;
	v33 =	vmin.u32 v33, $0x3FFFF;
	[tilespmem:s24+$0xFFFFFFB0] =	vst v30;
	v30 =	vmin.u32 v31, $0x3FFFF;
	v31 =	vmin.u32 v32, $0x3FFFF  }
0x94: {  	s30 =	sadd.s32 $0x1B0, s26;
	s31 =	sadd.s32 $0x1C0, s26;
	v32 =	vmov s28;
	s28 =	sadd.s32 $0x1A0, s26;
	v34 =	vmov s29;
	[tilespmem:s24+$0xFFFFFFC0] =	vst v29  }
0x95: {  	s29 =	sadd.s32 $0x180, s26;
	v29 =	vmov s28;
	s28 =	sadd.s32 $0x1D0, s26;
	s26 =	sadd.s32 $0x1E0, s26;
	v35 =	vshrl.u32 v34, $0x6;
	v36 =	vshrl.u32 v34, $0x7;
	[tilespmem:s24+$0xFFFFFFD0] =	vst v28  }
0x96: {  	v28 =	vmov s30;
	v35 =	vadd.s32 v35, v36;
	[tilespmem:s24+$0xFFFFFFE0] =	vst v30  }
0x97: {  	v34 =	vshll.u32 v34, $0x1;
	v30 =	vmov s31;
	v35 =	vadd.s32 $0x1, v35;
	[tilespmem:s24+$0xFFFFFFF0] =	vst v31  }
0x98: {  	v34 =	vor.u32 v27, v34;
	v31 =	vmov s28;
	v36 =	vshll.u32 v35, $0x4;
	[tilespmem:s24+$0xFFFFFF90] =	vst v33  }
0x99: {  	v34 =	vand.u32 $0x78, v34;
	v33 =	vand.u32 $0x7FFFFF80, v36  }
0x9a: {  	v33 =	vor.u32 v34, v33;
	v34 =	vand.u32 $0x7, v35  }
0x9b: {  	v36 =	vmov s26;
	v35 =	vshrl.u32 v32, $0x6;
	v33 =	vor.u32 v34, v33  }
0x9c: {  	v37 =	vshrl.u32 v29, $0x6;
	v34 =	vshrl.u32 v32, $0x7;
	v33 =	vadd.s32 v26, v33  }
0x9d: {  	v38 =	vshrl.u32 v29, $0x7;
	v39 =	vshrl.u32 v28, $0x6;
	s24 =	sadd.s32 $0x80, s24;
	v33 =	vmin.u32 v33, $0x3FFFF  }
0x9e: {  	v40 =	vshrl.u32 v28, $0x7;
	v41 =	vshrl.u32 v30, $0x6;
	v42 =	vshrl.u32 v30, $0x7;
	[tilespmem:s24+$0x0] =	vst v33  }
0x9f: {  	v43 =	vshrl.u32 v31, $0x7;
	v44 =	vshrl.u32 v36, $0x6;
	v33 =	vshrl.u32 v31, $0x6  }
0xa0: {  	v45 =	vmov s29;
	v34 =	vadd.s32 v35, v34;
	v35 =	vshrl.u32 v36, $0x7  }
0xa1: {  	v37 =	vadd.s32 v37, v38;
	v38 =	vadd.s32 v39, v40;
	v39 =	vadd.s32 v41, v42  }
0xa2: {  	v40 =	vshrl.u32 v45, $0x6;
	v35 =	vadd.s32 v44, v35;
	v33 =	vadd.s32 v33, v43  }
0xa3: {  	v41 =	vshrl.u32 v45, $0x7;
	v37 =	vadd.s32 $0x1, v37;
	v34 =	vadd.s32 $0x1, v34  }
0xa4: {  	v38 =	vadd.s32 $0x1, v38;
	v39 =	vadd.s32 $0x1, v39;
	v33 =	vadd.s32 $0x1, v33  }
0xa5: {  	v40 =	vadd.s32 v40, v41;
	v32 =	vshll.u32 v32, $0x1;
	v35 =	vadd.s32 $0x1, v35  }
0xa6: {  	v29 =	vshll.u32 v29, $0x1;
	v28 =	vshll.u32 v28, $0x1;
	v30 =	vshll.u32 v30, $0x1  }
0xa7: {  	v36 =	vshll.u32 v36, $0x1;
	v41 =	vshll.u32 v34, $0x4;
	v31 =	vshll.u32 v31, $0x1  }
0xa8: {  	v42 =	vshll.u32 v37, $0x4;
	v44 =	vshll.u32 v39, $0x4;
	v43 =	vshll.u32 v38, $0x4  }
0xa9: {  	v40 =	vadd.s32 $0x1, v40;
	v46 =	vshll.u32 v35, $0x4;
	v45 =	vshll.u32 v33, $0x4  }
0xaa: {  	v29 =	vor.u32 v27, v29;
	v28 =	vor.u32 v27, v28;
	v32 =	vor.u32 v27, v32  }
0xab: {  	v30 =	vor.u32 v27, v30;
	v36 =	vor.u32 v27, v36;
	v31 =	vor.u32 v27, v31  }
0xac: {  	v42 =	vand.u32 $0x7FFFFF80, v42;
	v41 =	vand.u32 $0x7FFFFF80, v41;
	v43 =	vand.u32 $0x7FFFFF80, v43  }
0xad: {  	v44 =	vand.u32 $0x7FFFFF80, v44;
	v46 =	vand.u32 $0x7FFFFF80, v46;
	v45 =	vand.u32 $0x7FFFFF80, v45  }
0xae: {  	v29 =	vand.u32 $0x78, v29;
	v47 =	vshll.u32 v40, $0x4;
	v32 =	vand.u32 $0x78, v32  }
0xaf: {  	v28 =	vand.u32 $0x78, v28;
	v30 =	vand.u32 $0x78, v30;
	v31 =	vand.u32 $0x78, v31  }
0xb0: {  	v29 =	vor.u32 v29, v42;
	v36 =	vand.u32 $0x78, v36;
	v32 =	vor.u32 v32, v41  }
0xb1: {  	v30 =	vor.u32 v30, v44;
	v28 =	vor.u32 v28, v43;
	v31 =	vor.u32 v31, v45  }
0xb2: {  	v40 =	vand.u32 $0x7, v40;
	v41 =	vand.u32 $0x7FFFFF80, v47;
	v36 =	vor.u32 v36, v46  }
0xb3: {  	v37 =	vand.u32 $0x7, v37;
	v34 =	vand.u32 $0x7, v34;
	v38 =	vand.u32 $0x7, v38  }
0xb4: {  	v39 =	vand.u32 $0x7, v39;
	v35 =	vand.u32 $0x7, v35;
	v33 =	vand.u32 $0x7, v33  }
0xb5: {  	v29 =	vor.u32 v37, v29;
	v32 =	vor.u32 v34, v32;
	v28 =	vor.u32 v38, v28  }
.Ltmp0:
0xb6: {  	v30 =	vor.u32 v39, v30;
	v34 =	vor.u32 v35, v36;
	v31 =	vor.u32 v33, v31;
	(pc) =	sbr.rel @p1 .LBB2_2-.Ltmp0, $4  }
0xb7: {  	v29 =	vadd.s32 v26, v29;
	v32 =	vadd.s32 v26, v32;
	v33 =	vor.u32 v40, v41  }
0xb8: {  	v35 =	vadd.s32 v26, v30;
	v28 =	vadd.s32 v26, v28;
	v31 =	vadd.s32 v26, v31  }
0xb9: {  	v30 =	vmin.u32 v32, $0x3FFFF;
	v32 =	vadd.s32 v26, v34;
	v33 =	vadd.s32 v0, v33  }
0xba: {  	s26 =	sadd.s32 s25, s9;
	s25 =	sadd.s32 $0x80, s25;
	[tilespmem:s24+$0xFFFFFFA0] =	vst v30;
	v30 =	vmin.u32 v29, $0x3FFFF;
	v29 =	vmin.u32 v28, $0x3FFFF;
	v28 =	vmin.u32 v35, $0x3FFFF  }
0xbb: {  	s25 =	sadd.s32 $0x1F0, s26;
	v33 =	vmin.u32 v33, $0x3FFFF;
	s0 =	sadd.s32 $0x190, s26;
	v31 =	vmin.u32 v31, $0x3FFFF;
	v32 =	vmin.u32 v32, $0x3FFFF;
	s2 =	sadd.s32 $0x1A0, s26  }
0xbc: {  	s28 =	sadd.s32 $0x1B0, s26;
	s30 =	sadd.s32 $0x1C0, s26;
	s31 =	sadd.s32 $0x1E0, s26;
	v34 =	vmov s25;
	v37 =	vmov s0;
	v62 =	vmov s2  }
0xbd: {  	v38 =	vmov s28;
	v40 =	vmov s30;
	v42 =	vmov s31  }
0xbe: {  	s28 =	sadd.s32 $0x1D0, s26;
	v35 =	vshrl.u32 v34, $0x6;
	v36 =	vshrl.u32 v34, $0x7;
	v34 =	vshll.u32 v34, $0x1  }
0xbf: {  	v41 =	vmov s28;
	v63 =	vshrl.u32 v37, $0x6;
	v52 =	vshrl.u32 v37, $0x7  }
0xc0: {  	v43 =	vshrl.u32 v62, $0x6;
	v44 =	vshrl.u32 v62, $0x7;
	v45 =	vshrl.u32 v38, $0x6  }
0xc1: {  	s0 =	sadd.s32 $0x180, s26;
	v46 =	vshrl.u32 v38, $0x7;
	v47 =	vshrl.u32 v40, $0x6;
	v48 =	vshrl.u32 v40, $0x7  }
0xc2: {  	v55 =	vshrl.u32 v42, $0x6;
	v56 =	vmov s0;
	v57 =	vshrl.u32 v42, $0x7  }
0xc3: {  	v37 =	vshll.u32 v37, $0x1;
	v38 =	vshll.u32 v38, $0x1;
	v40 =	vshll.u32 v40, $0x1  }
0xc4: {  	v42 =	vshll.u32 v42, $0x1;
	v35 =	vadd.s32 v35, v36;
	v34 =	vor.u32 v27, v34  }
0xc5: {  	v53 =	vshrl.u32 v41, $0x6;
	v43 =	vadd.s32 v43, v44;
	v54 =	vshrl.u32 v41, $0x7  }
0xc6: {  	v45 =	vadd.s32 v45, v46;
	v47 =	vadd.s32 v47, v48;
	v44 =	vadd.s32 v55, v57  }
0xc7: {  	v58 =	vshrl.u32 v56, $0x6;
	v48 =	vshrl.u32 v56, $0x7;
	v36 =	vshll.u32 v62, $0x1  }
0xc8: {  	v41 =	vshll.u32 v41, $0x1;
	v37 =	vor.u32 v27, v37;
	v38 =	vor.u32 v27, v38  }
0xc9: {  	v40 =	vor.u32 v27, v40;
	v35 =	vadd.s32 $0x1, v35;
	v34 =	vand.u32 $0x78, v34  }
0xca: {  	v43 =	vadd.s32 $0x1, v43;
	v45 =	vadd.s32 $0x1, v45;
	v47 =	vadd.s32 $0x1, v47  }
0xcb: {  	v46 =	vadd.s32 v58, v48;
	v44 =	vadd.s32 $0x1, v44;
	v36 =	vor.u32 v27, v36  }
0xcc: {  	v41 =	vor.u32 v27, v41;
	v27 =	vor.u32 v27, v42;
	v37 =	vand.u32 $0x78, v37  }
0xcd: {  	v38 =	vand.u32 $0x78, v38;
	v40 =	vand.u32 $0x78, v40;
	v39 =	vshll.u32 v35, $0x4  }
0xce: {  	v35 =	vand.u32 $0x7, v35;
	v60 =	vshll.u32 v43, $0x4;
	v36 =	vand.u32 $0x78, v36  }
0xcf: {  	v61 =	vshll.u32 v45, $0x4;
	v62 =	vshll.u32 v47, $0x4;
	v46 =	vadd.s32 $0x1, v46  }
0xd0: {  	v50 =	vshll.u32 v44, $0x4;
	v41 =	vand.u32 $0x78, v41;
	v27 =	vand.u32 $0x78, v27  }
0xd1: {  	v57 =	vand.u32 $0x7, v43;
	v58 =	vand.u32 $0x7, v45;
	v39 =	vand.u32 $0x7FFFFF80, v39  }
0xd2: {  	v42 =	vand.u32 $0x7FFFFF80, v60;
	v55 =	vand.u32 $0x7, v46;
	v60 =	vand.u32 $0x7, v44  }
0xd3: {  	v34 =	vor.u32 v34, v39;
	v39 =	vadd.s32 v53, v54;
	v36 =	vor.u32 v36, v42  }
0xd4: {  	v42 =	vand.u32 $0x7FFFFF80, v62;
	v53 =	vshll.u32 v46, $0x4;
	v34 =	vor.u32 v35, v34  }
0xd5: {  	v35 =	vadd.s32 v63, v52;
	v39 =	vadd.s32 $0x1, v39;
	v40 =	vor.u32 v40, v42  }
0xd6: {  	v42 =	vand.u32 $0x7FFFFF80, v50;
	v54 =	vand.u32 $0x7FFFFF80, v53;
	v34 =	vadd.s32 v26, v34  }
0xd7: {  	[tilespmem:s24+$0xFFFFFFB0] =	vst v30;
	v35 =	vadd.s32 $0x1, v35;
	v63 =	vshll.u32 v39, $0x4;
	v27 =	vor.u32 v27, v42  }
0xd8: {  	[tilespmem:s24+$0xFFFFFFC0] =	vst v29;
	v39 =	vand.u32 $0x7, v39;
	v34 =	vmin.u32 v34, $0x3FFFF;
	v59 =	vshll.u32 v35, $0x4  }
0xd9: {  	[tilespmem:s24+$0xFFFFFFD0] =	vst v28;
	v51 =	vand.u32 $0x7FFFFF80, v63;
	v56 =	vand.u32 $0x7, v35;
	v35 =	vor.u32 v57, v36  }
0xda: {  	[tilespmem:s24+$0xFFFFFFE0] =	vst v31;
	v27 =	vor.u32 v60, v27;
	v48 =	vand.u32 $0x7FFFFF80, v59;
	v52 =	vor.u32 v41, v51  }
0xdb: {  	[tilespmem:s24+$0xFFFFFFF0] =	vst v32;
	v59 =	vand.u32 $0x7, v47;
	v35 =	vadd.s32 v26, v35;
	v37 =	vor.u32 v37, v48  }
0xdc: {  	[tilespmem:s24+$0xFFFFFF90] =	vst v33;
	s2 =	sadd.s32 $0x80, s24;
	v48 =	vand.u32 $0x7FFFFF80, v61;
	v32 =	vor.u32 v59, v40;
	v62 =	vmin.u32 v35, $0x3FFFF  }
0xdd: {  	[tilespmem:s2+$0x0] =	vst v34;
	v29 =	vor.u32 v39, v52;
	v31 =	vor.u32 v56, v37;
	v32 =	vadd.s32 v26, v32  }
0xde: {  	v38 =	vor.u32 v38, v48;
	[tilespmem:s2+$0xFFFFFFB0] =	vst v62;
	v31 =	vadd.s32 v26, v31;
	v63 =	vmin.u32 v32, $0x3FFFF  }
0xdf: {  	v29 =	vadd.s32 v26, v29;
	v61 =	vor.u32 v58, v38;
	v31 =	vmin.u32 v31, $0x3FFFF;
	[tilespmem:s2+$0xFFFFFFD0] =	vst v63  }
0xe0: {  	v34 =	vadd.s32 v26, v61;
	v26 =	vadd.s32 v26, v27;
	v27 =	vmin.u32 v29, $0x3FFFF;
	[tilespmem:s2+$0xFFFFFFA0] =	vst v31  }
0xe1: {  	v28 =	vor.u32 v55, v54;
	v34 =	vmin.u32 v34, $0x3FFFF;
	[tilespmem:s2+$0xFFFFFFE0] =	vst v27  }
0xe2: {  	v28 =	vadd.s32 v0, v28;
	v26 =	vmin.u32 v26, $0x3FFFF;
	[tilespmem:s2+$0xFFFFFFC0] =	vst v34  }
0xe3: {  	p1 =	por $0x1, $0x1;
	v27 =	vmin.u32 v28, $0x3FFFF;
	[tilespmem:s2+$0xFFFFFFF0] =	vst v26  }
0xe4: {  	s24 =	simm.s32 @!p1 $0x6;
	[tilespmem:s2+$0xFFFFFF90] =	vst v27  }
0xe5: {  	_ =	swait.ge @!p1 [sflag:s24], $0x4000  }
0xe6: {  	s25 =	simm.s32 @!p1 $0x9800;
	[sflag:s24] =	ssyncset.done @!p1 $0x0  }
0xe7: {  	s26 =	simm.s32 @!p1 $0x80;
	[sflag:s24] =	ssyncadd.s32 @!p1 $0xFFFFC000;
	s24 =	simm.s32 @!p1 $0x100  }
0xe8: {  	[tilespmem:s25], [sflag:$0x3] =	stream.indirect.gather @!p1 [hbm4b:s1+s26], $0x80, s24, s26, $0xb8;
	[tilespmem:$0xF800] =	vst v63  }
0xe9: {  	_ =	swait.ge [sflag:s16], $0x4000  }
0xea: {  	[sflag:s16] =	ssyncset.done $0x0  }
0xeb: {  	s25 =	sadd.s32 $0xFFFFF000, s10;
	[sflag:s16] =	ssyncadd.s32 $0xFFFFC000  }
0xec: {  	[hbm4b:s25+s3] =	stream.linear.scatter [tilespmem:s12], [sflag:$0x4], $0x4000, $0x38;
	[tilespmem:$0xF800] =	vst v63  }
0xed: {  	_ =	swait.ge [sflag:s17], $0x4000  }
0xee: {  	[sflag:s17] =	ssyncset.done $0x0  }
0xef: {  	s26 =	simm.s32 $0x180;
	[sflag:s17] =	ssyncadd.s32 $0xFFFFC000  }
0xf0: {  	[tilespmem:s12], [sflag:$0x1] =	stream.indirect.gather [hbm4b:s1+s11], $0x80, s26, s11, $0xb8;
	[tilespmem:$0xF800] =	vst v63  }
0xf1: {  	_ =	swait.ge [sflag:s18], $0x4000  }
0xf2: {  	[sflag:s18] =	ssyncset.done $0x0  }
0xf3: {  	s30 =	sadd.s32 $0xFFFFF800, s10;
	[sflag:s18] =	ssyncadd.s32 $0xFFFFC000  }
0xf4: {  	[hbm4b:s30+s3] =	stream.linear.scatter [tilespmem:s13], [sflag:$0x5], $0x4000, $0x38;
	[tilespmem:$0xF800] =	vst v63  }
0xf5: {  	_ =	swait.ge [sflag:s19], $0x4000  }
0xf6: {  	p2 =	por $0x0, $0x0;
	[sflag:s19] =	ssyncset.done $0x0  }
0xf7: {  	s29 =	smov.u32 s10;
	s31 =	simm.s32 $0x200;
	[sflag:s19] =	ssyncadd.s32 $0xFFFFC000  }
0xf8: {  	[tilespmem:s13], [sflag:$0x2] =	stream.indirect.gather [hbm4b:s1+s11], $0x80, s31, s11, $0xb8;
	[tilespmem:$0xF800] =	vst v63  }
0xf9: {  	s28 =	simm.s32 $0x2;
	s24 =	sadd.s32 $0x1800, s10;
	_ =	swait.ge [sflag:s20], $0x4000  }
0xfa: {  	s25 =	simm.s32 $0x600;
	s26 =	simm.s32 $0xC00;
	[sflag:s20] =	ssyncset.done $0x0  }
.LBB2_4:
0xfb: {  	s30 =	simm.s32 @!p2 $0x6  }
0xfc: {  	[sflag:s20] =	ssyncadd.s32 $0xFFFFC000;
	s31 =	smov.u32 s26;
	s26 =	sadd.s32 $0x600, s26  }
0xfd: {  	[hbm4b:s29+s3] =	stream.linear.scatter [tilespmem:s15], [sflag:$0x6], $0x4000, $0x38;
	[tilespmem:$0xF800] =	vst v63  }
0xfe: {  	p1 =	sne.s32 s26, $0x4E00;
	s29 =	smov.u32 s24;
	_ =	swait.ge @!p2 [sflag:s30], $0x4000  }
0xff: {  	s2 =	sshra.s32 @!p2 s25, $0x2;
	s0 =	simm.s32 @!p2 $0x9800;
	[sflag:s30] =	ssyncset.done @!p2 $0x0  }
0x100: {  	s2 =	sadd.s32 @!p2 $0x100, s2;
	[sflag:s30] =	ssyncadd.s32 @!p2 $0xFFFFC000;
	s30 =	simm.s32 @!p2 $0x80  }
0x101: {  	[tilespmem:s0], [sflag:$0x3] =	stream.indirect.gather @!p2 [hbm4b:s1+s30], $0x80, s2, s30, $0xb8;
	[tilespmem:$0xF800] =	vst v63  }
0x102: {  	_ =	swait.ge [sflag:s16], $0x4000  }
0x103: {  	[sflag:s16] =	ssyncset.done $0x0  }
0x104: {  	s0 =	sadd.s32 $0xFFFFF000, s24;
	[sflag:s16] =	ssyncadd.s32 $0xFFFFC000  }
0x105: {  	[hbm4b:s0+s3] =	stream.linear.scatter [tilespmem:s12], [sflag:$0x4], $0x4000, $0x38;
	[tilespmem:$0xF800] =	vst v63  }
0x106: {  	_ =	swait.ge [sflag:s17], $0x4000  }
0x107: {  	s0 =	sshra.s32 s25, $0x2;
	s25 =	smov.u32 s31;
	[sflag:s17] =	ssyncset.done $0x0  }
0x108: {  	s2 =	sadd.s32 $0x180, s0;
	[sflag:s17] =	ssyncadd.s32 $0xFFFFC000  }
0x109: {  	[tilespmem:s12], [sflag:$0x1] =	stream.indirect.gather [hbm4b:s1+s11], $0x80, s2, s11, $0xb8;
	[tilespmem:$0xF800] =	vst v63  }
0x10a: {  	_ =	swait.ge [sflag:s18], $0x4000  }
0x10b: {  	[sflag:s18] =	ssyncset.done $0x0  }
0x10c: {  	s2 =	sadd.s32 $0xFFFFF800, s24;
	[sflag:s18] =	ssyncadd.s32 $0xFFFFC000  }
0x10d: {  	[hbm4b:s2+s3] =	stream.linear.scatter [tilespmem:s13], [sflag:$0x5], $0x4000, $0x38;
	[tilespmem:$0xF800] =	vst v63  }
0x10e: {  	_ =	swait.ge [sflag:s19], $0x4000  }
.Ltmp1:
0x10f: {  	[sflag:s19] =	ssyncset.done $0x0;
	(pc) =	sbr.rel @p1 .LBB2_4-.Ltmp1, $4  }
0x110: {  	s0 =	sadd.s32 $0x200, s0;
	[sflag:s19] =	ssyncadd.s32 $0xFFFFC000  }
0x111: {  	[tilespmem:s13], [sflag:$0x2] =	stream.indirect.gather [hbm4b:s1+s11], $0x80, s0, s11, $0xb8;
	[tilespmem:$0xF800] =	vst v63  }
0x112: {  	s28 =	sadd.s32 $0x3, s28;
	_ =	swait.ge [sflag:s20], $0x4000  }
0x113: {  	p2 =	sgt.u32 s28, $0x26;
	s24 =	sadd.s32 $0x1800, s24;
	[sflag:s20] =	ssyncset.done $0x0  }
0x114: {  	s0 =	simm.s32 @!p2 $0x6;
	[sflag:s20] =	ssyncadd.s32 $0xFFFFC000  }
0x115: {  	[hbm4b:s29+s3] =	stream.linear.scatter [tilespmem:s15], [sflag:$0x6], $0x4000, $0x38;
	[tilespmem:$0xF800] =	vst v63  }
0x116: {  	_ =	swait.ge @!p2 [sflag:s0], $0x4000  }
0x117: {  	s2 =	sshra.s32 @!p2 s25, $0x2;
	s26 =	simm.s32 @!p2 $0x9800;
	[sflag:s0] =	ssyncset.done @!p2 $0x0  }
0x118: {  	[sflag:s0] =	ssyncadd.s32 @!p2 $0xFFFFC000;
	s0 =	sadd.s32 @!p2 $0x100, s2;
	s2 =	simm.s32 @!p2 $0x80  }
0x119: {  	[tilespmem:s26], [sflag:$0x3] =	stream.indirect.gather @!p2 [hbm4b:s1+s2], $0x80, s0, s2, $0xb8;
	[tilespmem:$0xF800] =	vst v63  }
0x11a: {  	_ =	swait.ge [sflag:s16], $0x4000  }
0x11b: {  	[sflag:s16] =	ssyncset.done $0x0  }
0x11c: {  	s28 =	sadd.s32 $0xFFFFF000, s24;
	[sflag:s16] =	ssyncadd.s32 $0xFFFFC000  }
0x11d: {  	[hbm4b:s28+s3] =	stream.linear.scatter [tilespmem:s12], [sflag:$0x4], $0x4000, $0x38;
	[tilespmem:$0xF800] =	vst v63  }
0x11e: {  	_ =	swait.ge [sflag:s17], $0x4000  }
0x11f: {  	s29 =	sshra.s32 s25, $0x2;
	[sflag:s17] =	ssyncset.done $0x0  }
0x120: {  	s30 =	sadd.s32 $0x180, s29;
	[sflag:s17] =	ssyncadd.s32 $0xFFFFC000  }
0x121: {  	[tilespmem:s12], [sflag:$0x1] =	stream.indirect.gather [hbm4b:s1+s11], $0x80, s30, s11, $0xb8;
	[tilespmem:$0xF800] =	vst v63  }
0x122: {  	_ =	swait.ge [sflag:s18], $0x4000  }
0x123: {  	[sflag:s18] =	ssyncset.done $0x0  }
0x124: {  	s31 =	sadd.s32 $0xFFFFF800, s24;
	[sflag:s18] =	ssyncadd.s32 $0xFFFFC000  }
0x125: {  	[hbm4b:s31+s3] =	stream.linear.scatter [tilespmem:s13], [sflag:$0x5], $0x4000, $0x38;
	[tilespmem:$0xF800] =	vst v63  }
0x126: {  	_ =	swait.ge [sflag:s19], $0x4000  }
0x127: {  	[sflag:s19] =	ssyncset.done $0x0  }
0x128: {  	s0 =	sadd.s32 $0x200, s29;
	[sflag:s19] =	ssyncadd.s32 $0xFFFFC000  }
0x129: {  	[tilespmem:s13], [sflag:$0x2] =	stream.indirect.gather [hbm4b:s1+s11], $0x80, s0, s11, $0xb8;
	[tilespmem:$0xF800] =	vst v63  }
0x12a: {  	_ =	swait.ge [sflag:s20], $0x4000  }
0x12b: {  	[sflag:s20] =	ssyncset.done $0x0  }
0x12c: {  	[sflag:s20] =	ssyncadd.s32 $0xFFFFC000  }
0x12d: {  	[hbm4b:s24+s3] =	stream.linear.scatter [tilespmem:s15], [sflag:$0x6], $0x4000, $0x38;
	[tilespmem:$0xF800] =	vst v63  }
0x12e: {  	_ =	swait.ge [sflag:s21], $0x4000  }
0x12f: {  	[sflag:s21] =	ssyncset.done $0x0  }
0x130: {  	[sflag:s21] =	ssyncadd.s32 $0xFFFFC000  }
0x131: {  	[tilespmem:s15], [sflag:$0x3] =	stream.indirect.gather [hbm4b:s1+s11], $0x80, s22, s11, $0xb8;
	[tilespmem:$0xF800] =	vst v63  }
0x132: {  	_ =	swait.ge [sflag:s16], $0x4000  }
0x133: {  	[sflag:s16] =	ssyncset.done $0x0  }
0x134: {  	[sflag:s16] =	ssyncadd.s32 $0xFFFFC000  }
0x135: {  	[hbm4b:s6+s3] =	stream.linear.scatter [tilespmem:s12], [sflag:$0x4], $0x4000, $0x38;
	[tilespmem:$0xF800] =	vst v63  }
0x136: {  	_ =	swait.ge [sflag:s18], $0x4000  }
0x137: {  	[sflag:s18] =	ssyncset.done $0x0  }
0x138: {  	[sflag:s18] =	ssyncadd.s32 $0xFFFFC000  }
0x139: {  	[hbm4b:s7+s3] =	stream.linear.scatter [tilespmem:s13], [sflag:$0x5], $0x4000, $0x38;
	[tilespmem:$0xF800] =	vst v63  }
0x13a: {  	_ =	swait.ge [sflag:s20], $0x4000  }
0x13b: {  	[sflag:s20] =	ssyncset.done $0x0  }
0x13c: {  	[sflag:s20] =	ssyncadd.s32 $0xFFFFC000  }
0x13d: {  	[hbm4b:s8+s3] =	stream.linear.scatter [tilespmem:s15], [sflag:$0x6], $0x4000, $0x38;
	[tilespmem:$0xF800] =	vst v63  }
0x13e: {  	_ =	swait.ge [sflag:s17], $0x4000  }
0x13f: {  	[sflag:s17] =	ssyncset.done $0x0  }
0x140: {  	[sflag:s17] =	ssyncadd.s32 $0xFFFFC000  }
0x141: {  	_ =	swait.ge [sflag:s19], $0x4000  }
0x142: {  	[sflag:s19] =	ssyncset.done $0x0  }
0x143: {  	[sflag:s19] =	ssyncadd.s32 $0xFFFFC000  }
0x144: {  	_ =	swait.ge [sflag:s21], $0x4000  }
0x145: {  	s2 =	simm.s32 @p0 $0x1500;
	[sflag:s21] =	ssyncset.done $0x0  }
0x146: {  	s0 =	simm.s32 @p0 $0x40;
	s24 =	simm.s32 @p0 $0xD800;
	[sflag:s21] =	ssyncadd.s32 $0xFFFFC000  }
0x147: {  	[tilespmem:s24], [sflag:$0x7] =	stream.indirect.gather @p0 [hbm4b:s1+s0], $0x80, s2, s0, $0xb8;
	[tilespmem:$0xF800] =	vst v63  }
0x148: {  	s0 =	simm.s32 @p0 $0x7  }
0x149: {  	_ =	swait.ge @p0 [sflag:s0], $0x2000  }
0x14a: {  	[sflag:s0] =	ssyncset.done @p0 $0x0  }
0x14b: {  	[sflag:s0] =	ssyncadd.s32 @p0 $0xFFFFE000;
	s0 =	simm.s32 @p0 $0x0  }
0x14c: {  	[hbm4b:s4+s0] =	stream.linear.scatter @p0 [tilespmem:s24], [sflag:$0x8], $0x2000, $0x38;
	[tilespmem:$0xF800] =	vst v63  }
0x14d: {  	s0 =	simm.s32 @p0 $0x8  }
0x14e: {  	_ =	swait.ge @p0 [sflag:s0], $0x2000  }
0x14f: {  	s2 =	simm.s32 @!p0 $0x1500;
	[sflag:s0] =	ssyncset.done @p0 $0x0  }
0x150: {  	s24 =	simm.s32 @!p0 $0x1800;
	[sflag:s0] =	ssyncadd.s32 @p0 $0xFFFFE000;
	s0 =	simm.s32 @!p0 $0x80  }
0x151: {  	[tilespmem:s24], [sflag:$0x7] =	stream.indirect.gather @!p0 [hbm4b:s1+s0], $0x80, s2, s0, $0xb8;
	[tilespmem:$0xF800] =	vst v63  }
0x152: {  	s0 =	simm.s32 @!p0 $0x7  }
0x153: {  	_ =	swait.ge @!p0 [sflag:s0], $0x4000  }
0x154: {  	s23 =	sadd.s32 $0x1, s23;
	[sflag:s0] =	ssyncset.done @!p0 $0x0  }
0x155: {  	p1 =	sne.s32 s23, s5;
	[sflag:s0] =	ssyncadd.s32 @!p0 $0xFFFFC000;
	s0 =	simm.s32 @!p0 $0x0  }
0x156: {  	[hbm4b:s4+s0] =	stream.linear.scatter @!p0 [tilespmem:s24], [sflag:$0x8], $0x4000, $0x38;
	[tilespmem:$0xF800] =	vst v63  }
.Ltmp2:
0x157: {  	_ = 	snop;
	(pc) =	sbr.rel @p1 .LBB2_1-.Ltmp2, $4  }
0x158: {  	s0 =	simm.s32 @!p0 $0x8  }
0x159: {  	_ =	swait.ge @!p0 [sflag:s0], $0x4000  }
0x15a: {  	[sflag:s0] =	ssyncset.done @!p0 $0x0  }
0x15b: {  	[sflag:s0] =	ssyncadd.s32 @!p0 $0xFFFFC000  }
0x15c: {  	_ =	sfence.sel $0x180000  }
0x15d: {  	[bflag:$0x0] =	sbarrier.arrive $0xFFFF  }
0x15e: {  	_ =	strace $0x90000047  }
0x15f: {  	s0 =	stileid.u32;
	[bflag:$0x2] =	sbarrier.arrive $0xFFFF  }
0x160: {  	p0 =	sne.s32 s0, $0x0;
	s0 =	rddreg [dreg:$0x2]  }
0x161: {  	s0 =	sadd.s32 @!p0 $0x100000, s0  }
0x162: {  	[sflag:s0] =	ssyncadd.tile.s32 @!p0 $0x1;
	_ =	shalt  }
.Lfunc_end2:
_tile_overlayer_lowered:
.L_overlay_start_2:
0x163: {  	(tag) =	ssettag $0x2  }
0x164: {  	s0 =	rddreg [dreg:$0x0];
	s2 =	stileid.u32  }
0x165: {  	s1 =	rddreg [dreg:$0x1];
	p0 =	sne.s32 s2, $0x0  }
0x166: {  	s3 =	rddreg [dreg:$0x2];
	[bflag:$0x3] =	sbarrier.arrive $0xFFFF;
	s2 =	simm.s32 @!p0 $0x1C08  }
0x167: {  	[timem:s3], [sflag:s2] =	dma.local @!p0 [hbm:s0], s1  }
0x168: {  	s0 =	simm.s32 @!p0 $0x8  }
0x169: {  	_ =	swait.ge @!p0 [sflag:s0], s1  }
0x16a: {  	s1 =	ssub.s32 @!p0 $0x0, s1;
	[sflag:s0] =	ssyncset.done @!p0 $0x0  }
0x16b: {  	[sflag:s0] =	ssyncadd.s32 @!p0 s1  }
0x16c: {  	[bflag:$0x3] =	sbarrier.arrive $0xFFFF  }
0x16d: {  	_ =	shalt  }

</sc_bundles>
